<compile_context>
chip_gen: v7x
topology: tpu7x:2x2x1
jax: 0.10.2.dev20260603
libtpu: 0.0.44.dev20260713+nightly
codegen_flags: <defaults>
</compile_context>

<pallas_src>
import functools

import jax
import jax.numpy as jnp
from jax import lax
from jax.experimental import pallas as pl
from jax.experimental.pallas import tpu as pltpu
from jax.experimental.pallas import tpu_sc as plsc

N = 10000
NP = 10240
E = 320000
NWK = 32
EPT = E // NWK
K = 80
NWIN = EPT // K
RPT = NP // 16
D = 64

_mesh = plsc.VectorSubcoreMesh(core_axis_name="c", subcore_axis_name="s")
_sc_params = pltpu.CompilerParams(use_tc_tiling_on_sc=False)



def _sc_deg_body(dst_hbm, deg_hbm, di_v, ones_v, zrow_v, acc_sh, sem):
    cid = lax.axis_index("c")
    sid = lax.axis_index("s")
    tid = cid * 16 + sid

    def zfill(i, _):
        zrow_v[pl.ds(i * 16, 16)] = jnp.zeros((16,), jnp.float32)
        return 0

    lax.fori_loop(0, RPT // 16, zfill, 0)
    for i in range(K // 16):
        ones_v[pl.ds(i * 16, 16)] = jnp.ones((16,), jnp.float32)
    pltpu.sync_copy(zrow_v, acc_sh.at[pl.ds(sid * RPT, RPT)])
    pltpu.async_copy(dst_hbm.at[tid], di_v, sem).wait()
    plsc.subcore_barrier()

    CH = 25

    def body(c, _):
        def fire(w, _):
            pltpu.async_copy(ones_v, acc_sh.at[di_v.at[c * CH + w]], sem,
                             add=True)
            return 0

        lax.fori_loop(0, CH, fire, 0)

        def drain(w, _):
            pltpu.make_async_copy(ones_v, acc_sh.at[di_v.at[c * CH + w]],
                                  sem).wait()
            return 0

        lax.fori_loop(0, CH, drain, 0)
        return 0

    lax.fori_loop(0, NWIN // CH, body, 0)
    plsc.subcore_barrier()
    pltpu.sync_copy(acc_sh.at[pl.ds(sid * RPT, RPT)],
                    deg_hbm.at[cid, pl.ds(sid * RPT, RPT)])


_sc_deg = functools.partial(
    pl.kernel,
    out_type=jax.ShapeDtypeStruct((2, NP), jnp.float32),
    mesh=_mesh,
    scratch_types=[
        pltpu.VMEM((NWIN, K), jnp.int32),
        pltpu.VMEM((K,), jnp.float32),
        pltpu.VMEM((RPT,), jnp.float32),
        pltpu.VMEM_SHARED((NP,), jnp.float32),
        pltpu.SemaphoreType.DMA,
    ],
    compiler_params=_sc_params,
)(_sc_deg_body)


_NB = 5


def _sc_prop_body(y_hbm, src_hbm, dst_hbm, out_hbm,
                  si_v, di_v, rows0, rows1, rows2, rows3, rows4, zblk_v,
                  acc_sh, g0, g1, g2, g3, g4, s0, s1, s2, s3, s4, sem):
    cid = lax.axis_index("c")
    sid = lax.axis_index("s")
    tid = cid * 16 + sid
    rows = (rows0, rows1, rows2, rows3, rows4)
    gs = (g0, g1, g2, g3, g4)
    ss = (s0, s1, s2, s3, s4)

    def zfill(i, _):
        zblk_v[i // 4, pl.ds((i % 4) * 16, 16)] = jnp.zeros((16,), jnp.float32)
        return 0

    lax.fori_loop(0, RPT * (D // 16), zfill, 0)
    pltpu.sync_copy(zblk_v, acc_sh.at[pl.ds(sid * RPT, RPT)])
    pltpu.async_copy(src_hbm.at[tid], si_v, sem).wait()
    pltpu.async_copy(dst_hbm.at[tid], di_v, sem).wait()
    plsc.subcore_barrier()

    def gath(w, b):
        pltpu.async_copy(y_hbm.at[si_v.at[w]], rows[b], gs[b])

    def gwait(b):
        pltpu.make_async_copy(y_hbm.at[si_v.at[0]], rows[b], gs[b]).wait()

    def sstart(w, b):
        pltpu.async_copy(rows[b], acc_sh.at[di_v.at[w]], ss[b], add=True)

    def swait(b):
        pltpu.make_async_copy(rows[b], acc_sh.at[di_v.at[0]], ss[b]).wait()

    gath(0, 0)
    gath(1, 1)
    for w in (0, 1, 2):
        gwait(w % _NB)
        sstart(w, w % _NB)
        gath(w + 2, (w + 2) % _NB)

    def main(c, _):
        for j in range(_NB):
            b = (3 + j) % _NB
            w = 3 + _NB * c + j
            gwait(b)
            sstart(w, b)
            b2 = (b + 2) % _NB
            swait(b2)
            gath(w + 2, b2)
        return 0

    lax.fori_loop(0, (NWIN - _NB) // _NB, main, 0)
    for w in (NWIN - 2, NWIN - 1):
        b = w % _NB
        gwait(b)
        sstart(w, b)
        swait((b + 2) % _NB)
    for w in (NWIN - 3, NWIN - 2, NWIN - 1):
        swait(w % _NB)
    plsc.subcore_barrier()
    pltpu.sync_copy(acc_sh.at[pl.ds(sid * RPT, RPT)],
                    out_hbm.at[cid, pl.ds(sid * RPT, RPT)])


_sc_prop = functools.partial(
    pl.kernel,
    out_type=jax.ShapeDtypeStruct((2, NP, D), jnp.float32),
    mesh=_mesh,
    scratch_types=[
        pltpu.VMEM((NWIN, K), jnp.int32),
        pltpu.VMEM((NWIN, K), jnp.int32),
    ] + [pltpu.VMEM((K, D), jnp.float32) for _ in range(_NB)] + [
        pltpu.VMEM((RPT, D), jnp.float32),
        pltpu.VMEM_SHARED((NP, D), jnp.float32),
    ] + [pltpu.SemaphoreType.DMA for _ in range(2 * _NB + 1)],
    compiler_params=_sc_params,
)(_sc_prop_body)



_BLK = 1000


def _tc1_body(x_ref, w_ref, da_ref, db_ref, y1_ref, dinv_ref):
    deg = da_ref[0] + db_ref[0] + 1.0
    dinv = lax.rsqrt(deg)
    xw = jnp.dot(x_ref[...], w_ref[...], preferred_element_type=jnp.float32)
    y1_ref[...] = dinv * xw
    dinv_ref[...] = dinv


def _tc2_body(sa_ref, sb_ref, y1_ref, dinv_ref, b1_ref, wc_ref, y2_ref):
    dinv = dinv_ref[...]
    t = dinv * (sa_ref[0] + sb_ref[0] + y1_ref[...]) + b1_ref[...]
    h = jnp.maximum(t, 0.0)
    y2_ref[...] = dinv * jnp.dot(h, wc_ref[...], preferred_element_type=jnp.float32)


def _tc3_body(sa_ref, sb_ref, y2_ref, dinv_ref, bmu_ref, bvar_ref,
              mu_ref, lv_ref):
    s = dinv_ref[...] * (sa_ref[0] + sb_ref[0] + y2_ref[...])
    mu_ref[...] = s[:, :32] + bmu_ref[...]
    lv_ref[...] = s[:, 32:] + bvar_ref[...]


def _row_spec(cols):
    return pl.BlockSpec((_BLK, cols), lambda i: (i, 0))


def _half_spec(half, cols):
    return pl.BlockSpec((1, _BLK, cols), lambda i, h=half: (h, i, 0))




def _full_spec(rows, cols):
    return pl.BlockSpec((rows, cols), lambda i: (0, 0))


_tc1 = pl.pallas_call(
    _tc1_body,
    grid=(N // _BLK,),
    in_specs=[_row_spec(128), _full_spec(128, 64),
              _half_spec(0, 1), _half_spec(1, 1)],
    out_specs=[_row_spec(D), _row_spec(1)],
    out_shape=[jax.ShapeDtypeStruct((N, D), jnp.float32),
               jax.ShapeDtypeStruct((N, 1), jnp.float32)],
)

_tc2 = pl.pallas_call(
    _tc2_body,
    grid=(N // _BLK,),
    in_specs=[_half_spec(0, D), _half_spec(1, D), _row_spec(D), _row_spec(1),
              _full_spec(1, D), _full_spec(D, D)],
    out_specs=_row_spec(D),
    out_shape=jax.ShapeDtypeStruct((N, D), jnp.float32),
)

_tc3 = pl.pallas_call(
    _tc3_body,
    grid=(N // _BLK,),
    in_specs=[_half_spec(0, D), _half_spec(1, D), _row_spec(D), _row_spec(1),
              _full_spec(1, 32), _full_spec(1, 32)],
    out_specs=[_row_spec(32), _row_spec(32)],
    out_shape=[jax.ShapeDtypeStruct((N, 32), jnp.float32),
               jax.ShapeDtypeStruct((N, 32), jnp.float32)],
)


def kernel(x, edge_index, W1, b1, Wmu, bmu, Wvar, bvar):
    ei = edge_index.astype(jnp.int32)
    src3 = ei[0].reshape(NWK, NWIN, K)
    dst3 = ei[1].reshape(NWK, NWIN, K)

    deg = _sc_deg(dst3)
    deg3 = deg.reshape(2, NP, 1)
    y1, dinv = _tc1(x, W1, deg3, deg3)

    s1 = _sc_prop(y1, src3, dst3)
    wcat = jnp.concatenate([Wmu, Wvar], axis=1)
    y2 = _tc2(s1, s1, y1, dinv, b1.reshape(1, D), wcat)

    s2 = _sc_prop(y2, src3, dst3)
    mu, logvar = _tc3(s2, s2, y2, dinv,
                      bmu.reshape(1, 32), bvar.reshape(1, 32))
    return mu, logvar

# --- scband reference (transcript-rebuilt; emitter-appended) ---
"""Pipeline reference for scband-gcnencoder-7078106103847 (READ-ONLY COPY).

The authoritative reference and input builder live on the scoring server;
editing this copy changes nothing except your own understanding.
"""

import jax, jax.numpy as jnp
import numpy as np

N_NODES = 10000


def gcn_conv(x, edge_index, W, b, n):
    # GCNConv with add_self_loops=True, symmetric normalization, bias.
    src = edge_index[0]
    dst = edge_index[1]
    loop = jnp.arange(n, dtype=src.dtype)
    src = jnp.concatenate([src, loop])
    dst = jnp.concatenate([dst, loop])
    # linear transform first (as in PyG GCNConv)
    xw = x @ W
    # degree computed on dst (in-degree incl. self loops)
    deg = jax.ops.segment_sum(jnp.ones_like(dst, dtype=xw.dtype), dst, num_segments=n)
    deg_inv_sqrt = jnp.where(deg > 0, 1.0 / jnp.sqrt(deg), 0.0)
    norm = deg_inv_sqrt[src] * deg_inv_sqrt[dst]
    msg = xw[src] * norm[:, None]
    out = jax.ops.segment_sum(msg, dst, num_segments=n)
    return out + b


def setup_inputs(seed: int = 0) -> dict:
    key = jax.random.key(seed)
    k_x, k_ei, k1, k2, k3 = jax.random.split(key, 5)
    x = jax.random.normal(k_x, (N_NODES, 128), dtype=jnp.float32)
    edge_index = jax.random.randint(k_ei, (2, 320000), 0, N_NODES, dtype=jnp.int64)
    # glorot-style init for weights, zeros for bias (PyG defaults)
    def glorot(k, fan_in, fan_out):
        limit = np.sqrt(6.0 / (fan_in + fan_out))
        return jax.random.uniform(k, (fan_in, fan_out), minval=-limit, maxval=limit, dtype=jnp.float32)
    W1 = glorot(k1, 128, 64)
    b1 = jnp.zeros((64,), dtype=jnp.float32)
    Wmu = glorot(k2, 64, 32)
    bmu = jnp.zeros((32,), dtype=jnp.float32)
    Wvar = glorot(k3, 64, 32)
    bvar = jnp.zeros((32,), dtype=jnp.float32)
    return {"x": x, "edge_index": edge_index, "W1": W1, "b1": b1, "Wmu": Wmu, "bmu": bmu, "Wvar": Wvar, "bvar": bvar}


def reference(x, edge_index, W1, b1, Wmu, bmu, Wvar, bvar):
    n = x.shape[0]
    h = gcn_conv(x, edge_index, W1, b1, n)
    h = jax.nn.relu(h)
    # dropout p=0.1 is identity in eval mode
    mu = gcn_conv(h, edge_index, Wmu, bmu, n)
    logvar = gcn_conv(h, edge_index, Wvar, bvar, n)
    return (mu, logvar)

if __name__ == "__main__":
    import jax
    _d = setup_inputs()
    print(jax.jit(kernel)(*tuple(_d.values())))

</pallas_src>

<mosaic_0001>
#map = affine_map<(d0, d1) -> (0, 0, 0)>
#map1 = affine_map<(d0, d1) -> (0, 0)>
module attributes {stable_mosaic.version = 14 : i64} {
  func.func @_sc_deg_body(%arg0: i32, %arg1: i32, %arg2: memref<32x125x80xi32, #tpu.memory_space<hbm>>, %arg3: memref<2x10240xf32, #tpu.memory_space<hbm>>, %arg4: memref<125x80xi32, #tpu.memory_space<vmem>>, %arg5: memref<80xf32, #tpu.memory_space<vmem>>, %arg6: memref<640xf32, #tpu.memory_space<vmem>>, %arg7: memref<10240xf32, #tpu.memory_space<vmem_shared>>, %arg8: memref<!tpu.dma_semaphore, #tpu.memory_space<semaphore_mem>>) attributes {dimension_semantics = [#tpu.dimension_semantics<core_parallel>, #tpu.dimension_semantics<subcore_parallel>], iteration_bounds = array<i64: 2, 16>, scalar_prefetch = 0 : i64, scratch_operands = 5 : i64, tpu.core_type = #tpu.core_type<sc_vector_subcore>, window_params = [{transform_indices = #map}, {transform_indices = #map1}]} {
    %mul3A = arith.constant 16 : i32
    %mul3A_0 = arith.muli %arg0, %mul3A : i32
    %add3A = arith.addi %mul3A_0, %arg1 : i32
    %scan3A = arith.constant 0 : i32
    %scan3A_1 = arith.constant 0 : i32
    %scan3A_2 = arith.constant 40 : i32
    %scan3A_3 = arith.addi %scan3A_1, %scan3A_2 : i32
    %scan3A_4 = arith.constant 1 : i32
    %scan3A_5 = scf.for %scan3A_63 = %scan3A_1 to %scan3A_3 step %scan3A_4 iter_args(%scan3A_64 = %scan3A) -> (i32)  : i32 {
      %broadcast_in_dim3A_65 = arith.constant 0.000000e+00 : f32
      %broadcast_in_dim3A_66 = vector.broadcast %broadcast_in_dim3A_65 : f32 to vector<16xf32>
      %mul3A_67 = arith.constant 16 : i32
      %mul3A_68 = arith.muli %scan3A_63, %mul3A_67 : i32
      %swap3A_69 = arith.index_cast %mul3A_68 : i32 to index
      %swap3A_70 = tpu.vector_load %arg6[%swap3A_69] {strides = array<i32>} : memref<640xf32, #tpu.memory_space<vmem>>, vector<16xf32>,
      %swap3A_71 = vector.shape_cast %swap3A_70 : vector<16xf32> to vector<16xf32>
      %swap3A_72 = vector.shape_cast %broadcast_in_dim3A_66 : vector<16xf32> to vector<16xf32>
      tpu.vector_store %arg6[%swap3A_69], %swap3A_72 {strides = array<i32>} : memref<640xf32, #tpu.memory_space<vmem>>, vector<16xf32>,
      %scan3A_73 = arith.constant 0 : i32
      scf.yield %scan3A_73 : i32
    }
    %scan3A_6 = arith.constant 40 : i32
    %broadcast_in_dim3A = arith.constant 1.000000e+00 : f32
    %broadcast_in_dim3A_7 = vector.broadcast %broadcast_in_dim3A : f32 to vector<16xf32>
    %swap3A = arith.constant 0 : index
    %swap3A_8 = tpu.vector_load %arg5[%swap3A] {strides = array<i32>} : memref<80xf32, #tpu.memory_space<vmem>>, vector<16xf32>,
    %swap3A_9 = vector.shape_cast %swap3A_8 : vector<16xf32> to vector<16xf32>
    %swap3A_10 = vector.shape_cast %broadcast_in_dim3A_7 : vector<16xf32> to vector<16xf32>
    tpu.vector_store %arg5[%swap3A], %swap3A_10 {strides = array<i32>} : memref<80xf32, #tpu.memory_space<vmem>>, vector<16xf32>,
    %broadcast_in_dim3A_11 = arith.constant 1.000000e+00 : f32
    %broadcast_in_dim3A_12 = vector.broadcast %broadcast_in_dim3A_11 : f32 to vector<16xf32>
    %swap3A_13 = arith.constant 16 : index
    %swap3A_14 = tpu.vector_load %arg5[%swap3A_13] {strides = array<i32>} : memref<80xf32, #tpu.memory_space<vmem>>, vector<16xf32>,
    %swap3A_15 = vector.shape_cast %swap3A_14 : vector<16xf32> to vector<16xf32>
    %swap3A_16 = vector.shape_cast %broadcast_in_dim3A_12 : vector<16xf32> to vector<16xf32>
    tpu.vector_store %arg5[%swap3A_13], %swap3A_16 {strides = array<i32>} : memref<80xf32, #tpu.memory_space<vmem>>, vector<16xf32>,
    %broadcast_in_dim3A_17 = arith.constant 1.000000e+00 : f32
    %broadcast_in_dim3A_18 = vector.broadcast %broadcast_in_dim3A_17 : f32 to vector<16xf32>
    %swap3A_19 = arith.constant 32 : index
    %swap3A_20 = tpu.vector_load %arg5[%swap3A_19] {strides = array<i32>} : memref<80xf32, #tpu.memory_space<vmem>>, vector<16xf32>,
    %swap3A_21 = vector.shape_cast %swap3A_20 : vector<16xf32> to vector<16xf32>
    %swap3A_22 = vector.shape_cast %broadcast_in_dim3A_18 : vector<16xf32> to vector<16xf32>
    tpu.vector_store %arg5[%swap3A_19], %swap3A_22 {strides = array<i32>} : memref<80xf32, #tpu.memory_space<vmem>>, vector<16xf32>,
    %broadcast_in_dim3A_23 = arith.constant 1.000000e+00 : f32
    %broadcast_in_dim3A_24 = vector.broadcast %broadcast_in_dim3A_23 : f32 to vector<16xf32>
    %swap3A_25 = arith.constant 48 : index
    %swap3A_26 = tpu.vector_load %arg5[%swap3A_25] {strides = array<i32>} : memref<80xf32, #tpu.memory_space<vmem>>, vector<16xf32>,
    %swap3A_27 = vector.shape_cast %swap3A_26 : vector<16xf32> to vector<16xf32>
    %swap3A_28 = vector.shape_cast %broadcast_in_dim3A_24 : vector<16xf32> to vector<16xf32>
    tpu.vector_store %arg5[%swap3A_25], %swap3A_28 {strides = array<i32>} : memref<80xf32, #tpu.memory_space<vmem>>, vector<16xf32>,
    %broadcast_in_dim3A_29 = arith.constant 1.000000e+00 : f32
    %broadcast_in_dim3A_30 = vector.broadcast %broadcast_in_dim3A_29 : f32 to vector<16xf32>
    %swap3A_31 = arith.constant 64 : index
    %swap3A_32 = tpu.vector_load %arg5[%swap3A_31] {strides = array<i32>} : memref<80xf32, #tpu.memory_space<vmem>>, vector<16xf32>,
    %swap3A_33 = vector.shape_cast %swap3A_32 : vector<16xf32> to vector<16xf32>
    %swap3A_34 = vector.shape_cast %broadcast_in_dim3A_30 : vector<16xf32> to vector<16xf32>
    tpu.vector_store %arg5[%swap3A_31], %swap3A_34 {strides = array<i32>} : memref<80xf32, #tpu.memory_space<vmem>>, vector<16xf32>,
    %mul3A_35 = arith.constant 640 : i32
    %mul3A_36 = arith.muli %arg1, %mul3A_35 : i32
    "tpu.region"() ({
      %run_scoped3A = tpu.sem_alloc : memref<!tpu.dma_semaphore, #tpu.memory_space<semaphore_mem>>
      %dma_start3A_63 = tpu.memref_slice %arg7[%mul3A_36] : memref<10240xf32, #tpu.memory_space<vmem_shared>> -> memref<640xf32, #tpu.memory_space<vmem_shared>>
      %dma_start3A_64 = tpu.memref_slice %arg7[%mul3A_36] : memref<10240xf32, #tpu.memory_space<vmem_shared>> -> memref<640xf32, #tpu.memory_space<vmem_shared>>
      tpu.enqueue_dma source(%arg6 : memref<640xf32, #tpu.memory_space<vmem>>) target(%dma_start3A_64 : memref<640xf32, #tpu.memory_space<vmem_shared>>) target_semaphore(%run_scoped3A : memref<!tpu.dma_semaphore, #tpu.memory_space<semaphore_mem>>)
      %dma_wait3A_65 = tpu.memref_slice %arg7[%mul3A_36] : memref<10240xf32, #tpu.memory_space<vmem_shared>> -> memref<640xf32, #tpu.memory_space<vmem_shared>>
      %dma_wait3A_66 = tpu.memref_slice %arg7[%mul3A_36] : memref<10240xf32, #tpu.memory_space<vmem_shared>> -> memref<640xf32, #tpu.memory_space<vmem_shared>>
      tpu.wait_dma2 semaphore(%run_scoped3A : memref<!tpu.dma_semaphore, #tpu.memory_space<semaphore_mem>>) src(%arg6 : memref<640xf32, #tpu.memory_space<vmem>>) dst(%dma_wait3A_66 : memref<640xf32, #tpu.memory_space<vmem_shared>>)
      tpu.yield
    }) : () -> ()
    %dma_start3A = arith.constant 0 : i32
    %dma_start3A_37 = arith.constant 0 : i32
    %dma_start3A_38 = tpu.memref_slice %arg2[%add3A, %dma_start3A, %dma_start3A_37] : memref<32x125x80xi32, #tpu.memory_space<hbm>> -> memref<1x125x80xi32, #tpu.memory_space<hbm>>
    %dma_start3A_39 = tpu.memref_squeeze %dma_start3A_38 : memref<1x125x80xi32, #tpu.memory_space<hbm>> -> memref<125x80xi32, #tpu.memory_space<hbm>>
    %dma_start3A_40 = arith.constant 0 : i32
    %dma_start3A_41 = arith.constant 0 : i32
    %dma_start3A_42 = tpu.memref_slice %arg2[%add3A, %dma_start3A_40, %dma_start3A_41] : memref<32x125x80xi32, #tpu.memory_space<hbm>> -> memref<1x125x80xi32, #tpu.memory_space<hbm>>
    %dma_start3A_43 = tpu.memref_squeeze %dma_start3A_42 : memref<1x125x80xi32, #tpu.memory_space<hbm>> -> memref<125x80xi32, #tpu.memory_space<hbm>>
    tpu.enqueue_dma source(%dma_start3A_43 : memref<125x80xi32, #tpu.memory_space<hbm>>) target(%arg4 : memref<125x80xi32, #tpu.memory_space<vmem>>) target_semaphore(%arg8 : memref<!tpu.dma_semaphore, #tpu.memory_space<semaphore_mem>>)
    %dma_wait3A = arith.constant 0 : i32
    %dma_wait3A_44 = arith.constant 0 : i32
    %dma_wait3A_45 = tpu.memref_slice %arg2[%add3A, %dma_wait3A, %dma_wait3A_44] : memref<32x125x80xi32, #tpu.memory_space<hbm>> -> memref<1x125x80xi32, #tpu.memory_space<hbm>>
    %dma_wait3A_46 = tpu.memref_squeeze %dma_wait3A_45 : memref<1x125x80xi32, #tpu.memory_space<hbm>> -> memref<125x80xi32, #tpu.memory_space<hbm>>
    %dma_wait3A_47 = arith.constant 0 : i32
    %dma_wait3A_48 = arith.constant 0 : i32
    %dma_wait3A_49 = tpu.memref_slice %arg2[%add3A, %dma_wait3A_47, %dma_wait3A_48] : memref<32x125x80xi32, #tpu.memory_space<hbm>> -> memref<1x125x80xi32, #tpu.memory_space<hbm>>
    %dma_wait3A_50 = tpu.memref_squeeze %dma_wait3A_49 : memref<1x125x80xi32, #tpu.memory_space<hbm>> -> memref<125x80xi32, #tpu.memory_space<hbm>>
    tpu.wait_dma2 semaphore(%arg8 : memref<!tpu.dma_semaphore, #tpu.memory_space<semaphore_mem>>) src(%dma_wait3A_50 : memref<125x80xi32, #tpu.memory_space<hbm>>) dst(%arg4 : memref<125x80xi32, #tpu.memory_space<vmem>>)
    %barrier3A = arith.constant 0 : index
    tpu.barrier barrier_id(%barrier3A)
    %scan3A_51 = arith.constant 0 : i32
    %scan3A_52 = arith.constant 0 : i32
    %scan3A_53 = arith.constant 5 : i32
    %scan3A_54 = arith.addi %scan3A_52, %scan3A_53 : i32
    %scan3A_55 = arith.constant 1 : i32
    %scan3A_56 = scf.for %scan3A_63 = %scan3A_52 to %scan3A_54 step %scan3A_55 iter_args(%scan3A_64 = %scan3A_51) -> (i32)  : i32 {
      %scan3A_65 = arith.constant 0 : i32
      %scan3A_66 = arith.constant 0 : i32
      %scan3A_67 = arith.constant 25 : i32
      %scan3A_68 = arith.addi %scan3A_66, %scan3A_67 : i32
      %scan3A_69 = arith.constant 1 : i32
      %scan3A_70 = scf.for %scan3A_80 = %scan3A_66 to %scan3A_68 step %scan3A_69 iter_args(%scan3A_81 = %scan3A_65) -> (i32)  : i32 {
        %mul3A_82 = arith.constant 25 : i32
        %mul3A_83 = arith.muli %scan3A_63, %mul3A_82 : i32
        %add3A_84 = arith.addi %mul3A_83, %scan3A_80 : i32
        %dma_start3A_85 = arith.constant 0 : i32
        %dma_start3A_86 = tpu.memref_slice %arg4[%add3A_84, %dma_start3A_85] : memref<125x80xi32, #tpu.memory_space<vmem>> -> memref<1x80xi32, #tpu.memory_space<vmem>>
        %dma_start3A_87 = tpu.memref_squeeze %dma_start3A_86 : memref<1x80xi32, #tpu.memory_space<vmem>> -> memref<80xi32, #tpu.memory_space<vmem>>
        %dma_start3A_88 = arith.constant 0 : i32
        %dma_start3A_89 = tpu.memref_slice %arg7[%dma_start3A_88] : memref<10240xf32, #tpu.memory_space<vmem_shared>> -> memref<10240xf32, #tpu.memory_space<vmem_shared>>
        tpu.enqueue_indirect_dma source(%arg5 : memref<80xf32, #tpu.memory_space<vmem>>) target(%dma_start3A_89 : memref<10240xf32, #tpu.memory_space<vmem_shared>>) offsets(%dma_start3A_87 : memref<80xi32, #tpu.memory_space<vmem>>) semaphore(%arg8 : memref<!tpu.dma_semaphore, #tpu.memory_space<semaphore_mem>>) {add = true}
        %scan3A_90 = arith.constant 0 : i32
        scf.yield %scan3A_90 : i32
      }
      %scan3A_71 = arith.constant 25 : i32
      %scan3A_72 = arith.constant 0 : i32
      %scan3A_73 = arith.constant 0 : i32
      %scan3A_74 = arith.constant 25 : i32
      %scan3A_75 = arith.addi %scan3A_73, %scan3A_74 : i32
      %scan3A_76 = arith.constant 1 : i32
      %scan3A_77 = scf.for %scan3A_80 = %scan3A_73 to %scan3A_75 step %scan3A_76 iter_args(%scan3A_81 = %scan3A_72) -> (i32)  : i32 {
        %mul3A_82 = arith.constant 25 : i32
        %mul3A_83 = arith.muli %scan3A_63, %mul3A_82 : i32
        %add3A_84 = arith.addi %mul3A_83, %scan3A_80 : i32
        %dma_wait3A_85 = arith.constant 0 : i32
        %dma_wait3A_86 = tpu.memref_slice %arg4[%add3A_84, %dma_wait3A_85] : memref<125x80xi32, #tpu.memory_space<vmem>> -> memref<1x80xi32, #tpu.memory_space<vmem>>
        %dma_wait3A_87 = tpu.memref_squeeze %dma_wait3A_86 : memref<1x80xi32, #tpu.memory_space<vmem>> -> memref<80xi32, #tpu.memory_space<vmem>>
        %dma_wait3A_88 = arith.constant 0 : i32
        %dma_wait3A_89 = tpu.memref_slice %arg7[%dma_wait3A_88] : memref<10240xf32, #tpu.memory_space<vmem_shared>> -> memref<10240xf32, #tpu.memory_space<vmem_shared>>
        tpu.wait_indirect_dma semaphore(%arg8 : memref<!tpu.dma_semaphore, #tpu.memory_space<semaphore_mem>>) src(%arg5 : memref<80xf32, #tpu.memory_space<vmem>>) dst(%dma_wait3A_89 : memref<10240xf32, #tpu.memory_space<vmem_shared>>)
        %scan3A_90 = arith.constant 0 : i32
        scf.yield %scan3A_90 : i32
      }
      %scan3A_78 = arith.constant 25 : i32
      %scan3A_79 = arith.constant 0 : i32
      scf.yield %scan3A_79 : i32
    }
    %scan3A_57 = arith.constant 5 : i32
    %barrier3A_58 = arith.constant 0 : index
    tpu.barrier barrier_id(%barrier3A_58)
    %mul3A_59 = arith.constant 640 : i32
    %mul3A_60 = arith.muli %arg1, %mul3A_59 : i32
    %mul3A_61 = arith.constant 640 : i32
    %mul3A_62 = arith.muli %arg1, %mul3A_61 : i32
    "tpu.region"() ({
      %run_scoped3A = tpu.sem_alloc : memref<!tpu.dma_semaphore, #tpu.memory_space<semaphore_mem>>
      %dma_start3A_63 = tpu.memref_slice %arg3[%arg0, %mul3A_62] : memref<2x10240xf32, #tpu.memory_space<hbm>> -> memref<1x640xf32, #tpu.memory_space<hbm>>
      %dma_start3A_64 = tpu.memref_squeeze %dma_start3A_63 : memref<1x640xf32, #tpu.memory_space<hbm>> -> memref<640xf32, #tpu.memory_space<hbm>>
      %dma_start3A_65 = tpu.memref_slice %arg7[%mul3A_60] : memref<10240xf32, #tpu.memory_space<vmem_shared>> -> memref<640xf32, #tpu.memory_space<vmem_shared>>
      tpu.enqueue_dma source(%dma_start3A_65 : memref<640xf32, #tpu.memory_space<vmem_shared>>) target(%dma_start3A_64 : memref<640xf32, #tpu.memory_space<hbm>>) target_semaphore(%run_scoped3A : memref<!tpu.dma_semaphore, #tpu.memory_space<semaphore_mem>>)
      %dma_wait3A_66 = tpu.memref_slice %arg3[%arg0, %mul3A_62] : memref<2x10240xf32, #tpu.memory_space<hbm>> -> memref<1x640xf32, #tpu.memory_space<hbm>>
      %dma_wait3A_67 = tpu.memref_squeeze %dma_wait3A_66 : memref<1x640xf32, #tpu.memory_space<hbm>> -> memref<640xf32, #tpu.memory_space<hbm>>
      %dma_wait3A_68 = tpu.memref_slice %arg7[%mul3A_60] : memref<10240xf32, #tpu.memory_space<vmem_shared>> -> memref<640xf32, #tpu.memory_space<vmem_shared>>
      tpu.wait_dma2 semaphore(%run_scoped3A : memref<!tpu.dma_semaphore, #tpu.memory_space<semaphore_mem>>) src(%dma_wait3A_68 : memref<640xf32, #tpu.memory_space<vmem_shared>>) dst(%dma_wait3A_67 : memref<640xf32, #tpu.memory_space<hbm>>)
      tpu.yield
    }) : () -> ()
    return
  }
}

#map = affine_map<(d0, d1) -> (0, 0)>
#map1 = affine_map<(d0, d1) -> (0, 0, 0)>
module attributes {stable_mosaic.version = 14 : i64} {
  func.func @_sc_prop_body(%arg0: i32, %arg1: i32, %arg2: memref<10000x64xf32, #tpu.memory_space<hbm>>, %arg3: memref<32x125x80xi32, #tpu.memory_space<hbm>>, %arg4: memref<32x125x80xi32, #tpu.memory_space<hbm>>, %arg5: memref<2x10240x64xf32, #tpu.memory_space<hbm>>, %arg6: memref<125x80xi32, #tpu.memory_space<vmem>>, %arg7: memref<125x80xi32, #tpu.memory_space<vmem>>, %arg8: memref<80x64xf32, #tpu.memory_space<vmem>>, %arg9: memref<80x64xf32, #tpu.memory_space<vmem>>, %arg10: memref<80x64xf32, #tpu.memory_space<vmem>>, %arg11: memref<80x64xf32, #tpu.memory_space<vmem>>, %arg12: memref<80x64xf32, #tpu.memory_space<vmem>>, %arg13: memref<640x64xf32, #tpu.memory_space<vmem>>, %arg14: memref<10240x64xf32, #tpu.memory_space<vmem_shared>>, %arg15: memref<!tpu.dma_semaphore, #tpu.memory_space<semaphore_mem>>, %arg16: memref<!tpu.dma_semaphore, #tpu.memory_space<semaphore_mem>>, %arg17: memref<!tpu.dma_semaphore, #tpu.memory_space<semaphore_mem>>, %arg18: memref<!tpu.dma_semaphore, #tpu.memory_space<semaphore_mem>>, %arg19: memref<!tpu.dma_semaphore, #tpu.memory_space<semaphore_mem>>, %arg20: memref<!tpu.dma_semaphore, #tpu.memory_space<semaphore_mem>>, %arg21: memref<!tpu.dma_semaphore, #tpu.memory_space<semaphore_mem>>, %arg22: memref<!tpu.dma_semaphore, #tpu.memory_space<semaphore_mem>>, %arg23: memref<!tpu.dma_semaphore, #tpu.memory_space<semaphore_mem>>, %arg24: memref<!tpu.dma_semaphore, #tpu.memory_space<semaphore_mem>>, %arg25: memref<!tpu.dma_semaphore, #tpu.memory_space<semaphore_mem>>) attributes {dimension_semantics = [#tpu.dimension_semantics<core_parallel>, #tpu.dimension_semantics<subcore_parallel>], iteration_bounds = array<i64: 2, 16>, scalar_prefetch = 0 : i64, scratch_operands = 20 : i64, tpu.core_type = #tpu.core_type<sc_vector_subcore>, window_params = [{transform_indices = #map}, {transform_indices = #map1}, {transform_indices = #map1}, {transform_indices = #map1}]} {
    %mul3A = arith.constant 16 : i32
    %mul3A_0 = arith.muli %arg0, %mul3A : i32
    %add3A = arith.addi %mul3A_0, %arg1 : i32
    %scan3A = arith.constant 0 : i32
    %scan3A_1 = arith.constant 0 : i32
    %scan3A_2 = arith.constant 2560 : i32
    %scan3A_3 = arith.addi %scan3A_1, %scan3A_2 : i32
    %scan3A_4 = arith.constant 1 : i32
    %scan3A_5 = scf.for %scan3A_191 = %scan3A_1 to %scan3A_3 step %scan3A_4 iter_args(%scan3A_192 = %scan3A) -> (i32)  : i32 {
      %broadcast_in_dim3A = arith.constant 0.000000e+00 : f32
      %broadcast_in_dim3A_193 = vector.broadcast %broadcast_in_dim3A : f32 to vector<16xf32>
      %jit3A = arith.constant 4 : i32
      %div3A = arith.divsi %scan3A_191, %jit3A : i32
      %sign3A = arith.constant 0 : i32
      %sign3A_194 = arith.cmpi sgt, %scan3A_191, %sign3A : i32
      %sign3A_195 = arith.extui %sign3A_194 : i1 to i32
      %sign3A_196 = arith.constant 0 : i32
      %sign3A_197 = arith.cmpi slt, %scan3A_191, %sign3A_196 : i32
      %sign3A_198 = arith.extui %sign3A_197 : i1 to i32
      %sign3A_199 = arith.subi %sign3A_195, %sign3A_198 : i32
      %sign3A_200 = arith.constant 0 : i32
      %sign3A_201 = arith.cmpi sgt, %jit3A, %sign3A_200 : i32
      %sign3A_202 = arith.extui %sign3A_201 : i1 to i32
      %sign3A_203 = arith.constant 0 : i32
      %sign3A_204 = arith.cmpi slt, %jit3A, %sign3A_203 : i32
      %sign3A_205 = arith.extui %sign3A_204 : i1 to i32
      %sign3A_206 = arith.subi %sign3A_202, %sign3A_205 : i32
      %ne3A = arith.cmpi ne, %sign3A_199, %sign3A_206 : i32
      %rem3A = arith.remsi %scan3A_191, %jit3A : i32
      %ne3A_207 = arith.constant 0 : i32
      %ne3A_208 = arith.cmpi ne, %rem3A, %ne3A_207 : i32
      %and3A = arith.andi %ne3A, %ne3A_208 : i1
      %sub3A = arith.constant 1 : i32
      %sub3A_209 = arith.subi %div3A, %sub3A : i32
      %select_n3A = arith.select %and3A, %sub3A_209, %div3A : i32
      %jit3A_210 = arith.constant 4 : i32
      %eq3A = arith.constant 0 : i32
      %eq3A_211 = arith.cmpi eq, %jit3A_210, %eq3A : i32
      %jit3A_212 = arith.constant 1 : i32
      %select_n3A_213 = arith.select %eq3A_211, %jit3A_212, %jit3A_210 : i32
      %rem3A_214 = arith.remsi %scan3A_191, %select_n3A_213 : i32
      %ne3A_215 = arith.constant 0 : i32
      %ne3A_216 = arith.cmpi ne, %rem3A_214, %ne3A_215 : i32
      %lt3A = arith.constant 0 : i32
      %lt3A_217 = arith.cmpi slt, %rem3A_214, %lt3A : i32
      %lt3A_218 = arith.constant 0 : i32
      %lt3A_219 = arith.cmpi slt, %select_n3A_213, %lt3A_218 : i32
      %ne3A_220 = arith.xori %lt3A_217, %lt3A_219 : i1
      %and3A_221 = arith.andi %ne3A_220, %ne3A_216 : i1
      %add3A_222 = arith.addi %rem3A_214, %select_n3A_213 : i32
      %select_n3A_223 = arith.select %and3A_221, %add3A_222, %rem3A_214 : i32
      %mul3A_224 = arith.constant 16 : i32
      %mul3A_225 = arith.muli %select_n3A_223, %mul3A_224 : i32
      %swap3A = arith.index_cast %select_n3A : i32 to index
      %swap3A_226 = arith.index_cast %mul3A_225 : i32 to index
      %swap3A_227 = tpu.vector_load %arg13[%swap3A, %swap3A_226] {strides = array<i32>} : memref<640x64xf32, #tpu.memory_space<vmem>>, vector<1x16xf32>,
      %swap3A_228 = vector.shape_cast %swap3A_227 : vector<1x16xf32> to vector<16xf32>
      %swap3A_229 = vector.shape_cast %broadcast_in_dim3A_193 : vector<16xf32> to vector<1x16xf32>
      tpu.vector_store %arg13[%swap3A, %swap3A_226], %swap3A_229 {strides = array<i32>} : memref<640x64xf32, #tpu.memory_space<vmem>>, vector<1x16xf32>,
      %scan3A_230 = arith.constant 0 : i32
      scf.yield %scan3A_230 : i32
    }
    %scan3A_6 = arith.constant 2560 : i32
    %mul3A_7 = arith.constant 640 : i32
    %mul3A_8 = arith.muli %arg1, %mul3A_7 : i32
    "tpu.region"() ({
      %run_scoped3A = tpu.sem_alloc : memref<!tpu.dma_semaphore, #tpu.memory_space<semaphore_mem>>
      %dma_start3A_191 = arith.constant 0 : i32
      %dma_start3A_192 = tpu.memref_slice %arg14[%mul3A_8, %dma_start3A_191] : memref<10240x64xf32, #tpu.memory_space<vmem_shared>> -> memref<640x64xf32, #tpu.memory_space<vmem_shared>>
      %dma_start3A_193 = arith.constant 0 : i32
      %dma_start3A_194 = tpu.memref_slice %arg14[%mul3A_8, %dma_start3A_193] : memref<10240x64xf32, #tpu.memory_space<vmem_shared>> -> memref<640x64xf32, #tpu.memory_space<vmem_shared>>
      tpu.enqueue_dma source(%arg13 : memref<640x64xf32, #tpu.memory_space<vmem>>) target(%dma_start3A_194 : memref<640x64xf32, #tpu.memory_space<vmem_shared>>) target_semaphore(%run_scoped3A : memref<!tpu.dma_semaphore, #tpu.memory_space<semaphore_mem>>)
      %dma_wait3A_195 = arith.constant 0 : i32
      %dma_wait3A_196 = tpu.memref_slice %arg14[%mul3A_8, %dma_wait3A_195] : memref<10240x64xf32, #tpu.memory_space<vmem_shared>> -> memref<640x64xf32, #tpu.memory_space<vmem_shared>>
      %dma_wait3A_197 = arith.constant 0 : i32
      %dma_wait3A_198 = tpu.memref_slice %arg14[%mul3A_8, %dma_wait3A_197] : memref<10240x64xf32, #tpu.memory_space<vmem_shared>> -> memref<640x64xf32, #tpu.memory_space<vmem_shared>>
      tpu.wait_dma2 semaphore(%run_scoped3A : memref<!tpu.dma_semaphore, #tpu.memory_space<semaphore_mem>>) src(%arg13 : memref<640x64xf32, #tpu.memory_space<vmem>>) dst(%dma_wait3A_198 : memref<640x64xf32, #tpu.memory_space<vmem_shared>>)
      tpu.yield
    }) : () -> ()
    %dma_start3A = arith.constant 0 : i32
    %dma_start3A_9 = arith.constant 0 : i32
    %dma_start3A_10 = tpu.memref_slice %arg3[%add3A, %dma_start3A, %dma_start3A_9] : memref<32x125x80xi32, #tpu.memory_space<hbm>> -> memref<1x125x80xi32, #tpu.memory_space<hbm>>
    %dma_start3A_11 = tpu.memref_squeeze %dma_start3A_10 : memref<1x125x80xi32, #tpu.memory_space<hbm>> -> memref<125x80xi32, #tpu.memory_space<hbm>>
    %dma_start3A_12 = arith.constant 0 : i32
    %dma_start3A_13 = arith.constant 0 : i32
    %dma_start3A_14 = tpu.memref_slice %arg3[%add3A, %dma_start3A_12, %dma_start3A_13] : memref<32x125x80xi32, #tpu.memory_space<hbm>> -> memref<1x125x80xi32, #tpu.memory_space<hbm>>
    %dma_start3A_15 = tpu.memref_squeeze %dma_start3A_14 : memref<1x125x80xi32, #tpu.memory_space<hbm>> -> memref<125x80xi32, #tpu.memory_space<hbm>>
    tpu.enqueue_dma source(%dma_start3A_15 : memref<125x80xi32, #tpu.memory_space<hbm>>) target(%arg6 : memref<125x80xi32, #tpu.memory_space<vmem>>) target_semaphore(%arg25 : memref<!tpu.dma_semaphore, #tpu.memory_space<semaphore_mem>>)
    %dma_wait3A = arith.constant 0 : i32
    %dma_wait3A_16 = arith.constant 0 : i32
    %dma_wait3A_17 = tpu.memref_slice %arg3[%add3A, %dma_wait3A, %dma_wait3A_16] : memref<32x125x80xi32, #tpu.memory_space<hbm>> -> memref<1x125x80xi32, #tpu.memory_space<hbm>>
    %dma_wait3A_18 = tpu.memref_squeeze %dma_wait3A_17 : memref<1x125x80xi32, #tpu.memory_space<hbm>> -> memref<125x80xi32, #tpu.memory_space<hbm>>
    %dma_wait3A_19 = arith.constant 0 : i32
    %dma_wait3A_20 = arith.constant 0 : i32
    %dma_wait3A_21 = tpu.memref_slice %arg3[%add3A, %dma_wait3A_19, %dma_wait3A_20] : memref<32x125x80xi32, #tpu.memory_space<hbm>> -> memref<1x125x80xi32, #tpu.memory_space<hbm>>
    %dma_wait3A_22 = tpu.memref_squeeze %dma_wait3A_21 : memref<1x125x80xi32, #tpu.memory_space<hbm>> -> memref<125x80xi32, #tpu.memory_space<hbm>>
    tpu.wait_dma2 semaphore(%arg25 : memref<!tpu.dma_semaphore, #tpu.memory_space<semaphore_mem>>) src(%dma_wait3A_22 : memref<125x80xi32, #tpu.memory_space<hbm>>) dst(%arg6 : memref<125x80xi32, #tpu.memory_space<vmem>>)
    %dma_start3A_23 = arith.constant 0 : i32
    %dma_start3A_24 = arith.constant 0 : i32
    %dma_start3A_25 = tpu.memref_slice %arg4[%add3A, %dma_start3A_23, %dma_start3A_24] : memref<32x125x80xi32, #tpu.memory_space<hbm>> -> memref<1x125x80xi32, #tpu.memory_space<hbm>>
    %dma_start3A_26 = tpu.memref_squeeze %dma_start3A_25 : memref<1x125x80xi32, #tpu.memory_space<hbm>> -> memref<125x80xi32, #tpu.memory_space<hbm>>
    %dma_start3A_27 = arith.constant 0 : i32
    %dma_start3A_28 = arith.constant 0 : i32
    %dma_start3A_29 = tpu.memref_slice %arg4[%add3A, %dma_start3A_27, %dma_start3A_28] : memref<32x125x80xi32, #tpu.memory_space<hbm>> -> memref<1x125x80xi32, #tpu.memory_space<hbm>>
    %dma_start3A_30 = tpu.memref_squeeze %dma_start3A_29 : memref<1x125x80xi32, #tpu.memory_space<hbm>> -> memref<125x80xi32, #tpu.memory_space<hbm>>
    tpu.enqueue_dma source(%dma_start3A_30 : memref<125x80xi32, #tpu.memory_space<hbm>>) target(%arg7 : memref<125x80xi32, #tpu.memory_space<vmem>>) target_semaphore(%arg25 : memref<!tpu.dma_semaphore, #tpu.memory_space<semaphore_mem>>)
    %dma_wait3A_31 = arith.constant 0 : i32
    %dma_wait3A_32 = arith.constant 0 : i32
    %dma_wait3A_33 = tpu.memref_slice %arg4[%add3A, %dma_wait3A_31, %dma_wait3A_32] : memref<32x125x80xi32, #tpu.memory_space<hbm>> -> memref<1x125x80xi32, #tpu.memory_space<hbm>>
    %dma_wait3A_34 = tpu.memref_squeeze %dma_wait3A_33 : memref<1x125x80xi32, #tpu.memory_space<hbm>> -> memref<125x80xi32, #tpu.memory_space<hbm>>
    %dma_wait3A_35 = arith.constant 0 : i32
    %dma_wait3A_36 = arith.constant 0 : i32
    %dma_wait3A_37 = tpu.memref_slice %arg4[%add3A, %dma_wait3A_35, %dma_wait3A_36] : memref<32x125x80xi32, #tpu.memory_space<hbm>> -> memref<1x125x80xi32, #tpu.memory_space<hbm>>
    %dma_wait3A_38 = tpu.memref_squeeze %dma_wait3A_37 : memref<1x125x80xi32, #tpu.memory_space<hbm>> -> memref<125x80xi32, #tpu.memory_space<hbm>>
    tpu.wait_dma2 semaphore(%arg25 : memref<!tpu.dma_semaphore, #tpu.memory_space<semaphore_mem>>) src(%dma_wait3A_38 : memref<125x80xi32, #tpu.memory_space<hbm>>) dst(%arg7 : memref<125x80xi32, #tpu.memory_space<vmem>>)
    %barrier3A = arith.constant 0 : index
    tpu.barrier barrier_id(%barrier3A)
    %dma_start3A_39 = arith.constant 0 : i32
    %dma_start3A_40 = arith.constant 0 : i32
    %dma_start3A_41 = tpu.memref_slice %arg6[%dma_start3A_39, %dma_start3A_40] : memref<125x80xi32, #tpu.memory_space<vmem>> -> memref<1x80xi32, #tpu.memory_space<vmem>>
    %dma_start3A_42 = tpu.memref_squeeze %dma_start3A_41 : memref<1x80xi32, #tpu.memory_space<vmem>> -> memref<80xi32, #tpu.memory_space<vmem>>
    %dma_start3A_43 = arith.constant 0 : i32
    %dma_start3A_44 = arith.constant 0 : i32
    %dma_start3A_45 = tpu.memref_slice %arg2[%dma_start3A_43, %dma_start3A_44] : memref<10000x64xf32, #tpu.memory_space<hbm>> -> memref<10000x64xf32, #tpu.memory_space<hbm>>
    tpu.enqueue_indirect_dma source(%dma_start3A_45 : memref<10000x64xf32, #tpu.memory_space<hbm>>) target(%arg8 : memref<80x64xf32, #tpu.memory_space<vmem>>) offsets(%dma_start3A_42 : memref<80xi32, #tpu.memory_space<vmem>>) semaphore(%arg15 : memref<!tpu.dma_semaphore, #tpu.memory_space<semaphore_mem>>)
    %dma_start3A_46 = arith.constant 1 : i32
    %dma_start3A_47 = arith.constant 0 : i32
    %dma_start3A_48 = tpu.memref_slice %arg6[%dma_start3A_46, %dma_start3A_47] : memref<125x80xi32, #tpu.memory_space<vmem>> -> memref<1x80xi32, #tpu.memory_space<vmem>>
    %dma_start3A_49 = tpu.memref_squeeze %dma_start3A_48 : memref<1x80xi32, #tpu.memory_space<vmem>> -> memref<80xi32, #tpu.memory_space<vmem>>
    %dma_start3A_50 = arith.constant 0 : i32
    %dma_start3A_51 = arith.constant 0 : i32
    %dma_start3A_52 = tpu.memref_slice %arg2[%dma_start3A_50, %dma_start3A_51] : memref<10000x64xf32, #tpu.memory_space<hbm>> -> memref<10000x64xf32, #tpu.memory_space<hbm>>
    tpu.enqueue_indirect_dma source(%dma_start3A_52 : memref<10000x64xf32, #tpu.memory_space<hbm>>) target(%arg9 : memref<80x64xf32, #tpu.memory_space<vmem>>) offsets(%dma_start3A_49 : memref<80xi32, #tpu.memory_space<vmem>>) semaphore(%arg16 : memref<!tpu.dma_semaphore, #tpu.memory_space<semaphore_mem>>)
    %dma_wait3A_53 = arith.constant 0 : i32
    %dma_wait3A_54 = arith.constant 0 : i32
    %dma_wait3A_55 = tpu.memref_slice %arg6[%dma_wait3A_53, %dma_wait3A_54] : memref<125x80xi32, #tpu.memory_space<vmem>> -> memref<1x80xi32, #tpu.memory_space<vmem>>
    %dma_wait3A_56 = tpu.memref_squeeze %dma_wait3A_55 : memref<1x80xi32, #tpu.memory_space<vmem>> -> memref<80xi32, #tpu.memory_space<vmem>>
    %dma_wait3A_57 = arith.constant 0 : i32
    %dma_wait3A_58 = arith.constant 0 : i32
    %dma_wait3A_59 = tpu.memref_slice %arg2[%dma_wait3A_57, %dma_wait3A_58] : memref<10000x64xf32, #tpu.memory_space<hbm>> -> memref<10000x64xf32, #tpu.memory_space<hbm>>
    tpu.wait_indirect_dma semaphore(%arg15 : memref<!tpu.dma_semaphore, #tpu.memory_space<semaphore_mem>>) src(%dma_wait3A_59 : memref<10000x64xf32, #tpu.memory_space<hbm>>) dst(%arg8 : memref<80x64xf32, #tpu.memory_space<vmem>>)
    %dma_start3A_60 = arith.constant 0 : i32
    %dma_start3A_61 = arith.constant 0 : i32
    %dma_start3A_62 = tpu.memref_slice %arg7[%dma_start3A_60, %dma_start3A_61] : memref<125x80xi32, #tpu.memory_space<vmem>> -> memref<1x80xi32, #tpu.memory_space<vmem>>
    %dma_start3A_63 = tpu.memref_squeeze %dma_start3A_62 : memref<1x80xi32, #tpu.memory_space<vmem>> -> memref<80xi32, #tpu.memory_space<vmem>>
    %dma_start3A_64 = arith.constant 0 : i32
    %dma_start3A_65 = arith.constant 0 : i32
    %dma_start3A_66 = tpu.memref_slice %arg14[%dma_start3A_64, %dma_start3A_65] : memref<10240x64xf32, #tpu.memory_space<vmem_shared>> -> memref<10240x64xf32, #tpu.memory_space<vmem_shared>>
    tpu.enqueue_indirect_dma source(%arg8 : memref<80x64xf32, #tpu.memory_space<vmem>>) target(%dma_start3A_66 : memref<10240x64xf32, #tpu.memory_space<vmem_shared>>) offsets(%dma_start3A_63 : memref<80xi32, #tpu.memory_space<vmem>>) semaphore(%arg20 : memref<!tpu.dma_semaphore, #tpu.memory_space<semaphore_mem>>) {add = true}
    %dma_start3A_67 = arith.constant 2 : i32
    %dma_start3A_68 = arith.constant 0 : i32
    %dma_start3A_69 = tpu.memref_slice %arg6[%dma_start3A_67, %dma_start3A_68] : memref<125x80xi32, #tpu.memory_space<vmem>> -> memref<1x80xi32, #tpu.memory_space<vmem>>
    %dma_start3A_70 = tpu.memref_squeeze %dma_start3A_69 : memref<1x80xi32, #tpu.memory_space<vmem>> -> memref<80xi32, #tpu.memory_space<vmem>>
    %dma_start3A_71 = arith.constant 0 : i32
    %dma_start3A_72 = arith.constant 0 : i32
    %dma_start3A_73 = tpu.memref_slice %arg2[%dma_start3A_71, %dma_start3A_72] : memref<10000x64xf32, #tpu.memory_space<hbm>> -> memref<10000x64xf32, #tpu.memory_space<hbm>>
    tpu.enqueue_indirect_dma source(%dma_start3A_73 : memref<10000x64xf32, #tpu.memory_space<hbm>>) target(%arg10 : memref<80x64xf32, #tpu.memory_space<vmem>>) offsets(%dma_start3A_70 : memref<80xi32, #tpu.memory_space<vmem>>) semaphore(%arg17 : memref<!tpu.dma_semaphore, #tpu.memory_space<semaphore_mem>>)
    %dma_wait3A_74 = arith.constant 0 : i32
    %dma_wait3A_75 = arith.constant 0 : i32
    %dma_wait3A_76 = tpu.memref_slice %arg6[%dma_wait3A_74, %dma_wait3A_75] : memref<125x80xi32, #tpu.memory_space<vmem>> -> memref<1x80xi32, #tpu.memory_space<vmem>>
    %dma_wait3A_77 = tpu.memref_squeeze %dma_wait3A_76 : memref<1x80xi32, #tpu.memory_space<vmem>> -> memref<80xi32, #tpu.memory_space<vmem>>
    %dma_wait3A_78 = arith.constant 0 : i32
    %dma_wait3A_79 = arith.constant 0 : i32
    %dma_wait3A_80 = tpu.memref_slice %arg2[%dma_wait3A_78, %dma_wait3A_79] : memref<10000x64xf32, #tpu.memory_space<hbm>> -> memref<10000x64xf32, #tpu.memory_space<hbm>>
    tpu.wait_indirect_dma semaphore(%arg16 : memref<!tpu.dma_semaphore, #tpu.memory_space<semaphore_mem>>) src(%dma_wait3A_80 : memref<10000x64xf32, #tpu.memory_space<hbm>>) dst(%arg9 : memref<80x64xf32, #tpu.memory_space<vmem>>)
    %dma_start3A_81 = arith.constant 1 : i32
    %dma_start3A_82 = arith.constant 0 : i32
    %dma_start3A_83 = tpu.memref_slice %arg7[%dma_start3A_81, %dma_start3A_82] : memref<125x80xi32, #tpu.memory_space<vmem>> -> memref<1x80xi32, #tpu.memory_space<vmem>>
    %dma_start3A_84 = tpu.memref_squeeze %dma_start3A_83 : memref<1x80xi32, #tpu.memory_space<vmem>> -> memref<80xi32, #tpu.memory_space<vmem>>
    %dma_start3A_85 = arith.constant 0 : i32
    %dma_start3A_86 = arith.constant 0 : i32
    %dma_start3A_87 = tpu.memref_slice %arg14[%dma_start3A_85, %dma_start3A_86] : memref<10240x64xf32, #tpu.memory_space<vmem_shared>> -> memref<10240x64xf32, #tpu.memory_space<vmem_shared>>
    tpu.enqueue_indirect_dma source(%arg9 : memref<80x64xf32, #tpu.memory_space<vmem>>) target(%dma_start3A_87 : memref<10240x64xf32, #tpu.memory_space<vmem_shared>>) offsets(%dma_start3A_84 : memref<80xi32, #tpu.memory_space<vmem>>) semaphore(%arg21 : memref<!tpu.dma_semaphore, #tpu.memory_space<semaphore_mem>>) {add = true}
    %dma_start3A_88 = arith.constant 3 : i32
    %dma_start3A_89 = arith.constant 0 : i32
    %dma_start3A_90 = tpu.memref_slice %arg6[%dma_start3A_88, %dma_start3A_89] : memref<125x80xi32, #tpu.memory_space<vmem>> -> memref<1x80xi32, #tpu.memory_space<vmem>>
    %dma_start3A_91 = tpu.memref_squeeze %dma_start3A_90 : memref<1x80xi32, #tpu.memory_space<vmem>> -> memref<80xi32, #tpu.memory_space<vmem>>
    %dma_start3A_92 = arith.constant 0 : i32
    %dma_start3A_93 = arith.constant 0 : i32
    %dma_start3A_94 = tpu.memref_slice %arg2[%dma_start3A_92, %dma_start3A_93] : memref<10000x64xf32, #tpu.memory_space<hbm>> -> memref<10000x64xf32, #tpu.memory_space<hbm>>
    tpu.enqueue_indirect_dma source(%dma_start3A_94 : memref<10000x64xf32, #tpu.memory_space<hbm>>) target(%arg11 : memref<80x64xf32, #tpu.memory_space<vmem>>) offsets(%dma_start3A_91 : memref<80xi32, #tpu.memory_space<vmem>>) semaphore(%arg18 : memref<!tpu.dma_semaphore, #tpu.memory_space<semaphore_mem>>)
    %dma_wait3A_95 = arith.constant 0 : i32
    %dma_wait3A_96 = arith.constant 0 : i32
    %dma_wait3A_97 = tpu.memref_slice %arg6[%dma_wait3A_95, %dma_wait3A_96] : memref<125x80xi32, #tpu.memory_space<vmem>> -> memref<1x80xi32, #tpu.memory_space<vmem>>
    %dma_wait3A_98 = tpu.memref_squeeze %dma_wait3A_97 : memref<1x80xi32, #tpu.memory_space<vmem>> -> memref<80xi32, #tpu.memory_space<vmem>>
    %dma_wait3A_99 = arith.constant 0 : i32
    %dma_wait3A_100 = arith.constant 0 : i32
    %dma_wait3A_101 = tpu.memref_slice %arg2[%dma_wait3A_99, %dma_wait3A_100] : memref<10000x64xf32, #tpu.memory_space<hbm>> -> memref<10000x64xf32, #tpu.memory_space<hbm>>
    tpu.wait_indirect_dma semaphore(%arg17 : memref<!tpu.dma_semaphore, #tpu.memory_space<semaphore_mem>>) src(%dma_wait3A_101 : memref<10000x64xf32, #tpu.memory_space<hbm>>) dst(%arg10 : memref<80x64xf32, #tpu.memory_space<vmem>>)
    %dma_start3A_102 = arith.constant 2 : i32
    %dma_start3A_103 = arith.constant 0 : i32
    %dma_start3A_104 = tpu.memref_slice %arg7[%dma_start3A_102, %dma_start3A_103] : memref<125x80xi32, #tpu.memory_space<vmem>> -> memref<1x80xi32, #tpu.memory_space<vmem>>
    %dma_start3A_105 = tpu.memref_squeeze %dma_start3A_104 : memref<1x80xi32, #tpu.memory_space<vmem>> -> memref<80xi32, #tpu.memory_space<vmem>>
    %dma_start3A_106 = arith.constant 0 : i32
    %dma_start3A_107 = arith.constant 0 : i32
    %dma_start3A_108 = tpu.memref_slice %arg14[%dma_start3A_106, %dma_start3A_107] : memref<10240x64xf32, #tpu.memory_space<vmem_shared>> -> memref<10240x64xf32, #tpu.memory_space<vmem_shared>>
    tpu.enqueue_indirect_dma source(%arg10 : memref<80x64xf32, #tpu.memory_space<vmem>>) target(%dma_start3A_108 : memref<10240x64xf32, #tpu.memory_space<vmem_shared>>) offsets(%dma_start3A_105 : memref<80xi32, #tpu.memory_space<vmem>>) semaphore(%arg22 : memref<!tpu.dma_semaphore, #tpu.memory_space<semaphore_mem>>) {add = true}
    %dma_start3A_109 = arith.constant 4 : i32
    %dma_start3A_110 = arith.constant 0 : i32
    %dma_start3A_111 = tpu.memref_slice %arg6[%dma_start3A_109, %dma_start3A_110] : memref<125x80xi32, #tpu.memory_space<vmem>> -> memref<1x80xi32, #tpu.memory_space<vmem>>
    %dma_start3A_112 = tpu.memref_squeeze %dma_start3A_111 : memref<1x80xi32, #tpu.memory_space<vmem>> -> memref<80xi32, #tpu.memory_space<vmem>>
    %dma_start3A_113 = arith.constant 0 : i32
    %dma_start3A_114 = arith.constant 0 : i32
    %dma_start3A_115 = tpu.memref_slice %arg2[%dma_start3A_113, %dma_start3A_114] : memref<10000x64xf32, #tpu.memory_space<hbm>> -> memref<10000x64xf32, #tpu.memory_space<hbm>>
    tpu.enqueue_indirect_dma source(%dma_start3A_115 : memref<10000x64xf32, #tpu.memory_space<hbm>>) target(%arg12 : memref<80x64xf32, #tpu.memory_space<vmem>>) offsets(%dma_start3A_112 : memref<80xi32, #tpu.memory_space<vmem>>) semaphore(%arg19 : memref<!tpu.dma_semaphore, #tpu.memory_space<semaphore_mem>>)
    %scan3A_116 = arith.constant 0 : i32
    %scan3A_117 = arith.constant 0 : i32
    %scan3A_118 = arith.constant 24 : i32
    %scan3A_119 = arith.addi %scan3A_117, %scan3A_118 : i32
    %scan3A_120 = arith.constant 1 : i32
    %scan3A_121 = scf.for %scan3A_191 = %scan3A_117 to %scan3A_119 step %scan3A_120 iter_args(%scan3A_192 = %scan3A_116) -> (i32)  : i32 {
      %mul3A_193 = arith.constant 5 : i32
      %mul3A_194 = arith.muli %mul3A_193, %scan3A_191 : i32
      %add3A_195 = arith.constant 3 : i32
      %add3A_196 = arith.addi %add3A_195, %mul3A_194 : i32
      %add3A_197 = arith.constant 0 : i32
      %add3A_198 = arith.addi %add3A_196, %add3A_197 : i32
      %dma_wait3A_199 = arith.constant 0 : i32
      %dma_wait3A_200 = arith.constant 0 : i32
      %dma_wait3A_201 = tpu.memref_slice %arg6[%dma_wait3A_199, %dma_wait3A_200] : memref<125x80xi32, #tpu.memory_space<vmem>> -> memref<1x80xi32, #tpu.memory_space<vmem>>
      %dma_wait3A_202 = tpu.memref_squeeze %dma_wait3A_201 : memref<1x80xi32, #tpu.memory_space<vmem>> -> memref<80xi32, #tpu.memory_space<vmem>>
      %dma_wait3A_203 = arith.constant 0 : i32
      %dma_wait3A_204 = arith.constant 0 : i32
      %dma_wait3A_205 = tpu.memref_slice %arg2[%dma_wait3A_203, %dma_wait3A_204] : memref<10000x64xf32, #tpu.memory_space<hbm>> -> memref<10000x64xf32, #tpu.memory_space<hbm>>
      tpu.wait_indirect_dma semaphore(%arg18 : memref<!tpu.dma_semaphore, #tpu.memory_space<semaphore_mem>>) src(%dma_wait3A_205 : memref<10000x64xf32, #tpu.memory_space<hbm>>) dst(%arg11 : memref<80x64xf32, #tpu.memory_space<vmem>>)
      %dma_start3A_206 = arith.constant 0 : i32
      %dma_start3A_207 = tpu.memref_slice %arg7[%add3A_198, %dma_start3A_206] : memref<125x80xi32, #tpu.memory_space<vmem>> -> memref<1x80xi32, #tpu.memory_space<vmem>>
      %dma_start3A_208 = tpu.memref_squeeze %dma_start3A_207 : memref<1x80xi32, #tpu.memory_space<vmem>> -> memref<80xi32, #tpu.memory_space<vmem>>
      %dma_start3A_209 = arith.constant 0 : i32
      %dma_start3A_210 = arith.constant 0 : i32
      %dma_start3A_211 = tpu.memref_slice %arg14[%dma_start3A_209, %dma_start3A_210] : memref<10240x64xf32, #tpu.memory_space<vmem_shared>> -> memref<10240x64xf32, #tpu.memory_space<vmem_shared>>
      tpu.enqueue_indirect_dma source(%arg11 : memref<80x64xf32, #tpu.memory_space<vmem>>) target(%dma_start3A_211 : memref<10240x64xf32, #tpu.memory_space<vmem_shared>>) offsets(%dma_start3A_208 : memref<80xi32, #tpu.memory_space<vmem>>) semaphore(%arg23 : memref<!tpu.dma_semaphore, #tpu.memory_space<semaphore_mem>>) {add = true}
      %dma_wait3A_212 = arith.constant 0 : i32
      %dma_wait3A_213 = arith.constant 0 : i32
      %dma_wait3A_214 = tpu.memref_slice %arg7[%dma_wait3A_212, %dma_wait3A_213] : memref<125x80xi32, #tpu.memory_space<vmem>> -> memref<1x80xi32, #tpu.memory_space<vmem>>
      %dma_wait3A_215 = tpu.memref_squeeze %dma_wait3A_214 : memref<1x80xi32, #tpu.memory_space<vmem>> -> memref<80xi32, #tpu.memory_space<vmem>>
      %dma_wait3A_216 = arith.constant 0 : i32
      %dma_wait3A_217 = arith.constant 0 : i32
      %dma_wait3A_218 = tpu.memref_slice %arg14[%dma_wait3A_216, %dma_wait3A_217] : memref<10240x64xf32, #tpu.memory_space<vmem_shared>> -> memref<10240x64xf32, #tpu.memory_space<vmem_shared>>
      tpu.wait_indirect_dma semaphore(%arg20 : memref<!tpu.dma_semaphore, #tpu.memory_space<semaphore_mem>>) src(%arg8 : memref<80x64xf32, #tpu.memory_space<vmem>>) dst(%dma_wait3A_218 : memref<10240x64xf32, #tpu.memory_space<vmem_shared>>)
      %add3A_219 = arith.constant 2 : i32
      %add3A_220 = arith.addi %add3A_198, %add3A_219 : i32
      %dma_start3A_221 = arith.constant 0 : i32
      %dma_start3A_222 = tpu.memref_slice %arg6[%add3A_220, %dma_start3A_221] : memref<125x80xi32, #tpu.memory_space<vmem>> -> memref<1x80xi32, #tpu.memory_space<vmem>>
      %dma_start3A_223 = tpu.memref_squeeze %dma_start3A_222 : memref<1x80xi32, #tpu.memory_space<vmem>> -> memref<80xi32, #tpu.memory_space<vmem>>
      %dma_start3A_224 = arith.constant 0 : i32
      %dma_start3A_225 = arith.constant 0 : i32
      %dma_start3A_226 = tpu.memref_slice %arg2[%dma_start3A_224, %dma_start3A_225] : memref<10000x64xf32, #tpu.memory_space<hbm>> -> memref<10000x64xf32, #tpu.memory_space<hbm>>
      tpu.enqueue_indirect_dma source(%dma_start3A_226 : memref<10000x64xf32, #tpu.memory_space<hbm>>) target(%arg8 : memref<80x64xf32, #tpu.memory_space<vmem>>) offsets(%dma_start3A_223 : memref<80xi32, #tpu.memory_space<vmem>>) semaphore(%arg15 : memref<!tpu.dma_semaphore, #tpu.memory_space<semaphore_mem>>)
      %mul3A_227 = arith.constant 5 : i32
      %mul3A_228 = arith.muli %mul3A_227, %scan3A_191 : i32
      %add3A_229 = arith.constant 3 : i32
      %add3A_230 = arith.addi %add3A_229, %mul3A_228 : i32
      %add3A_231 = arith.constant 1 : i32
      %add3A_232 = arith.addi %add3A_230, %add3A_231 : i32
      %dma_wait3A_233 = arith.constant 0 : i32
      %dma_wait3A_234 = arith.constant 0 : i32
      %dma_wait3A_235 = tpu.memref_slice %arg6[%dma_wait3A_233, %dma_wait3A_234] : memref<125x80xi32, #tpu.memory_space<vmem>> -> memref<1x80xi32, #tpu.memory_space<vmem>>
      %dma_wait3A_236 = tpu.memref_squeeze %dma_wait3A_235 : memref<1x80xi32, #tpu.memory_space<vmem>> -> memref<80xi32, #tpu.memory_space<vmem>>
      %dma_wait3A_237 = arith.constant 0 : i32
      %dma_wait3A_238 = arith.constant 0 : i32
      %dma_wait3A_239 = tpu.memref_slice %arg2[%dma_wait3A_237, %dma_wait3A_238] : memref<10000x64xf32, #tpu.memory_space<hbm>> -> memref<10000x64xf32, #tpu.memory_space<hbm>>
      tpu.wait_indirect_dma semaphore(%arg19 : memref<!tpu.dma_semaphore, #tpu.memory_space<semaphore_mem>>) src(%dma_wait3A_239 : memref<10000x64xf32, #tpu.memory_space<hbm>>) dst(%arg12 : memref<80x64xf32, #tpu.memory_space<vmem>>)
      %dma_start3A_240 = arith.constant 0 : i32
      %dma_start3A_241 = tpu.memref_slice %arg7[%add3A_232, %dma_start3A_240] : memref<125x80xi32, #tpu.memory_space<vmem>> -> memref<1x80xi32, #tpu.memory_space<vmem>>
      %dma_start3A_242 = tpu.memref_squeeze %dma_start3A_241 : memref<1x80xi32, #tpu.memory_space<vmem>> -> memref<80xi32, #tpu.memory_space<vmem>>
      %dma_start3A_243 = arith.constant 0 : i32
      %dma_start3A_244 = arith.constant 0 : i32
      %dma_start3A_245 = tpu.memref_slice %arg14[%dma_start3A_243, %dma_start3A_244] : memref<10240x64xf32, #tpu.memory_space<vmem_shared>> -> memref<10240x64xf32, #tpu.memory_space<vmem_shared>>
      tpu.enqueue_indirect_dma source(%arg12 : memref<80x64xf32, #tpu.memory_space<vmem>>) target(%dma_start3A_245 : memref<10240x64xf32, #tpu.memory_space<vmem_shared>>) offsets(%dma_start3A_242 : memref<80xi32, #tpu.memory_space<vmem>>) semaphore(%arg24 : memref<!tpu.dma_semaphore, #tpu.memory_space<semaphore_mem>>) {add = true}
      %dma_wait3A_246 = arith.constant 0 : i32
      %dma_wait3A_247 = arith.constant 0 : i32
      %dma_wait3A_248 = tpu.memref_slice %arg7[%dma_wait3A_246, %dma_wait3A_247] : memref<125x80xi32, #tpu.memory_space<vmem>> -> memref<1x80xi32, #tpu.memory_space<vmem>>
      %dma_wait3A_249 = tpu.memref_squeeze %dma_wait3A_248 : memref<1x80xi32, #tpu.memory_space<vmem>> -> memref<80xi32, #tpu.memory_space<vmem>>
      %dma_wait3A_250 = arith.constant 0 : i32
      %dma_wait3A_251 = arith.constant 0 : i32
      %dma_wait3A_252 = tpu.memref_slice %arg14[%dma_wait3A_250, %dma_wait3A_251] : memref<10240x64xf32, #tpu.memory_space<vmem_shared>> -> memref<10240x64xf32, #tpu.memory_space<vmem_shared>>
      tpu.wait_indirect_dma semaphore(%arg21 : memref<!tpu.dma_semaphore, #tpu.memory_space<semaphore_mem>>) src(%arg9 : memref<80x64xf32, #tpu.memory_space<vmem>>) dst(%dma_wait3A_252 : memref<10240x64xf32, #tpu.memory_space<vmem_shared>>)
      %add3A_253 = arith.constant 2 : i32
      %add3A_254 = arith.addi %add3A_232, %add3A_253 : i32
      %dma_start3A_255 = arith.constant 0 : i32
      %dma_start3A_256 = tpu.memref_slice %arg6[%add3A_254, %dma_start3A_255] : memref<125x80xi32, #tpu.memory_space<vmem>> -> memref<1x80xi32, #tpu.memory_space<vmem>>
      %dma_start3A_257 = tpu.memref_squeeze %dma_start3A_256 : memref<1x80xi32, #tpu.memory_space<vmem>> -> memref<80xi32, #tpu.memory_space<vmem>>
      %dma_start3A_258 = arith.constant 0 : i32
      %dma_start3A_259 = arith.constant 0 : i32
      %dma_start3A_260 = tpu.memref_slice %arg2[%dma_start3A_258, %dma_start3A_259] : memref<10000x64xf32, #tpu.memory_space<hbm>> -> memref<10000x64xf32, #tpu.memory_space<hbm>>
      tpu.enqueue_indirect_dma source(%dma_start3A_260 : memref<10000x64xf32, #tpu.memory_space<hbm>>) target(%arg9 : memref<80x64xf32, #tpu.memory_space<vmem>>) offsets(%dma_start3A_257 : memref<80xi32, #tpu.memory_space<vmem>>) semaphore(%arg16 : memref<!tpu.dma_semaphore, #tpu.memory_space<semaphore_mem>>)
      %mul3A_261 = arith.constant 5 : i32
      %mul3A_262 = arith.muli %mul3A_261, %scan3A_191 : i32
      %add3A_263 = arith.constant 3 : i32
      %add3A_264 = arith.addi %add3A_263, %mul3A_262 : i32
      %add3A_265 = arith.constant 2 : i32
      %add3A_266 = arith.addi %add3A_264, %add3A_265 : i32
      %dma_wait3A_267 = arith.constant 0 : i32
      %dma_wait3A_268 = arith.constant 0 : i32
      %dma_wait3A_269 = tpu.memref_slice %arg6[%dma_wait3A_267, %dma_wait3A_268] : memref<125x80xi32, #tpu.memory_space<vmem>> -> memref<1x80xi32, #tpu.memory_space<vmem>>
      %dma_wait3A_270 = tpu.memref_squeeze %dma_wait3A_269 : memref<1x80xi32, #tpu.memory_space<vmem>> -> memref<80xi32, #tpu.memory_space<vmem>>
      %dma_wait3A_271 = arith.constant 0 : i32
      %dma_wait3A_272 = arith.constant 0 : i32
      %dma_wait3A_273 = tpu.memref_slice %arg2[%dma_wait3A_271, %dma_wait3A_272] : memref<10000x64xf32, #tpu.memory_space<hbm>> -> memref<10000x64xf32, #tpu.memory_space<hbm>>
      tpu.wait_indirect_dma semaphore(%arg15 : memref<!tpu.dma_semaphore, #tpu.memory_space<semaphore_mem>>) src(%dma_wait3A_273 : memref<10000x64xf32, #tpu.memory_space<hbm>>) dst(%arg8 : memref<80x64xf32, #tpu.memory_space<vmem>>)
      %dma_start3A_274 = arith.constant 0 : i32
      %dma_start3A_275 = tpu.memref_slice %arg7[%add3A_266, %dma_start3A_274] : memref<125x80xi32, #tpu.memory_space<vmem>> -> memref<1x80xi32, #tpu.memory_space<vmem>>
      %dma_start3A_276 = tpu.memref_squeeze %dma_start3A_275 : memref<1x80xi32, #tpu.memory_space<vmem>> -> memref<80xi32, #tpu.memory_space<vmem>>
      %dma_start3A_277 = arith.constant 0 : i32
      %dma_start3A_278 = arith.constant 0 : i32
      %dma_start3A_279 = tpu.memref_slice %arg14[%dma_start3A_277, %dma_start3A_278] : memref<10240x64xf32, #tpu.memory_space<vmem_shared>> -> memref<10240x64xf32, #tpu.memory_space<vmem_shared>>
      tpu.enqueue_indirect_dma source(%arg8 : memref<80x64xf32, #tpu.memory_space<vmem>>) target(%dma_start3A_279 : memref<10240x64xf32, #tpu.memory_space<vmem_shared>>) offsets(%dma_start3A_276 : memref<80xi32, #tpu.memory_space<vmem>>) semaphore(%arg20 : memref<!tpu.dma_semaphore, #tpu.memory_space<semaphore_mem>>) {add = true}
      %dma_wait3A_280 = arith.constant 0 : i32
      %dma_wait3A_281 = arith.constant 0 : i32
      %dma_wait3A_282 = tpu.memref_slice %arg7[%dma_wait3A_280, %dma_wait3A_281] : memref<125x80xi32, #tpu.memory_space<vmem>> -> memref<1x80xi32, #tpu.memory_space<vmem>>
      %dma_wait3A_283 = tpu.memref_squeeze %dma_wait3A_282 : memref<1x80xi32, #tpu.memory_space<vmem>> -> memref<80xi32, #tpu.memory_space<vmem>>
      %dma_wait3A_284 = arith.constant 0 : i32
      %dma_wait3A_285 = arith.constant 0 : i32
      %dma_wait3A_286 = tpu.memref_slice %arg14[%dma_wait3A_284, %dma_wait3A_285] : memref<10240x64xf32, #tpu.memory_space<vmem_shared>> -> memref<10240x64xf32, #tpu.memory_space<vmem_shared>>
      tpu.wait_indirect_dma semaphore(%arg22 : memref<!tpu.dma_semaphore, #tpu.memory_space<semaphore_mem>>) src(%arg10 : memref<80x64xf32, #tpu.memory_space<vmem>>) dst(%dma_wait3A_286 : memref<10240x64xf32, #tpu.memory_space<vmem_shared>>)
      %add3A_287 = arith.constant 2 : i32
      %add3A_288 = arith.addi %add3A_266, %add3A_287 : i32
      %dma_start3A_289 = arith.constant 0 : i32
      %dma_start3A_290 = tpu.memref_slice %arg6[%add3A_288, %dma_start3A_289] : memref<125x80xi32, #tpu.memory_space<vmem>> -> memref<1x80xi32, #tpu.memory_space<vmem>>
      %dma_start3A_291 = tpu.memref_squeeze %dma_start3A_290 : memref<1x80xi32, #tpu.memory_space<vmem>> -> memref<80xi32, #tpu.memory_space<vmem>>
      %dma_start3A_292 = arith.constant 0 : i32
      %dma_start3A_293 = arith.constant 0 : i32
      %dma_start3A_294 = tpu.memref_slice %arg2[%dma_start3A_292, %dma_start3A_293] : memref<10000x64xf32, #tpu.memory_space<hbm>> -> memref<10000x64xf32, #tpu.memory_space<hbm>>
      tpu.enqueue_indirect_dma source(%dma_start3A_294 : memref<10000x64xf32, #tpu.memory_space<hbm>>) target(%arg10 : memref<80x64xf32, #tpu.memory_space<vmem>>) offsets(%dma_start3A_291 : memref<80xi32, #tpu.memory_space<vmem>>) semaphore(%arg17 : memref<!tpu.dma_semaphore, #tpu.memory_space<semaphore_mem>>)
      %mul3A_295 = arith.constant 5 : i32
      %mul3A_296 = arith.muli %mul3A_295, %scan3A_191 : i32
      %add3A_297 = arith.constant 3 : i32
      %add3A_298 = arith.addi %add3A_297, %mul3A_296 : i32
      %add3A_299 = arith.constant 3 : i32
      %add3A_300 = arith.addi %add3A_298, %add3A_299 : i32
      %dma_wait3A_301 = arith.constant 0 : i32
      %dma_wait3A_302 = arith.constant 0 : i32
      %dma_wait3A_303 = tpu.memref_slice %arg6[%dma_wait3A_301, %dma_wait3A_302] : memref<125x80xi32, #tpu.memory_space<vmem>> -> memref<1x80xi32, #tpu.memory_space<vmem>>
      %dma_wait3A_304 = tpu.memref_squeeze %dma_wait3A_303 : memref<1x80xi32, #tpu.memory_space<vmem>> -> memref<80xi32, #tpu.memory_space<vmem>>
      %dma_wait3A_305 = arith.constant 0 : i32
      %dma_wait3A_306 = arith.constant 0 : i32
      %dma_wait3A_307 = tpu.memref_slice %arg2[%dma_wait3A_305, %dma_wait3A_306] : memref<10000x64xf32, #tpu.memory_space<hbm>> -> memref<10000x64xf32, #tpu.memory_space<hbm>>
      tpu.wait_indirect_dma semaphore(%arg16 : memref<!tpu.dma_semaphore, #tpu.memory_space<semaphore_mem>>) src(%dma_wait3A_307 : memref<10000x64xf32, #tpu.memory_space<hbm>>) dst(%arg9 : memref<80x64xf32, #tpu.memory_space<vmem>>)
      %dma_start3A_308 = arith.constant 0 : i32
      %dma_start3A_309 = tpu.memref_slice %arg7[%add3A_300, %dma_start3A_308] : memref<125x80xi32, #tpu.memory_space<vmem>> -> memref<1x80xi32, #tpu.memory_space<vmem>>
      %dma_start3A_310 = tpu.memref_squeeze %dma_start3A_309 : memref<1x80xi32, #tpu.memory_space<vmem>> -> memref<80xi32, #tpu.memory_space<vmem>>
      %dma_start3A_311 = arith.constant 0 : i32
      %dma_start3A_312 = arith.constant 0 : i32
      %dma_start3A_313 = tpu.memref_slice %arg14[%dma_start3A_311, %dma_start3A_312] : memref<10240x64xf32, #tpu.memory_space<vmem_shared>> -> memref<10240x64xf32, #tpu.memory_space<vmem_shared>>
      tpu.enqueue_indirect_dma source(%arg9 : memref<80x64xf32, #tpu.memory_space<vmem>>) target(%dma_start3A_313 : memref<10240x64xf32, #tpu.memory_space<vmem_shared>>) offsets(%dma_start3A_310 : memref<80xi32, #tpu.memory_space<vmem>>) semaphore(%arg21 : memref<!tpu.dma_semaphore, #tpu.memory_space<semaphore_mem>>) {add = true}
      %dma_wait3A_314 = arith.constant 0 : i32
      %dma_wait3A_315 = arith.constant 0 : i32
      %dma_wait3A_316 = tpu.memref_slice %arg7[%dma_wait3A_314, %dma_wait3A_315] : memref<125x80xi32, #tpu.memory_space<vmem>> -> memref<1x80xi32, #tpu.memory_space<vmem>>
      %dma_wait3A_317 = tpu.memref_squeeze %dma_wait3A_316 : memref<1x80xi32, #tpu.memory_space<vmem>> -> memref<80xi32, #tpu.memory_space<vmem>>
      %dma_wait3A_318 = arith.constant 0 : i32
      %dma_wait3A_319 = arith.constant 0 : i32
      %dma_wait3A_320 = tpu.memref_slice %arg14[%dma_wait3A_318, %dma_wait3A_319] : memref<10240x64xf32, #tpu.memory_space<vmem_shared>> -> memref<10240x64xf32, #tpu.memory_space<vmem_shared>>
      tpu.wait_indirect_dma semaphore(%arg23 : memref<!tpu.dma_semaphore, #tpu.memory_space<semaphore_mem>>) src(%arg11 : memref<80x64xf32, #tpu.memory_space<vmem>>) dst(%dma_wait3A_320 : memref<10240x64xf32, #tpu.memory_space<vmem_shared>>)
      %add3A_321 = arith.constant 2 : i32
      %add3A_322 = arith.addi %add3A_300, %add3A_321 : i32
      %dma_start3A_323 = arith.constant 0 : i32
      %dma_start3A_324 = tpu.memref_slice %arg6[%add3A_322, %dma_start3A_323] : memref<125x80xi32, #tpu.memory_space<vmem>> -> memref<1x80xi32, #tpu.memory_space<vmem>>
      %dma_start3A_325 = tpu.memref_squeeze %dma_start3A_324 : memref<1x80xi32, #tpu.memory_space<vmem>> -> memref<80xi32, #tpu.memory_space<vmem>>
      %dma_start3A_326 = arith.constant 0 : i32
      %dma_start3A_327 = arith.constant 0 : i32
      %dma_start3A_328 = tpu.memref_slice %arg2[%dma_start3A_326, %dma_start3A_327] : memref<10000x64xf32, #tpu.memory_space<hbm>> -> memref<10000x64xf32, #tpu.memory_space<hbm>>
      tpu.enqueue_indirect_dma source(%dma_start3A_328 : memref<10000x64xf32, #tpu.memory_space<hbm>>) target(%arg11 : memref<80x64xf32, #tpu.memory_space<vmem>>) offsets(%dma_start3A_325 : memref<80xi32, #tpu.memory_space<vmem>>) semaphore(%arg18 : memref<!tpu.dma_semaphore, #tpu.memory_space<semaphore_mem>>)
      %mul3A_329 = arith.constant 5 : i32
      %mul3A_330 = arith.muli %mul3A_329, %scan3A_191 : i32
      %add3A_331 = arith.constant 3 : i32
      %add3A_332 = arith.addi %add3A_331, %mul3A_330 : i32
      %add3A_333 = arith.constant 4 : i32
      %add3A_334 = arith.addi %add3A_332, %add3A_333 : i32
      %dma_wait3A_335 = arith.constant 0 : i32
      %dma_wait3A_336 = arith.constant 0 : i32
      %dma_wait3A_337 = tpu.memref_slice %arg6[%dma_wait3A_335, %dma_wait3A_336] : memref<125x80xi32, #tpu.memory_space<vmem>> -> memref<1x80xi32, #tpu.memory_space<vmem>>
      %dma_wait3A_338 = tpu.memref_squeeze %dma_wait3A_337 : memref<1x80xi32, #tpu.memory_space<vmem>> -> memref<80xi32, #tpu.memory_space<vmem>>
      %dma_wait3A_339 = arith.constant 0 : i32
      %dma_wait3A_340 = arith.constant 0 : i32
      %dma_wait3A_341 = tpu.memref_slice %arg2[%dma_wait3A_339, %dma_wait3A_340] : memref<10000x64xf32, #tpu.memory_space<hbm>> -> memref<10000x64xf32, #tpu.memory_space<hbm>>
      tpu.wait_indirect_dma semaphore(%arg17 : memref<!tpu.dma_semaphore, #tpu.memory_space<semaphore_mem>>) src(%dma_wait3A_341 : memref<10000x64xf32, #tpu.memory_space<hbm>>) dst(%arg10 : memref<80x64xf32, #tpu.memory_space<vmem>>)
      %dma_start3A_342 = arith.constant 0 : i32
      %dma_start3A_343 = tpu.memref_slice %arg7[%add3A_334, %dma_start3A_342] : memref<125x80xi32, #tpu.memory_space<vmem>> -> memref<1x80xi32, #tpu.memory_space<vmem>>
      %dma_start3A_344 = tpu.memref_squeeze %dma_start3A_343 : memref<1x80xi32, #tpu.memory_space<vmem>> -> memref<80xi32, #tpu.memory_space<vmem>>
      %dma_start3A_345 = arith.constant 0 : i32
      %dma_start3A_346 = arith.constant 0 : i32
      %dma_start3A_347 = tpu.memref_slice %arg14[%dma_start3A_345, %dma_start3A_346] : memref<10240x64xf32, #tpu.memory_space<vmem_shared>> -> memref<10240x64xf32, #tpu.memory_space<vmem_shared>>
      tpu.enqueue_indirect_dma source(%arg10 : memref<80x64xf32, #tpu.memory_space<vmem>>) target(%dma_start3A_347 : memref<10240x64xf32, #tpu.memory_space<vmem_shared>>) offsets(%dma_start3A_344 : memref<80xi32, #tpu.memory_space<vmem>>) semaphore(%arg22 : memref<!tpu.dma_semaphore, #tpu.memory_space<semaphore_mem>>) {add = true}
      %dma_wait3A_348 = arith.constant 0 : i32
      %dma_wait3A_349 = arith.constant 0 : i32
      %dma_wait3A_350 = tpu.memref_slice %arg7[%dma_wait3A_348, %dma_wait3A_349] : memref<125x80xi32, #tpu.memory_space<vmem>> -> memref<1x80xi32, #tpu.memory_space<vmem>>
      %dma_wait3A_351 = tpu.memref_squeeze %dma_wait3A_350 : memref<1x80xi32, #tpu.memory_space<vmem>> -> memref<80xi32, #tpu.memory_space<vmem>>
      %dma_wait3A_352 = arith.constant 0 : i32
      %dma_wait3A_353 = arith.constant 0 : i32
      %dma_wait3A_354 = tpu.memref_slice %arg14[%dma_wait3A_352, %dma_wait3A_353] : memref<10240x64xf32, #tpu.memory_space<vmem_shared>> -> memref<10240x64xf32, #tpu.memory_space<vmem_shared>>
      tpu.wait_indirect_dma semaphore(%arg24 : memref<!tpu.dma_semaphore, #tpu.memory_space<semaphore_mem>>) src(%arg12 : memref<80x64xf32, #tpu.memory_space<vmem>>) dst(%dma_wait3A_354 : memref<10240x64xf32, #tpu.memory_space<vmem_shared>>)
      %add3A_355 = arith.constant 2 : i32
      %add3A_356 = arith.addi %add3A_334, %add3A_355 : i32
      %dma_start3A_357 = arith.constant 0 : i32
      %dma_start3A_358 = tpu.memref_slice %arg6[%add3A_356, %dma_start3A_357] : memref<125x80xi32, #tpu.memory_space<vmem>> -> memref<1x80xi32, #tpu.memory_space<vmem>>
      %dma_start3A_359 = tpu.memref_squeeze %dma_start3A_358 : memref<1x80xi32, #tpu.memory_space<vmem>> -> memref<80xi32, #tpu.memory_space<vmem>>
      %dma_start3A_360 = arith.constant 0 : i32
      %dma_start3A_361 = arith.constant 0 : i32
      %dma_start3A_362 = tpu.memref_slice %arg2[%dma_start3A_360, %dma_start3A_361] : memref<10000x64xf32, #tpu.memory_space<hbm>> -> memref<10000x64xf32, #tpu.memory_space<hbm>>
      tpu.enqueue_indirect_dma source(%dma_start3A_362 : memref<10000x64xf32, #tpu.memory_space<hbm>>) target(%arg12 : memref<80x64xf32, #tpu.memory_space<vmem>>) offsets(%dma_start3A_359 : memref<80xi32, #tpu.memory_space<vmem>>) semaphore(%arg19 : memref<!tpu.dma_semaphore, #tpu.memory_space<semaphore_mem>>)
      %scan3A_363 = arith.constant 0 : i32
      scf.yield %scan3A_363 : i32
    }
    %scan3A_122 = arith.constant 24 : i32
    %dma_wait3A_123 = arith.constant 0 : i32
    %dma_wait3A_124 = arith.constant 0 : i32
    %dma_wait3A_125 = tpu.memref_slice %arg6[%dma_wait3A_123, %dma_wait3A_124] : memref<125x80xi32, #tpu.memory_space<vmem>> -> memref<1x80xi32, #tpu.memory_space<vmem>>
    %dma_wait3A_126 = tpu.memref_squeeze %dma_wait3A_125 : memref<1x80xi32, #tpu.memory_space<vmem>> -> memref<80xi32, #tpu.memory_space<vmem>>
    %dma_wait3A_127 = arith.constant 0 : i32
    %dma_wait3A_128 = arith.constant 0 : i32
    %dma_wait3A_129 = tpu.memref_slice %arg2[%dma_wait3A_127, %dma_wait3A_128] : memref<10000x64xf32, #tpu.memory_space<hbm>> -> memref<10000x64xf32, #tpu.memory_space<hbm>>
    tpu.wait_indirect_dma semaphore(%arg18 : memref<!tpu.dma_semaphore, #tpu.memory_space<semaphore_mem>>) src(%dma_wait3A_129 : memref<10000x64xf32, #tpu.memory_space<hbm>>) dst(%arg11 : memref<80x64xf32, #tpu.memory_space<vmem>>)
    %dma_start3A_130 = arith.constant 123 : i32
    %dma_start3A_131 = arith.constant 0 : i32
    %dma_start3A_132 = tpu.memref_slice %arg7[%dma_start3A_130, %dma_start3A_131] : memref<125x80xi32, #tpu.memory_space<vmem>> -> memref<1x80xi32, #tpu.memory_space<vmem>>
    %dma_start3A_133 = tpu.memref_squeeze %dma_start3A_132 : memref<1x80xi32, #tpu.memory_space<vmem>> -> memref<80xi32, #tpu.memory_space<vmem>>
    %dma_start3A_134 = arith.constant 0 : i32
    %dma_start3A_135 = arith.constant 0 : i32
    %dma_start3A_136 = tpu.memref_slice %arg14[%dma_start3A_134, %dma_start3A_135] : memref<10240x64xf32, #tpu.memory_space<vmem_shared>> -> memref<10240x64xf32, #tpu.memory_space<vmem_shared>>
    tpu.enqueue_indirect_dma source(%arg11 : memref<80x64xf32, #tpu.memory_space<vmem>>) target(%dma_start3A_136 : memref<10240x64xf32, #tpu.memory_space<vmem_shared>>) offsets(%dma_start3A_133 : memref<80xi32, #tpu.memory_space<vmem>>) semaphore(%arg23 : memref<!tpu.dma_semaphore, #tpu.memory_space<semaphore_mem>>) {add = true}
    %dma_wait3A_137 = arith.constant 0 : i32
    %dma_wait3A_138 = arith.constant 0 : i32
    %dma_wait3A_139 = tpu.memref_slice %arg7[%dma_wait3A_137, %dma_wait3A_138] : memref<125x80xi32, #tpu.memory_space<vmem>> -> memref<1x80xi32, #tpu.memory_space<vmem>>
    %dma_wait3A_140 = tpu.memref_squeeze %dma_wait3A_139 : memref<1x80xi32, #tpu.memory_space<vmem>> -> memref<80xi32, #tpu.memory_space<vmem>>
    %dma_wait3A_141 = arith.constant 0 : i32
    %dma_wait3A_142 = arith.constant 0 : i32
    %dma_wait3A_143 = tpu.memref_slice %arg14[%dma_wait3A_141, %dma_wait3A_142] : memref<10240x64xf32, #tpu.memory_space<vmem_shared>> -> memref<10240x64xf32, #tpu.memory_space<vmem_shared>>
    tpu.wait_indirect_dma semaphore(%arg20 : memref<!tpu.dma_semaphore, #tpu.memory_space<semaphore_mem>>) src(%arg8 : memref<80x64xf32, #tpu.memory_space<vmem>>) dst(%dma_wait3A_143 : memref<10240x64xf32, #tpu.memory_space<vmem_shared>>)
    %dma_wait3A_144 = arith.constant 0 : i32
    %dma_wait3A_145 = arith.constant 0 : i32
    %dma_wait3A_146 = tpu.memref_slice %arg6[%dma_wait3A_144, %dma_wait3A_145] : memref<125x80xi32, #tpu.memory_space<vmem>> -> memref<1x80xi32, #tpu.memory_space<vmem>>
    %dma_wait3A_147 = tpu.memref_squeeze %dma_wait3A_146 : memref<1x80xi32, #tpu.memory_space<vmem>> -> memref<80xi32, #tpu.memory_space<vmem>>
    %dma_wait3A_148 = arith.constant 0 : i32
    %dma_wait3A_149 = arith.constant 0 : i32
    %dma_wait3A_150 = tpu.memref_slice %arg2[%dma_wait3A_148, %dma_wait3A_149] : memref<10000x64xf32, #tpu.memory_space<hbm>> -> memref<10000x64xf32, #tpu.memory_space<hbm>>
    tpu.wait_indirect_dma semaphore(%arg19 : memref<!tpu.dma_semaphore, #tpu.memory_space<semaphore_mem>>) src(%dma_wait3A_150 : memref<10000x64xf32, #tpu.memory_space<hbm>>) dst(%arg12 : memref<80x64xf32, #tpu.memory_space<vmem>>)
    %dma_start3A_151 = arith.constant 124 : i32
    %dma_start3A_152 = arith.constant 0 : i32
    %dma_start3A_153 = tpu.memref_slice %arg7[%dma_start3A_151, %dma_start3A_152] : memref<125x80xi32, #tpu.memory_space<vmem>> -> memref<1x80xi32, #tpu.memory_space<vmem>>
    %dma_start3A_154 = tpu.memref_squeeze %dma_start3A_153 : memref<1x80xi32, #tpu.memory_space<vmem>> -> memref<80xi32, #tpu.memory_space<vmem>>
    %dma_start3A_155 = arith.constant 0 : i32
    %dma_start3A_156 = arith.constant 0 : i32
    %dma_start3A_157 = tpu.memref_slice %arg14[%dma_start3A_155, %dma_start3A_156] : memref<10240x64xf32, #tpu.memory_space<vmem_shared>> -> memref<10240x64xf32, #tpu.memory_space<vmem_shared>>
    tpu.enqueue_indirect_dma source(%arg12 : memref<80x64xf32, #tpu.memory_space<vmem>>) target(%dma_start3A_157 : memref<10240x64xf32, #tpu.memory_space<vmem_shared>>) offsets(%dma_start3A_154 : memref<80xi32, #tpu.memory_space<vmem>>) semaphore(%arg24 : memref<!tpu.dma_semaphore, #tpu.memory_space<semaphore_mem>>) {add = true}
    %dma_wait3A_158 = arith.constant 0 : i32
    %dma_wait3A_159 = arith.constant 0 : i32
    %dma_wait3A_160 = tpu.memref_slice %arg7[%dma_wait3A_158, %dma_wait3A_159] : memref<125x80xi32, #tpu.memory_space<vmem>> -> memref<1x80xi32, #tpu.memory_space<vmem>>
    %dma_wait3A_161 = tpu.memref_squeeze %dma_wait3A_160 : memref<1x80xi32, #tpu.memory_space<vmem>> -> memref<80xi32, #tpu.memory_space<vmem>>
    %dma_wait3A_162 = arith.constant 0 : i32
    %dma_wait3A_163 = arith.constant 0 : i32
    %dma_wait3A_164 = tpu.memref_slice %arg14[%dma_wait3A_162, %dma_wait3A_163] : memref<10240x64xf32, #tpu.memory_space<vmem_shared>> -> memref<10240x64xf32, #tpu.memory_space<vmem_shared>>
    tpu.wait_indirect_dma semaphore(%arg21 : memref<!tpu.dma_semaphore, #tpu.memory_space<semaphore_mem>>) src(%arg9 : memref<80x64xf32, #tpu.memory_space<vmem>>) dst(%dma_wait3A_164 : memref<10240x64xf32, #tpu.memory_space<vmem_shared>>)
    %dma_wait3A_165 = arith.constant 0 : i32
    %dma_wait3A_166 = arith.constant 0 : i32
    %dma_wait3A_167 = tpu.memref_slice %arg7[%dma_wait3A_165, %dma_wait3A_166] : memref<125x80xi32, #tpu.memory_space<vmem>> -> memref<1x80xi32, #tpu.memory_space<vmem>>
    %dma_wait3A_168 = tpu.memref_squeeze %dma_wait3A_167 : memref<1x80xi32, #tpu.memory_space<vmem>> -> memref<80xi32, #tpu.memory_space<vmem>>
    %dma_wait3A_169 = arith.constant 0 : i32
    %dma_wait3A_170 = arith.constant 0 : i32
    %dma_wait3A_171 = tpu.memref_slice %arg14[%dma_wait3A_169, %dma_wait3A_170] : memref<10240x64xf32, #tpu.memory_space<vmem_shared>> -> memref<10240x64xf32, #tpu.memory_space<vmem_shared>>
    tpu.wait_indirect_dma semaphore(%arg22 : memref<!tpu.dma_semaphore, #tpu.memory_space<semaphore_mem>>) src(%arg10 : memref<80x64xf32, #tpu.memory_space<vmem>>) dst(%dma_wait3A_171 : memref<10240x64xf32, #tpu.memory_space<vmem_shared>>)
    %dma_wait3A_172 = arith.constant 0 : i32
    %dma_wait3A_173 = arith.constant 0 : i32
    %dma_wait3A_174 = tpu.memref_slice %arg7[%dma_wait3A_172, %dma_wait3A_173] : memref<125x80xi32, #tpu.memory_space<vmem>> -> memref<1x80xi32, #tpu.memory_space<vmem>>
    %dma_wait3A_175 = tpu.memref_squeeze %dma_wait3A_174 : memref<1x80xi32, #tpu.memory_space<vmem>> -> memref<80xi32, #tpu.memory_space<vmem>>
    %dma_wait3A_176 = arith.constant 0 : i32
    %dma_wait3A_177 = arith.constant 0 : i32
    %dma_wait3A_178 = tpu.memref_slice %arg14[%dma_wait3A_176, %dma_wait3A_177] : memref<10240x64xf32, #tpu.memory_space<vmem_shared>> -> memref<10240x64xf32, #tpu.memory_space<vmem_shared>>
    tpu.wait_indirect_dma semaphore(%arg23 : memref<!tpu.dma_semaphore, #tpu.memory_space<semaphore_mem>>) src(%arg11 : memref<80x64xf32, #tpu.memory_space<vmem>>) dst(%dma_wait3A_178 : memref<10240x64xf32, #tpu.memory_space<vmem_shared>>)
    %dma_wait3A_179 = arith.constant 0 : i32
    %dma_wait3A_180 = arith.constant 0 : i32
    %dma_wait3A_181 = tpu.memref_slice %arg7[%dma_wait3A_179, %dma_wait3A_180] : memref<125x80xi32, #tpu.memory_space<vmem>> -> memref<1x80xi32, #tpu.memory_space<vmem>>
    %dma_wait3A_182 = tpu.memref_squeeze %dma_wait3A_181 : memref<1x80xi32, #tpu.memory_space<vmem>> -> memref<80xi32, #tpu.memory_space<vmem>>
    %dma_wait3A_183 = arith.constant 0 : i32
    %dma_wait3A_184 = arith.constant 0 : i32
    %dma_wait3A_185 = tpu.memref_slice %arg14[%dma_wait3A_183, %dma_wait3A_184] : memref<10240x64xf32, #tpu.memory_space<vmem_shared>> -> memref<10240x64xf32, #tpu.memory_space<vmem_shared>>
    tpu.wait_indirect_dma semaphore(%arg24 : memref<!tpu.dma_semaphore, #tpu.memory_space<semaphore_mem>>) src(%arg12 : memref<80x64xf32, #tpu.memory_space<vmem>>) dst(%dma_wait3A_185 : memref<10240x64xf32, #tpu.memory_space<vmem_shared>>)
    %barrier3A_186 = arith.constant 0 : index
    tpu.barrier barrier_id(%barrier3A_186)
    %mul3A_187 = arith.constant 640 : i32
    %mul3A_188 = arith.muli %arg1, %mul3A_187 : i32
    %mul3A_189 = arith.constant 640 : i32
    %mul3A_190 = arith.muli %arg1, %mul3A_189 : i32
    "tpu.region"() ({
      %run_scoped3A = tpu.sem_alloc : memref<!tpu.dma_semaphore, #tpu.memory_space<semaphore_mem>>
      %dma_start3A_191 = arith.constant 0 : i32
      %dma_start3A_192 = tpu.memref_slice %arg5[%arg0, %mul3A_190, %dma_start3A_191] : memref<2x10240x64xf32, #tpu.memory_space<hbm>> -> memref<1x640x64xf32, #tpu.memory_space<hbm>>
      %dma_start3A_193 = tpu.memref_squeeze %dma_start3A_192 : memref<1x640x64xf32, #tpu.memory_space<hbm>> -> memref<640x64xf32, #tpu.memory_space<hbm>>
      %dma_start3A_194 = arith.constant 0 : i32
      %dma_start3A_195 = tpu.memref_slice %arg14[%mul3A_188, %dma_start3A_194] : memref<10240x64xf32, #tpu.memory_space<vmem_shared>> -> memref<640x64xf32, #tpu.memory_space<vmem_shared>>
      tpu.enqueue_dma source(%dma_start3A_195 : memref<640x64xf32, #tpu.memory_space<vmem_shared>>) target(%dma_start3A_193 : memref<640x64xf32, #tpu.memory_space<hbm>>) target_semaphore(%run_scoped3A : memref<!tpu.dma_semaphore, #tpu.memory_space<semaphore_mem>>)
      %dma_wait3A_196 = arith.constant 0 : i32
      %dma_wait3A_197 = tpu.memref_slice %arg5[%arg0, %mul3A_190, %dma_wait3A_196] : memref<2x10240x64xf32, #tpu.memory_space<hbm>> -> memref<1x640x64xf32, #tpu.memory_space<hbm>>
      %dma_wait3A_198 = tpu.memref_squeeze %dma_wait3A_197 : memref<1x640x64xf32, #tpu.memory_space<hbm>> -> memref<640x64xf32, #tpu.memory_space<hbm>>
      %dma_wait3A_199 = arith.constant 0 : i32
      %dma_wait3A_200 = tpu.memref_slice %arg14[%mul3A_188, %dma_wait3A_199] : memref<10240x64xf32, #tpu.memory_space<vmem_shared>> -> memref<640x64xf32, #tpu.memory_space<vmem_shared>>
      tpu.wait_dma2 semaphore(%run_scoped3A : memref<!tpu.dma_semaphore, #tpu.memory_space<semaphore_mem>>) src(%dma_wait3A_200 : memref<640x64xf32, #tpu.memory_space<vmem_shared>>) dst(%dma_wait3A_198 : memref<640x64xf32, #tpu.memory_space<hbm>>)
      tpu.yield
    }) : () -> ()
    return
  }
}

#map = affine_map<(d0, d1) -> (0, 0)>
#map1 = affine_map<(d0, d1) -> (0, 0, 0)>
module attributes {stable_mosaic.version = 14 : i64} {
  func.func @_sc_prop_body(%arg0: i32, %arg1: i32, %arg2: memref<10000x64xf32, #tpu.memory_space<hbm>>, %arg3: memref<32x125x80xi32, #tpu.memory_space<hbm>>, %arg4: memref<32x125x80xi32, #tpu.memory_space<hbm>>, %arg5: memref<2x10240x64xf32, #tpu.memory_space<hbm>>, %arg6: memref<125x80xi32, #tpu.memory_space<vmem>>, %arg7: memref<125x80xi32, #tpu.memory_space<vmem>>, %arg8: memref<80x64xf32, #tpu.memory_space<vmem>>, %arg9: memref<80x64xf32, #tpu.memory_space<vmem>>, %arg10: memref<80x64xf32, #tpu.memory_space<vmem>>, %arg11: memref<80x64xf32, #tpu.memory_space<vmem>>, %arg12: memref<80x64xf32, #tpu.memory_space<vmem>>, %arg13: memref<640x64xf32, #tpu.memory_space<vmem>>, %arg14: memref<10240x64xf32, #tpu.memory_space<vmem_shared>>, %arg15: memref<!tpu.dma_semaphore, #tpu.memory_space<semaphore_mem>>, %arg16: memref<!tpu.dma_semaphore, #tpu.memory_space<semaphore_mem>>, %arg17: memref<!tpu.dma_semaphore, #tpu.memory_space<semaphore_mem>>, %arg18: memref<!tpu.dma_semaphore, #tpu.memory_space<semaphore_mem>>, %arg19: memref<!tpu.dma_semaphore, #tpu.memory_space<semaphore_mem>>, %arg20: memref<!tpu.dma_semaphore, #tpu.memory_space<semaphore_mem>>, %arg21: memref<!tpu.dma_semaphore, #tpu.memory_space<semaphore_mem>>, %arg22: memref<!tpu.dma_semaphore, #tpu.memory_space<semaphore_mem>>, %arg23: memref<!tpu.dma_semaphore, #tpu.memory_space<semaphore_mem>>, %arg24: memref<!tpu.dma_semaphore, #tpu.memory_space<semaphore_mem>>, %arg25: memref<!tpu.dma_semaphore, #tpu.memory_space<semaphore_mem>>) attributes {dimension_semantics = [#tpu.dimension_semantics<core_parallel>, #tpu.dimension_semantics<subcore_parallel>], iteration_bounds = array<i64: 2, 16>, scalar_prefetch = 0 : i64, scratch_operands = 20 : i64, tpu.core_type = #tpu.core_type<sc_vector_subcore>, window_params = [{transform_indices = #map}, {transform_indices = #map1}, {transform_indices = #map1}, {transform_indices = #map1}]} {
    %mul3A = arith.constant 16 : i32
    %mul3A_0 = arith.muli %arg0, %mul3A : i32
    %add3A = arith.addi %mul3A_0, %arg1 : i32
    %scan3A = arith.constant 0 : i32
    %scan3A_1 = arith.constant 0 : i32
    %scan3A_2 = arith.constant 2560 : i32
    %scan3A_3 = arith.addi %scan3A_1, %scan3A_2 : i32
    %scan3A_4 = arith.constant 1 : i32
    %scan3A_5 = scf.for %scan3A_191 = %scan3A_1 to %scan3A_3 step %scan3A_4 iter_args(%scan3A_192 = %scan3A) -> (i32)  : i32 {
      %broadcast_in_dim3A = arith.constant 0.000000e+00 : f32
      %broadcast_in_dim3A_193 = vector.broadcast %broadcast_in_dim3A : f32 to vector<16xf32>
      %jit3A = arith.constant 4 : i32
      %div3A = arith.divsi %scan3A_191, %jit3A : i32
      %sign3A = arith.constant 0 : i32
      %sign3A_194 = arith.cmpi sgt, %scan3A_191, %sign3A : i32
      %sign3A_195 = arith.extui %sign3A_194 : i1 to i32
      %sign3A_196 = arith.constant 0 : i32
      %sign3A_197 = arith.cmpi slt, %scan3A_191, %sign3A_196 : i32
      %sign3A_198 = arith.extui %sign3A_197 : i1 to i32
      %sign3A_199 = arith.subi %sign3A_195, %sign3A_198 : i32
      %sign3A_200 = arith.constant 0 : i32
      %sign3A_201 = arith.cmpi sgt, %jit3A, %sign3A_200 : i32
      %sign3A_202 = arith.extui %sign3A_201 : i1 to i32
      %sign3A_203 = arith.constant 0 : i32
      %sign3A_204 = arith.cmpi slt, %jit3A, %sign3A_203 : i32
      %sign3A_205 = arith.extui %sign3A_204 : i1 to i32
      %sign3A_206 = arith.subi %sign3A_202, %sign3A_205 : i32
      %ne3A = arith.cmpi ne, %sign3A_199, %sign3A_206 : i32
      %rem3A = arith.remsi %scan3A_191, %jit3A : i32
      %ne3A_207 = arith.constant 0 : i32
      %ne3A_208 = arith.cmpi ne, %rem3A, %ne3A_207 : i32
      %and3A = arith.andi %ne3A, %ne3A_208 : i1
      %sub3A = arith.constant 1 : i32
      %sub3A_209 = arith.subi %div3A, %sub3A : i32
      %select_n3A = arith.select %and3A, %sub3A_209, %div3A : i32
      %jit3A_210 = arith.constant 4 : i32
      %eq3A = arith.constant 0 : i32
      %eq3A_211 = arith.cmpi eq, %jit3A_210, %eq3A : i32
      %jit3A_212 = arith.constant 1 : i32
      %select_n3A_213 = arith.select %eq3A_211, %jit3A_212, %jit3A_210 : i32
      %rem3A_214 = arith.remsi %scan3A_191, %select_n3A_213 : i32
      %ne3A_215 = arith.constant 0 : i32
      %ne3A_216 = arith.cmpi ne, %rem3A_214, %ne3A_215 : i32
      %lt3A = arith.constant 0 : i32
      %lt3A_217 = arith.cmpi slt, %rem3A_214, %lt3A : i32
      %lt3A_218 = arith.constant 0 : i32
      %lt3A_219 = arith.cmpi slt, %select_n3A_213, %lt3A_218 : i32
      %ne3A_220 = arith.xori %lt3A_217, %lt3A_219 : i1
      %and3A_221 = arith.andi %ne3A_220, %ne3A_216 : i1
      %add3A_222 = arith.addi %rem3A_214, %select_n3A_213 : i32
      %select_n3A_223 = arith.select %and3A_221, %add3A_222, %rem3A_214 : i32
      %mul3A_224 = arith.constant 16 : i32
      %mul3A_225 = arith.muli %select_n3A_223, %mul3A_224 : i32
      %swap3A = arith.index_cast %select_n3A : i32 to index
      %swap3A_226 = arith.index_cast %mul3A_225 : i32 to index
      %swap3A_227 = tpu.vector_load %arg13[%swap3A, %swap3A_226] {strides = array<i32>} : memref<640x64xf32, #tpu.memory_space<vmem>>, vector<1x16xf32>,
      %swap3A_228 = vector.shape_cast %swap3A_227 : vector<1x16xf32> to vector<16xf32>
      %swap3A_229 = vector.shape_cast %broadcast_in_dim3A_193 : vector<16xf32> to vector<1x16xf32>
      tpu.vector_store %arg13[%swap3A, %swap3A_226], %swap3A_229 {strides = array<i32>} : memref<640x64xf32, #tpu.memory_space<vmem>>, vector<1x16xf32>,
      %scan3A_230 = arith.constant 0 : i32
      scf.yield %scan3A_230 : i32
    }
    %scan3A_6 = arith.constant 2560 : i32
    %mul3A_7 = arith.constant 640 : i32
    %mul3A_8 = arith.muli %arg1, %mul3A_7 : i32
    "tpu.region"() ({
      %run_scoped3A = tpu.sem_alloc : memref<!tpu.dma_semaphore, #tpu.memory_space<semaphore_mem>>
      %dma_start3A_191 = arith.constant 0 : i32
      %dma_start3A_192 = tpu.memref_slice %arg14[%mul3A_8, %dma_start3A_191] : memref<10240x64xf32, #tpu.memory_space<vmem_shared>> -> memref<640x64xf32, #tpu.memory_space<vmem_shared>>
      %dma_start3A_193 = arith.constant 0 : i32
      %dma_start3A_194 = tpu.memref_slice %arg14[%mul3A_8, %dma_start3A_193] : memref<10240x64xf32, #tpu.memory_space<vmem_shared>> -> memref<640x64xf32, #tpu.memory_space<vmem_shared>>
      tpu.enqueue_dma source(%arg13 : memref<640x64xf32, #tpu.memory_space<vmem>>) target(%dma_start3A_194 : memref<640x64xf32, #tpu.memory_space<vmem_shared>>) target_semaphore(%run_scoped3A : memref<!tpu.dma_semaphore, #tpu.memory_space<semaphore_mem>>)
      %dma_wait3A_195 = arith.constant 0 : i32
      %dma_wait3A_196 = tpu.memref_slice %arg14[%mul3A_8, %dma_wait3A_195] : memref<10240x64xf32, #tpu.memory_space<vmem_shared>> -> memref<640x64xf32, #tpu.memory_space<vmem_shared>>
      %dma_wait3A_197 = arith.constant 0 : i32
      %dma_wait3A_198 = tpu.memref_slice %arg14[%mul3A_8, %dma_wait3A_197] : memref<10240x64xf32, #tpu.memory_space<vmem_shared>> -> memref<640x64xf32, #tpu.memory_space<vmem_shared>>
      tpu.wait_dma2 semaphore(%run_scoped3A : memref<!tpu.dma_semaphore, #tpu.memory_space<semaphore_mem>>) src(%arg13 : memref<640x64xf32, #tpu.memory_space<vmem>>) dst(%dma_wait3A_198 : memref<640x64xf32, #tpu.memory_space<vmem_shared>>)
      tpu.yield
    }) : () -> ()
    %dma_start3A = arith.constant 0 : i32
    %dma_start3A_9 = arith.constant 0 : i32
    %dma_start3A_10 = tpu.memref_slice %arg3[%add3A, %dma_start3A, %dma_start3A_9] : memref<32x125x80xi32, #tpu.memory_space<hbm>> -> memref<1x125x80xi32, #tpu.memory_space<hbm>>
    %dma_start3A_11 = tpu.memref_squeeze %dma_start3A_10 : memref<1x125x80xi32, #tpu.memory_space<hbm>> -> memref<125x80xi32, #tpu.memory_space<hbm>>
    %dma_start3A_12 = arith.constant 0 : i32
    %dma_start3A_13 = arith.constant 0 : i32
    %dma_start3A_14 = tpu.memref_slice %arg3[%add3A, %dma_start3A_12, %dma_start3A_13] : memref<32x125x80xi32, #tpu.memory_space<hbm>> -> memref<1x125x80xi32, #tpu.memory_space<hbm>>
    %dma_start3A_15 = tpu.memref_squeeze %dma_start3A_14 : memref<1x125x80xi32, #tpu.memory_space<hbm>> -> memref<125x80xi32, #tpu.memory_space<hbm>>
    tpu.enqueue_dma source(%dma_start3A_15 : memref<125x80xi32, #tpu.memory_space<hbm>>) target(%arg6 : memref<125x80xi32, #tpu.memory_space<vmem>>) target_semaphore(%arg25 : memref<!tpu.dma_semaphore, #tpu.memory_space<semaphore_mem>>)
    %dma_wait3A = arith.constant 0 : i32
    %dma_wait3A_16 = arith.constant 0 : i32
    %dma_wait3A_17 = tpu.memref_slice %arg3[%add3A, %dma_wait3A, %dma_wait3A_16] : memref<32x125x80xi32, #tpu.memory_space<hbm>> -> memref<1x125x80xi32, #tpu.memory_space<hbm>>
    %dma_wait3A_18 = tpu.memref_squeeze %dma_wait3A_17 : memref<1x125x80xi32, #tpu.memory_space<hbm>> -> memref<125x80xi32, #tpu.memory_space<hbm>>
    %dma_wait3A_19 = arith.constant 0 : i32
    %dma_wait3A_20 = arith.constant 0 : i32
    %dma_wait3A_21 = tpu.memref_slice %arg3[%add3A, %dma_wait3A_19, %dma_wait3A_20] : memref<32x125x80xi32, #tpu.memory_space<hbm>> -> memref<1x125x80xi32, #tpu.memory_space<hbm>>
    %dma_wait3A_22 = tpu.memref_squeeze %dma_wait3A_21 : memref<1x125x80xi32, #tpu.memory_space<hbm>> -> memref<125x80xi32, #tpu.memory_space<hbm>>
    tpu.wait_dma2 semaphore(%arg25 : memref<!tpu.dma_semaphore, #tpu.memory_space<semaphore_mem>>) src(%dma_wait3A_22 : memref<125x80xi32, #tpu.memory_space<hbm>>) dst(%arg6 : memref<125x80xi32, #tpu.memory_space<vmem>>)
    %dma_start3A_23 = arith.constant 0 : i32
    %dma_start3A_24 = arith.constant 0 : i32
    %dma_start3A_25 = tpu.memref_slice %arg4[%add3A, %dma_start3A_23, %dma_start3A_24] : memref<32x125x80xi32, #tpu.memory_space<hbm>> -> memref<1x125x80xi32, #tpu.memory_space<hbm>>
    %dma_start3A_26 = tpu.memref_squeeze %dma_start3A_25 : memref<1x125x80xi32, #tpu.memory_space<hbm>> -> memref<125x80xi32, #tpu.memory_space<hbm>>
    %dma_start3A_27 = arith.constant 0 : i32
    %dma_start3A_28 = arith.constant 0 : i32
    %dma_start3A_29 = tpu.memref_slice %arg4[%add3A, %dma_start3A_27, %dma_start3A_28] : memref<32x125x80xi32, #tpu.memory_space<hbm>> -> memref<1x125x80xi32, #tpu.memory_space<hbm>>
    %dma_start3A_30 = tpu.memref_squeeze %dma_start3A_29 : memref<1x125x80xi32, #tpu.memory_space<hbm>> -> memref<125x80xi32, #tpu.memory_space<hbm>>
    tpu.enqueue_dma source(%dma_start3A_30 : memref<125x80xi32, #tpu.memory_space<hbm>>) target(%arg7 : memref<125x80xi32, #tpu.memory_space<vmem>>) target_semaphore(%arg25 : memref<!tpu.dma_semaphore, #tpu.memory_space<semaphore_mem>>)
    %dma_wait3A_31 = arith.constant 0 : i32
    %dma_wait3A_32 = arith.constant 0 : i32
    %dma_wait3A_33 = tpu.memref_slice %arg4[%add3A, %dma_wait3A_31, %dma_wait3A_32] : memref<32x125x80xi32, #tpu.memory_space<hbm>> -> memref<1x125x80xi32, #tpu.memory_space<hbm>>
    %dma_wait3A_34 = tpu.memref_squeeze %dma_wait3A_33 : memref<1x125x80xi32, #tpu.memory_space<hbm>> -> memref<125x80xi32, #tpu.memory_space<hbm>>
    %dma_wait3A_35 = arith.constant 0 : i32
    %dma_wait3A_36 = arith.constant 0 : i32
    %dma_wait3A_37 = tpu.memref_slice %arg4[%add3A, %dma_wait3A_35, %dma_wait3A_36] : memref<32x125x80xi32, #tpu.memory_space<hbm>> -> memref<1x125x80xi32, #tpu.memory_space<hbm>>
    %dma_wait3A_38 = tpu.memref_squeeze %dma_wait3A_37 : memref<1x125x80xi32, #tpu.memory_space<hbm>> -> memref<125x80xi32, #tpu.memory_space<hbm>>
    tpu.wait_dma2 semaphore(%arg25 : memref<!tpu.dma_semaphore, #tpu.memory_space<semaphore_mem>>) src(%dma_wait3A_38 : memref<125x80xi32, #tpu.memory_space<hbm>>) dst(%arg7 : memref<125x80xi32, #tpu.memory_space<vmem>>)
    %barrier3A = arith.constant 0 : index
    tpu.barrier barrier_id(%barrier3A)
    %dma_start3A_39 = arith.constant 0 : i32
    %dma_start3A_40 = arith.constant 0 : i32
    %dma_start3A_41 = tpu.memref_slice %arg6[%dma_start3A_39, %dma_start3A_40] : memref<125x80xi32, #tpu.memory_space<vmem>> -> memref<1x80xi32, #tpu.memory_space<vmem>>
    %dma_start3A_42 = tpu.memref_squeeze %dma_start3A_41 : memref<1x80xi32, #tpu.memory_space<vmem>> -> memref<80xi32, #tpu.memory_space<vmem>>
    %dma_start3A_43 = arith.constant 0 : i32
    %dma_start3A_44 = arith.constant 0 : i32
    %dma_start3A_45 = tpu.memref_slice %arg2[%dma_start3A_43, %dma_start3A_44] : memref<10000x64xf32, #tpu.memory_space<hbm>> -> memref<10000x64xf32, #tpu.memory_space<hbm>>
    tpu.enqueue_indirect_dma source(%dma_start3A_45 : memref<10000x64xf32, #tpu.memory_space<hbm>>) target(%arg8 : memref<80x64xf32, #tpu.memory_space<vmem>>) offsets(%dma_start3A_42 : memref<80xi32, #tpu.memory_space<vmem>>) semaphore(%arg15 : memref<!tpu.dma_semaphore, #tpu.memory_space<semaphore_mem>>)
    %dma_start3A_46 = arith.constant 1 : i32
    %dma_start3A_47 = arith.constant 0 : i32
    %dma_start3A_48 = tpu.memref_slice %arg6[%dma_start3A_46, %dma_start3A_47] : memref<125x80xi32, #tpu.memory_space<vmem>> -> memref<1x80xi32, #tpu.memory_space<vmem>>
    %dma_start3A_49 = tpu.memref_squeeze %dma_start3A_48 : memref<1x80xi32, #tpu.memory_space<vmem>> -> memref<80xi32, #tpu.memory_space<vmem>>
    %dma_start3A_50 = arith.constant 0 : i32
    %dma_start3A_51 = arith.constant 0 : i32
    %dma_start3A_52 = tpu.memref_slice %arg2[%dma_start3A_50, %dma_start3A_51] : memref<10000x64xf32, #tpu.memory_space<hbm>> -> memref<10000x64xf32, #tpu.memory_space<hbm>>
    tpu.enqueue_indirect_dma source(%dma_start3A_52 : memref<10000x64xf32, #tpu.memory_space<hbm>>) target(%arg9 : memref<80x64xf32, #tpu.memory_space<vmem>>) offsets(%dma_start3A_49 : memref<80xi32, #tpu.memory_space<vmem>>) semaphore(%arg16 : memref<!tpu.dma_semaphore, #tpu.memory_space<semaphore_mem>>)
    %dma_wait3A_53 = arith.constant 0 : i32
    %dma_wait3A_54 = arith.constant 0 : i32
    %dma_wait3A_55 = tpu.memref_slice %arg6[%dma_wait3A_53, %dma_wait3A_54] : memref<125x80xi32, #tpu.memory_space<vmem>> -> memref<1x80xi32, #tpu.memory_space<vmem>>
    %dma_wait3A_56 = tpu.memref_squeeze %dma_wait3A_55 : memref<1x80xi32, #tpu.memory_space<vmem>> -> memref<80xi32, #tpu.memory_space<vmem>>
    %dma_wait3A_57 = arith.constant 0 : i32
    %dma_wait3A_58 = arith.constant 0 : i32
    %dma_wait3A_59 = tpu.memref_slice %arg2[%dma_wait3A_57, %dma_wait3A_58] : memref<10000x64xf32, #tpu.memory_space<hbm>> -> memref<10000x64xf32, #tpu.memory_space<hbm>>
    tpu.wait_indirect_dma semaphore(%arg15 : memref<!tpu.dma_semaphore, #tpu.memory_space<semaphore_mem>>) src(%dma_wait3A_59 : memref<10000x64xf32, #tpu.memory_space<hbm>>) dst(%arg8 : memref<80x64xf32, #tpu.memory_space<vmem>>)
    %dma_start3A_60 = arith.constant 0 : i32
    %dma_start3A_61 = arith.constant 0 : i32
    %dma_start3A_62 = tpu.memref_slice %arg7[%dma_start3A_60, %dma_start3A_61] : memref<125x80xi32, #tpu.memory_space<vmem>> -> memref<1x80xi32, #tpu.memory_space<vmem>>
    %dma_start3A_63 = tpu.memref_squeeze %dma_start3A_62 : memref<1x80xi32, #tpu.memory_space<vmem>> -> memref<80xi32, #tpu.memory_space<vmem>>
    %dma_start3A_64 = arith.constant 0 : i32
    %dma_start3A_65 = arith.constant 0 : i32
    %dma_start3A_66 = tpu.memref_slice %arg14[%dma_start3A_64, %dma_start3A_65] : memref<10240x64xf32, #tpu.memory_space<vmem_shared>> -> memref<10240x64xf32, #tpu.memory_space<vmem_shared>>
    tpu.enqueue_indirect_dma source(%arg8 : memref<80x64xf32, #tpu.memory_space<vmem>>) target(%dma_start3A_66 : memref<10240x64xf32, #tpu.memory_space<vmem_shared>>) offsets(%dma_start3A_63 : memref<80xi32, #tpu.memory_space<vmem>>) semaphore(%arg20 : memref<!tpu.dma_semaphore, #tpu.memory_space<semaphore_mem>>) {add = true}
    %dma_start3A_67 = arith.constant 2 : i32
    %dma_start3A_68 = arith.constant 0 : i32
    %dma_start3A_69 = tpu.memref_slice %arg6[%dma_start3A_67, %dma_start3A_68] : memref<125x80xi32, #tpu.memory_space<vmem>> -> memref<1x80xi32, #tpu.memory_space<vmem>>
    %dma_start3A_70 = tpu.memref_squeeze %dma_start3A_69 : memref<1x80xi32, #tpu.memory_space<vmem>> -> memref<80xi32, #tpu.memory_space<vmem>>
    %dma_start3A_71 = arith.constant 0 : i32
    %dma_start3A_72 = arith.constant 0 : i32
    %dma_start3A_73 = tpu.memref_slice %arg2[%dma_start3A_71, %dma_start3A_72] : memref<10000x64xf32, #tpu.memory_space<hbm>> -> memref<10000x64xf32, #tpu.memory_space<hbm>>
    tpu.enqueue_indirect_dma source(%dma_start3A_73 : memref<10000x64xf32, #tpu.memory_space<hbm>>) target(%arg10 : memref<80x64xf32, #tpu.memory_space<vmem>>) offsets(%dma_start3A_70 : memref<80xi32, #tpu.memory_space<vmem>>) semaphore(%arg17 : memref<!tpu.dma_semaphore, #tpu.memory_space<semaphore_mem>>)
    %dma_wait3A_74 = arith.constant 0 : i32
    %dma_wait3A_75 = arith.constant 0 : i32
    %dma_wait3A_76 = tpu.memref_slice %arg6[%dma_wait3A_74, %dma_wait3A_75] : memref<125x80xi32, #tpu.memory_space<vmem>> -> memref<1x80xi32, #tpu.memory_space<vmem>>
    %dma_wait3A_77 = tpu.memref_squeeze %dma_wait3A_76 : memref<1x80xi32, #tpu.memory_space<vmem>> -> memref<80xi32, #tpu.memory_space<vmem>>
    %dma_wait3A_78 = arith.constant 0 : i32
    %dma_wait3A_79 = arith.constant 0 : i32
    %dma_wait3A_80 = tpu.memref_slice %arg2[%dma_wait3A_78, %dma_wait3A_79] : memref<10000x64xf32, #tpu.memory_space<hbm>> -> memref<10000x64xf32, #tpu.memory_space<hbm>>
    tpu.wait_indirect_dma semaphore(%arg16 : memref<!tpu.dma_semaphore, #tpu.memory_space<semaphore_mem>>) src(%dma_wait3A_80 : memref<10000x64xf32, #tpu.memory_space<hbm>>) dst(%arg9 : memref<80x64xf32, #tpu.memory_space<vmem>>)
    %dma_start3A_81 = arith.constant 1 : i32
    %dma_start3A_82 = arith.constant 0 : i32
    %dma_start3A_83 = tpu.memref_slice %arg7[%dma_start3A_81, %dma_start3A_82] : memref<125x80xi32, #tpu.memory_space<vmem>> -> memref<1x80xi32, #tpu.memory_space<vmem>>
    %dma_start3A_84 = tpu.memref_squeeze %dma_start3A_83 : memref<1x80xi32, #tpu.memory_space<vmem>> -> memref<80xi32, #tpu.memory_space<vmem>>
    %dma_start3A_85 = arith.constant 0 : i32
    %dma_start3A_86 = arith.constant 0 : i32
    %dma_start3A_87 = tpu.memref_slice %arg14[%dma_start3A_85, %dma_start3A_86] : memref<10240x64xf32, #tpu.memory_space<vmem_shared>> -> memref<10240x64xf32, #tpu.memory_space<vmem_shared>>
    tpu.enqueue_indirect_dma source(%arg9 : memref<80x64xf32, #tpu.memory_space<vmem>>) target(%dma_start3A_87 : memref<10240x64xf32, #tpu.memory_space<vmem_shared>>) offsets(%dma_start3A_84 : memref<80xi32, #tpu.memory_space<vmem>>) semaphore(%arg21 : memref<!tpu.dma_semaphore, #tpu.memory_space<semaphore_mem>>) {add = true}
    %dma_start3A_88 = arith.constant 3 : i32
    %dma_start3A_89 = arith.constant 0 : i32
    %dma_start3A_90 = tpu.memref_slice %arg6[%dma_start3A_88, %dma_start3A_89] : memref<125x80xi32, #tpu.memory_space<vmem>> -> memref<1x80xi32, #tpu.memory_space<vmem>>
    %dma_start3A_91 = tpu.memref_squeeze %dma_start3A_90 : memref<1x80xi32, #tpu.memory_space<vmem>> -> memref<80xi32, #tpu.memory_space<vmem>>
    %dma_start3A_92 = arith.constant 0 : i32
    %dma_start3A_93 = arith.constant 0 : i32
    %dma_start3A_94 = tpu.memref_slice %arg2[%dma_start3A_92, %dma_start3A_93] : memref<10000x64xf32, #tpu.memory_space<hbm>> -> memref<10000x64xf32, #tpu.memory_space<hbm>>
    tpu.enqueue_indirect_dma source(%dma_start3A_94 : memref<10000x64xf32, #tpu.memory_space<hbm>>) target(%arg11 : memref<80x64xf32, #tpu.memory_space<vmem>>) offsets(%dma_start3A_91 : memref<80xi32, #tpu.memory_space<vmem>>) semaphore(%arg18 : memref<!tpu.dma_semaphore, #tpu.memory_space<semaphore_mem>>)
    %dma_wait3A_95 = arith.constant 0 : i32
    %dma_wait3A_96 = arith.constant 0 : i32
    %dma_wait3A_97 = tpu.memref_slice %arg6[%dma_wait3A_95, %dma_wait3A_96] : memref<125x80xi32, #tpu.memory_space<vmem>> -> memref<1x80xi32, #tpu.memory_space<vmem>>
    %dma_wait3A_98 = tpu.memref_squeeze %dma_wait3A_97 : memref<1x80xi32, #tpu.memory_space<vmem>> -> memref<80xi32, #tpu.memory_space<vmem>>
    %dma_wait3A_99 = arith.constant 0 : i32
    %dma_wait3A_100 = arith.constant 0 : i32
    %dma_wait3A_101 = tpu.memref_slice %arg2[%dma_wait3A_99, %dma_wait3A_100] : memref<10000x64xf32, #tpu.memory_space<hbm>> -> memref<10000x64xf32, #tpu.memory_space<hbm>>
    tpu.wait_indirect_dma semaphore(%arg17 : memref<!tpu.dma_semaphore, #tpu.memory_space<semaphore_mem>>) src(%dma_wait3A_101 : memref<10000x64xf32, #tpu.memory_space<hbm>>) dst(%arg10 : memref<80x64xf32, #tpu.memory_space<vmem>>)
    %dma_start3A_102 = arith.constant 2 : i32
    %dma_start3A_103 = arith.constant 0 : i32
    %dma_start3A_104 = tpu.memref_slice %arg7[%dma_start3A_102, %dma_start3A_103] : memref<125x80xi32, #tpu.memory_space<vmem>> -> memref<1x80xi32, #tpu.memory_space<vmem>>
    %dma_start3A_105 = tpu.memref_squeeze %dma_start3A_104 : memref<1x80xi32, #tpu.memory_space<vmem>> -> memref<80xi32, #tpu.memory_space<vmem>>
    %dma_start3A_106 = arith.constant 0 : i32
    %dma_start3A_107 = arith.constant 0 : i32
    %dma_start3A_108 = tpu.memref_slice %arg14[%dma_start3A_106, %dma_start3A_107] : memref<10240x64xf32, #tpu.memory_space<vmem_shared>> -> memref<10240x64xf32, #tpu.memory_space<vmem_shared>>
    tpu.enqueue_indirect_dma source(%arg10 : memref<80x64xf32, #tpu.memory_space<vmem>>) target(%dma_start3A_108 : memref<10240x64xf32, #tpu.memory_space<vmem_shared>>) offsets(%dma_start3A_105 : memref<80xi32, #tpu.memory_space<vmem>>) semaphore(%arg22 : memref<!tpu.dma_semaphore, #tpu.memory_space<semaphore_mem>>) {add = true}
    %dma_start3A_109 = arith.constant 4 : i32
    %dma_start3A_110 = arith.constant 0 : i32
    %dma_start3A_111 = tpu.memref_slice %arg6[%dma_start3A_109, %dma_start3A_110] : memref<125x80xi32, #tpu.memory_space<vmem>> -> memref<1x80xi32, #tpu.memory_space<vmem>>
    %dma_start3A_112 = tpu.memref_squeeze %dma_start3A_111 : memref<1x80xi32, #tpu.memory_space<vmem>> -> memref<80xi32, #tpu.memory_space<vmem>>
    %dma_start3A_113 = arith.constant 0 : i32
    %dma_start3A_114 = arith.constant 0 : i32
    %dma_start3A_115 = tpu.memref_slice %arg2[%dma_start3A_113, %dma_start3A_114] : memref<10000x64xf32, #tpu.memory_space<hbm>> -> memref<10000x64xf32, #tpu.memory_space<hbm>>
    tpu.enqueue_indirect_dma source(%dma_start3A_115 : memref<10000x64xf32, #tpu.memory_space<hbm>>) target(%arg12 : memref<80x64xf32, #tpu.memory_space<vmem>>) offsets(%dma_start3A_112 : memref<80xi32, #tpu.memory_space<vmem>>) semaphore(%arg19 : memref<!tpu.dma_semaphore, #tpu.memory_space<semaphore_mem>>)
    %scan3A_116 = arith.constant 0 : i32
    %scan3A_117 = arith.constant 0 : i32
    %scan3A_118 = arith.constant 24 : i32
    %scan3A_119 = arith.addi %scan3A_117, %scan3A_118 : i32
    %scan3A_120 = arith.constant 1 : i32
    %scan3A_121 = scf.for %scan3A_191 = %scan3A_117 to %scan3A_119 step %scan3A_120 iter_args(%scan3A_192 = %scan3A_116) -> (i32)  : i32 {
      %mul3A_193 = arith.constant 5 : i32
      %mul3A_194 = arith.muli %mul3A_193, %scan3A_191 : i32
      %add3A_195 = arith.constant 3 : i32
      %add3A_196 = arith.addi %add3A_195, %mul3A_194 : i32
      %add3A_197 = arith.constant 0 : i32
      %add3A_198 = arith.addi %add3A_196, %add3A_197 : i32
      %dma_wait3A_199 = arith.constant 0 : i32
      %dma_wait3A_200 = arith.constant 0 : i32
      %dma_wait3A_201 = tpu.memref_slice %arg6[%dma_wait3A_199, %dma_wait3A_200] : memref<125x80xi32, #tpu.memory_space<vmem>> -> memref<1x80xi32, #tpu.memory_space<vmem>>
      %dma_wait3A_202 = tpu.memref_squeeze %dma_wait3A_201 : memref<1x80xi32, #tpu.memory_space<vmem>> -> memref<80xi32, #tpu.memory_space<vmem>>
      %dma_wait3A_203 = arith.constant 0 : i32
      %dma_wait3A_204 = arith.constant 0 : i32
      %dma_wait3A_205 = tpu.memref_slice %arg2[%dma_wait3A_203, %dma_wait3A_204] : memref<10000x64xf32, #tpu.memory_space<hbm>> -> memref<10000x64xf32, #tpu.memory_space<hbm>>
      tpu.wait_indirect_dma semaphore(%arg18 : memref<!tpu.dma_semaphore, #tpu.memory_space<semaphore_mem>>) src(%dma_wait3A_205 : memref<10000x64xf32, #tpu.memory_space<hbm>>) dst(%arg11 : memref<80x64xf32, #tpu.memory_space<vmem>>)
      %dma_start3A_206 = arith.constant 0 : i32
      %dma_start3A_207 = tpu.memref_slice %arg7[%add3A_198, %dma_start3A_206] : memref<125x80xi32, #tpu.memory_space<vmem>> -> memref<1x80xi32, #tpu.memory_space<vmem>>
      %dma_start3A_208 = tpu.memref_squeeze %dma_start3A_207 : memref<1x80xi32, #tpu.memory_space<vmem>> -> memref<80xi32, #tpu.memory_space<vmem>>
      %dma_start3A_209 = arith.constant 0 : i32
      %dma_start3A_210 = arith.constant 0 : i32
      %dma_start3A_211 = tpu.memref_slice %arg14[%dma_start3A_209, %dma_start3A_210] : memref<10240x64xf32, #tpu.memory_space<vmem_shared>> -> memref<10240x64xf32, #tpu.memory_space<vmem_shared>>
      tpu.enqueue_indirect_dma source(%arg11 : memref<80x64xf32, #tpu.memory_space<vmem>>) target(%dma_start3A_211 : memref<10240x64xf32, #tpu.memory_space<vmem_shared>>) offsets(%dma_start3A_208 : memref<80xi32, #tpu.memory_space<vmem>>) semaphore(%arg23 : memref<!tpu.dma_semaphore, #tpu.memory_space<semaphore_mem>>) {add = true}
      %dma_wait3A_212 = arith.constant 0 : i32
      %dma_wait3A_213 = arith.constant 0 : i32
      %dma_wait3A_214 = tpu.memref_slice %arg7[%dma_wait3A_212, %dma_wait3A_213] : memref<125x80xi32, #tpu.memory_space<vmem>> -> memref<1x80xi32, #tpu.memory_space<vmem>>
      %dma_wait3A_215 = tpu.memref_squeeze %dma_wait3A_214 : memref<1x80xi32, #tpu.memory_space<vmem>> -> memref<80xi32, #tpu.memory_space<vmem>>
      %dma_wait3A_216 = arith.constant 0 : i32
      %dma_wait3A_217 = arith.constant 0 : i32
      %dma_wait3A_218 = tpu.memref_slice %arg14[%dma_wait3A_216, %dma_wait3A_217] : memref<10240x64xf32, #tpu.memory_space<vmem_shared>> -> memref<10240x64xf32, #tpu.memory_space<vmem_shared>>
      tpu.wait_indirect_dma semaphore(%arg20 : memref<!tpu.dma_semaphore, #tpu.memory_space<semaphore_mem>>) src(%arg8 : memref<80x64xf32, #tpu.memory_space<vmem>>) dst(%dma_wait3A_218 : memref<10240x64xf32, #tpu.memory_space<vmem_shared>>)
      %add3A_219 = arith.constant 2 : i32
      %add3A_220 = arith.addi %add3A_198, %add3A_219 : i32
      %dma_start3A_221 = arith.constant 0 : i32
      %dma_start3A_222 = tpu.memref_slice %arg6[%add3A_220, %dma_start3A_221] : memref<125x80xi32, #tpu.memory_space<vmem>> -> memref<1x80xi32, #tpu.memory_space<vmem>>
      %dma_start3A_223 = tpu.memref_squeeze %dma_start3A_222 : memref<1x80xi32, #tpu.memory_space<vmem>> -> memref<80xi32, #tpu.memory_space<vmem>>
      %dma_start3A_224 = arith.constant 0 : i32
      %dma_start3A_225 = arith.constant 0 : i32
      %dma_start3A_226 = tpu.memref_slice %arg2[%dma_start3A_224, %dma_start3A_225] : memref<10000x64xf32, #tpu.memory_space<hbm>> -> memref<10000x64xf32, #tpu.memory_space<hbm>>
      tpu.enqueue_indirect_dma source(%dma_start3A_226 : memref<10000x64xf32, #tpu.memory_space<hbm>>) target(%arg8 : memref<80x64xf32, #tpu.memory_space<vmem>>) offsets(%dma_start3A_223 : memref<80xi32, #tpu.memory_space<vmem>>) semaphore(%arg15 : memref<!tpu.dma_semaphore, #tpu.memory_space<semaphore_mem>>)
      %mul3A_227 = arith.constant 5 : i32
      %mul3A_228 = arith.muli %mul3A_227, %scan3A_191 : i32
      %add3A_229 = arith.constant 3 : i32
      %add3A_230 = arith.addi %add3A_229, %mul3A_228 : i32
      %add3A_231 = arith.constant 1 : i32
      %add3A_232 = arith.addi %add3A_230, %add3A_231 : i32
      %dma_wait3A_233 = arith.constant 0 : i32
      %dma_wait3A_234 = arith.constant 0 : i32
      %dma_wait3A_235 = tpu.memref_slice %arg6[%dma_wait3A_233, %dma_wait3A_234] : memref<125x80xi32, #tpu.memory_space<vmem>> -> memref<1x80xi32, #tpu.memory_space<vmem>>
      %dma_wait3A_236 = tpu.memref_squeeze %dma_wait3A_235 : memref<1x80xi32, #tpu.memory_space<vmem>> -> memref<80xi32, #tpu.memory_space<vmem>>
      %dma_wait3A_237 = arith.constant 0 : i32
      %dma_wait3A_238 = arith.constant 0 : i32
      %dma_wait3A_239 = tpu.memref_slice %arg2[%dma_wait3A_237, %dma_wait3A_238] : memref<10000x64xf32, #tpu.memory_space<hbm>> -> memref<10000x64xf32, #tpu.memory_space<hbm>>
      tpu.wait_indirect_dma semaphore(%arg19 : memref<!tpu.dma_semaphore, #tpu.memory_space<semaphore_mem>>) src(%dma_wait3A_239 : memref<10000x64xf32, #tpu.memory_space<hbm>>) dst(%arg12 : memref<80x64xf32, #tpu.memory_space<vmem>>)
      %dma_start3A_240 = arith.constant 0 : i32
      %dma_start3A_241 = tpu.memref_slice %arg7[%add3A_232, %dma_start3A_240] : memref<125x80xi32, #tpu.memory_space<vmem>> -> memref<1x80xi32, #tpu.memory_space<vmem>>
      %dma_start3A_242 = tpu.memref_squeeze %dma_start3A_241 : memref<1x80xi32, #tpu.memory_space<vmem>> -> memref<80xi32, #tpu.memory_space<vmem>>
      %dma_start3A_243 = arith.constant 0 : i32
      %dma_start3A_244 = arith.constant 0 : i32
      %dma_start3A_245 = tpu.memref_slice %arg14[%dma_start3A_243, %dma_start3A_244] : memref<10240x64xf32, #tpu.memory_space<vmem_shared>> -> memref<10240x64xf32, #tpu.memory_space<vmem_shared>>
      tpu.enqueue_indirect_dma source(%arg12 : memref<80x64xf32, #tpu.memory_space<vmem>>) target(%dma_start3A_245 : memref<10240x64xf32, #tpu.memory_space<vmem_shared>>) offsets(%dma_start3A_242 : memref<80xi32, #tpu.memory_space<vmem>>) semaphore(%arg24 : memref<!tpu.dma_semaphore, #tpu.memory_space<semaphore_mem>>) {add = true}
      %dma_wait3A_246 = arith.constant 0 : i32
      %dma_wait3A_247 = arith.constant 0 : i32
      %dma_wait3A_248 = tpu.memref_slice %arg7[%dma_wait3A_246, %dma_wait3A_247] : memref<125x80xi32, #tpu.memory_space<vmem>> -> memref<1x80xi32, #tpu.memory_space<vmem>>
      %dma_wait3A_249 = tpu.memref_squeeze %dma_wait3A_248 : memref<1x80xi32, #tpu.memory_space<vmem>> -> memref<80xi32, #tpu.memory_space<vmem>>
      %dma_wait3A_250 = arith.constant 0 : i32
      %dma_wait3A_251 = arith.constant 0 : i32
      %dma_wait3A_252 = tpu.memref_slice %arg14[%dma_wait3A_250, %dma_wait3A_251] : memref<10240x64xf32, #tpu.memory_space<vmem_shared>> -> memref<10240x64xf32, #tpu.memory_space<vmem_shared>>
      tpu.wait_indirect_dma semaphore(%arg21 : memref<!tpu.dma_semaphore, #tpu.memory_space<semaphore_mem>>) src(%arg9 : memref<80x64xf32, #tpu.memory_space<vmem>>) dst(%dma_wait3A_252 : memref<10240x64xf32, #tpu.memory_space<vmem_shared>>)
      %add3A_253 = arith.constant 2 : i32
      %add3A_254 = arith.addi %add3A_232, %add3A_253 : i32
      %dma_start3A_255 = arith.constant 0 : i32
      %dma_start3A_256 = tpu.memref_slice %arg6[%add3A_254, %dma_start3A_255] : memref<125x80xi32, #tpu.memory_space<vmem>> -> memref<1x80xi32, #tpu.memory_space<vmem>>
      %dma_start3A_257 = tpu.memref_squeeze %dma_start3A_256 : memref<1x80xi32, #tpu.memory_space<vmem>> -> memref<80xi32, #tpu.memory_space<vmem>>
      %dma_start3A_258 = arith.constant 0 : i32
      %dma_start3A_259 = arith.constant 0 : i32
      %dma_start3A_260 = tpu.memref_slice %arg2[%dma_start3A_258, %dma_start3A_259] : memref<10000x64xf32, #tpu.memory_space<hbm>> -> memref<10000x64xf32, #tpu.memory_space<hbm>>
      tpu.enqueue_indirect_dma source(%dma_start3A_260 : memref<10000x64xf32, #tpu.memory_space<hbm>>) target(%arg9 : memref<80x64xf32, #tpu.memory_space<vmem>>) offsets(%dma_start3A_257 : memref<80xi32, #tpu.memory_space<vmem>>) semaphore(%arg16 : memref<!tpu.dma_semaphore, #tpu.memory_space<semaphore_mem>>)
      %mul3A_261 = arith.constant 5 : i32
      %mul3A_262 = arith.muli %mul3A_261, %scan3A_191 : i32
      %add3A_263 = arith.constant 3 : i32
      %add3A_264 = arith.addi %add3A_263, %mul3A_262 : i32
      %add3A_265 = arith.constant 2 : i32
      %add3A_266 = arith.addi %add3A_264, %add3A_265 : i32
      %dma_wait3A_267 = arith.constant 0 : i32
      %dma_wait3A_268 = arith.constant 0 : i32
      %dma_wait3A_269 = tpu.memref_slice %arg6[%dma_wait3A_267, %dma_wait3A_268] : memref<125x80xi32, #tpu.memory_space<vmem>> -> memref<1x80xi32, #tpu.memory_space<vmem>>
      %dma_wait3A_270 = tpu.memref_squeeze %dma_wait3A_269 : memref<1x80xi32, #tpu.memory_space<vmem>> -> memref<80xi32, #tpu.memory_space<vmem>>
      %dma_wait3A_271 = arith.constant 0 : i32
      %dma_wait3A_272 = arith.constant 0 : i32
      %dma_wait3A_273 = tpu.memref_slice %arg2[%dma_wait3A_271, %dma_wait3A_272] : memref<10000x64xf32, #tpu.memory_space<hbm>> -> memref<10000x64xf32, #tpu.memory_space<hbm>>
      tpu.wait_indirect_dma semaphore(%arg15 : memref<!tpu.dma_semaphore, #tpu.memory_space<semaphore_mem>>) src(%dma_wait3A_273 : memref<10000x64xf32, #tpu.memory_space<hbm>>) dst(%arg8 : memref<80x64xf32, #tpu.memory_space<vmem>>)
      %dma_start3A_274 = arith.constant 0 : i32
      %dma_start3A_275 = tpu.memref_slice %arg7[%add3A_266, %dma_start3A_274] : memref<125x80xi32, #tpu.memory_space<vmem>> -> memref<1x80xi32, #tpu.memory_space<vmem>>
      %dma_start3A_276 = tpu.memref_squeeze %dma_start3A_275 : memref<1x80xi32, #tpu.memory_space<vmem>> -> memref<80xi32, #tpu.memory_space<vmem>>
      %dma_start3A_277 = arith.constant 0 : i32
      %dma_start3A_278 = arith.constant 0 : i32
      %dma_start3A_279 = tpu.memref_slice %arg14[%dma_start3A_277, %dma_start3A_278] : memref<10240x64xf32, #tpu.memory_space<vmem_shared>> -> memref<10240x64xf32, #tpu.memory_space<vmem_shared>>
      tpu.enqueue_indirect_dma source(%arg8 : memref<80x64xf32, #tpu.memory_space<vmem>>) target(%dma_start3A_279 : memref<10240x64xf32, #tpu.memory_space<vmem_shared>>) offsets(%dma_start3A_276 : memref<80xi32, #tpu.memory_space<vmem>>) semaphore(%arg20 : memref<!tpu.dma_semaphore, #tpu.memory_space<semaphore_mem>>) {add = true}
      %dma_wait3A_280 = arith.constant 0 : i32
      %dma_wait3A_281 = arith.constant 0 : i32
      %dma_wait3A_282 = tpu.memref_slice %arg7[%dma_wait3A_280, %dma_wait3A_281] : memref<125x80xi32, #tpu.memory_space<vmem>> -> memref<1x80xi32, #tpu.memory_space<vmem>>
      %dma_wait3A_283 = tpu.memref_squeeze %dma_wait3A_282 : memref<1x80xi32, #tpu.memory_space<vmem>> -> memref<80xi32, #tpu.memory_space<vmem>>
      %dma_wait3A_284 = arith.constant 0 : i32
      %dma_wait3A_285 = arith.constant 0 : i32
      %dma_wait3A_286 = tpu.memref_slice %arg14[%dma_wait3A_284, %dma_wait3A_285] : memref<10240x64xf32, #tpu.memory_space<vmem_shared>> -> memref<10240x64xf32, #tpu.memory_space<vmem_shared>>
      tpu.wait_indirect_dma semaphore(%arg22 : memref<!tpu.dma_semaphore, #tpu.memory_space<semaphore_mem>>) src(%arg10 : memref<80x64xf32, #tpu.memory_space<vmem>>) dst(%dma_wait3A_286 : memref<10240x64xf32, #tpu.memory_space<vmem_shared>>)
      %add3A_287 = arith.constant 2 : i32
      %add3A_288 = arith.addi %add3A_266, %add3A_287 : i32
      %dma_start3A_289 = arith.constant 0 : i32
      %dma_start3A_290 = tpu.memref_slice %arg6[%add3A_288, %dma_start3A_289] : memref<125x80xi32, #tpu.memory_space<vmem>> -> memref<1x80xi32, #tpu.memory_space<vmem>>
      %dma_start3A_291 = tpu.memref_squeeze %dma_start3A_290 : memref<1x80xi32, #tpu.memory_space<vmem>> -> memref<80xi32, #tpu.memory_space<vmem>>
      %dma_start3A_292 = arith.constant 0 : i32
      %dma_start3A_293 = arith.constant 0 : i32
      %dma_start3A_294 = tpu.memref_slice %arg2[%dma_start3A_292, %dma_start3A_293] : memref<10000x64xf32, #tpu.memory_space<hbm>> -> memref<10000x64xf32, #tpu.memory_space<hbm>>
      tpu.enqueue_indirect_dma source(%dma_start3A_294 : memref<10000x64xf32, #tpu.memory_space<hbm>>) target(%arg10 : memref<80x64xf32, #tpu.memory_space<vmem>>) offsets(%dma_start3A_291 : memref<80xi32, #tpu.memory_space<vmem>>) semaphore(%arg17 : memref<!tpu.dma_semaphore, #tpu.memory_space<semaphore_mem>>)
      %mul3A_295 = arith.constant 5 : i32
      %mul3A_296 = arith.muli %mul3A_295, %scan3A_191 : i32
      %add3A_297 = arith.constant 3 : i32
      %add3A_298 = arith.addi %add3A_297, %mul3A_296 : i32
      %add3A_299 = arith.constant 3 : i32
      %add3A_300 = arith.addi %add3A_298, %add3A_299 : i32
      %dma_wait3A_301 = arith.constant 0 : i32
      %dma_wait3A_302 = arith.constant 0 : i32
      %dma_wait3A_303 = tpu.memref_slice %arg6[%dma_wait3A_301, %dma_wait3A_302] : memref<125x80xi32, #tpu.memory_space<vmem>> -> memref<1x80xi32, #tpu.memory_space<vmem>>
      %dma_wait3A_304 = tpu.memref_squeeze %dma_wait3A_303 : memref<1x80xi32, #tpu.memory_space<vmem>> -> memref<80xi32, #tpu.memory_space<vmem>>
      %dma_wait3A_305 = arith.constant 0 : i32
      %dma_wait3A_306 = arith.constant 0 : i32
      %dma_wait3A_307 = tpu.memref_slice %arg2[%dma_wait3A_305, %dma_wait3A_306] : memref<10000x64xf32, #tpu.memory_space<hbm>> -> memref<10000x64xf32, #tpu.memory_space<hbm>>
      tpu.wait_indirect_dma semaphore(%arg16 : memref<!tpu.dma_semaphore, #tpu.memory_space<semaphore_mem>>) src(%dma_wait3A_307 : memref<10000x64xf32, #tpu.memory_space<hbm>>) dst(%arg9 : memref<80x64xf32, #tpu.memory_space<vmem>>)
      %dma_start3A_308 = arith.constant 0 : i32
      %dma_start3A_309 = tpu.memref_slice %arg7[%add3A_300, %dma_start3A_308] : memref<125x80xi32, #tpu.memory_space<vmem>> -> memref<1x80xi32, #tpu.memory_space<vmem>>
      %dma_start3A_310 = tpu.memref_squeeze %dma_start3A_309 : memref<1x80xi32, #tpu.memory_space<vmem>> -> memref<80xi32, #tpu.memory_space<vmem>>
      %dma_start3A_311 = arith.constant 0 : i32
      %dma_start3A_312 = arith.constant 0 : i32
      %dma_start3A_313 = tpu.memref_slice %arg14[%dma_start3A_311, %dma_start3A_312] : memref<10240x64xf32, #tpu.memory_space<vmem_shared>> -> memref<10240x64xf32, #tpu.memory_space<vmem_shared>>
      tpu.enqueue_indirect_dma source(%arg9 : memref<80x64xf32, #tpu.memory_space<vmem>>) target(%dma_start3A_313 : memref<10240x64xf32, #tpu.memory_space<vmem_shared>>) offsets(%dma_start3A_310 : memref<80xi32, #tpu.memory_space<vmem>>) semaphore(%arg21 : memref<!tpu.dma_semaphore, #tpu.memory_space<semaphore_mem>>) {add = true}
      %dma_wait3A_314 = arith.constant 0 : i32
      %dma_wait3A_315 = arith.constant 0 : i32
      %dma_wait3A_316 = tpu.memref_slice %arg7[%dma_wait3A_314, %dma_wait3A_315] : memref<125x80xi32, #tpu.memory_space<vmem>> -> memref<1x80xi32, #tpu.memory_space<vmem>>
      %dma_wait3A_317 = tpu.memref_squeeze %dma_wait3A_316 : memref<1x80xi32, #tpu.memory_space<vmem>> -> memref<80xi32, #tpu.memory_space<vmem>>
      %dma_wait3A_318 = arith.constant 0 : i32
      %dma_wait3A_319 = arith.constant 0 : i32
      %dma_wait3A_320 = tpu.memref_slice %arg14[%dma_wait3A_318, %dma_wait3A_319] : memref<10240x64xf32, #tpu.memory_space<vmem_shared>> -> memref<10240x64xf32, #tpu.memory_space<vmem_shared>>
      tpu.wait_indirect_dma semaphore(%arg23 : memref<!tpu.dma_semaphore, #tpu.memory_space<semaphore_mem>>) src(%arg11 : memref<80x64xf32, #tpu.memory_space<vmem>>) dst(%dma_wait3A_320 : memref<10240x64xf32, #tpu.memory_space<vmem_shared>>)
      %add3A_321 = arith.constant 2 : i32
      %add3A_322 = arith.addi %add3A_300, %add3A_321 : i32
      %dma_start3A_323 = arith.constant 0 : i32
      %dma_start3A_324 = tpu.memref_slice %arg6[%add3A_322, %dma_start3A_323] : memref<125x80xi32, #tpu.memory_space<vmem>> -> memref<1x80xi32, #tpu.memory_space<vmem>>
      %dma_start3A_325 = tpu.memref_squeeze %dma_start3A_324 : memref<1x80xi32, #tpu.memory_space<vmem>> -> memref<80xi32, #tpu.memory_space<vmem>>
      %dma_start3A_326 = arith.constant 0 : i32
      %dma_start3A_327 = arith.constant 0 : i32
      %dma_start3A_328 = tpu.memref_slice %arg2[%dma_start3A_326, %dma_start3A_327] : memref<10000x64xf32, #tpu.memory_space<hbm>> -> memref<10000x64xf32, #tpu.memory_space<hbm>>
      tpu.enqueue_indirect_dma source(%dma_start3A_328 : memref<10000x64xf32, #tpu.memory_space<hbm>>) target(%arg11 : memref<80x64xf32, #tpu.memory_space<vmem>>) offsets(%dma_start3A_325 : memref<80xi32, #tpu.memory_space<vmem>>) semaphore(%arg18 : memref<!tpu.dma_semaphore, #tpu.memory_space<semaphore_mem>>)
      %mul3A_329 = arith.constant 5 : i32
      %mul3A_330 = arith.muli %mul3A_329, %scan3A_191 : i32
      %add3A_331 = arith.constant 3 : i32
      %add3A_332 = arith.addi %add3A_331, %mul3A_330 : i32
      %add3A_333 = arith.constant 4 : i32
      %add3A_334 = arith.addi %add3A_332, %add3A_333 : i32
      %dma_wait3A_335 = arith.constant 0 : i32
      %dma_wait3A_336 = arith.constant 0 : i32
      %dma_wait3A_337 = tpu.memref_slice %arg6[%dma_wait3A_335, %dma_wait3A_336] : memref<125x80xi32, #tpu.memory_space<vmem>> -> memref<1x80xi32, #tpu.memory_space<vmem>>
      %dma_wait3A_338 = tpu.memref_squeeze %dma_wait3A_337 : memref<1x80xi32, #tpu.memory_space<vmem>> -> memref<80xi32, #tpu.memory_space<vmem>>
      %dma_wait3A_339 = arith.constant 0 : i32
      %dma_wait3A_340 = arith.constant 0 : i32
      %dma_wait3A_341 = tpu.memref_slice %arg2[%dma_wait3A_339, %dma_wait3A_340] : memref<10000x64xf32, #tpu.memory_space<hbm>> -> memref<10000x64xf32, #tpu.memory_space<hbm>>
      tpu.wait_indirect_dma semaphore(%arg17 : memref<!tpu.dma_semaphore, #tpu.memory_space<semaphore_mem>>) src(%dma_wait3A_341 : memref<10000x64xf32, #tpu.memory_space<hbm>>) dst(%arg10 : memref<80x64xf32, #tpu.memory_space<vmem>>)
      %dma_start3A_342 = arith.constant 0 : i32
      %dma_start3A_343 = tpu.memref_slice %arg7[%add3A_334, %dma_start3A_342] : memref<125x80xi32, #tpu.memory_space<vmem>> -> memref<1x80xi32, #tpu.memory_space<vmem>>
      %dma_start3A_344 = tpu.memref_squeeze %dma_start3A_343 : memref<1x80xi32, #tpu.memory_space<vmem>> -> memref<80xi32, #tpu.memory_space<vmem>>
      %dma_start3A_345 = arith.constant 0 : i32
      %dma_start3A_346 = arith.constant 0 : i32
      %dma_start3A_347 = tpu.memref_slice %arg14[%dma_start3A_345, %dma_start3A_346] : memref<10240x64xf32, #tpu.memory_space<vmem_shared>> -> memref<10240x64xf32, #tpu.memory_space<vmem_shared>>
      tpu.enqueue_indirect_dma source(%arg10 : memref<80x64xf32, #tpu.memory_space<vmem>>) target(%dma_start3A_347 : memref<10240x64xf32, #tpu.memory_space<vmem_shared>>) offsets(%dma_start3A_344 : memref<80xi32, #tpu.memory_space<vmem>>) semaphore(%arg22 : memref<!tpu.dma_semaphore, #tpu.memory_space<semaphore_mem>>) {add = true}
      %dma_wait3A_348 = arith.constant 0 : i32
      %dma_wait3A_349 = arith.constant 0 : i32
      %dma_wait3A_350 = tpu.memref_slice %arg7[%dma_wait3A_348, %dma_wait3A_349] : memref<125x80xi32, #tpu.memory_space<vmem>> -> memref<1x80xi32, #tpu.memory_space<vmem>>
      %dma_wait3A_351 = tpu.memref_squeeze %dma_wait3A_350 : memref<1x80xi32, #tpu.memory_space<vmem>> -> memref<80xi32, #tpu.memory_space<vmem>>
      %dma_wait3A_352 = arith.constant 0 : i32
      %dma_wait3A_353 = arith.constant 0 : i32
      %dma_wait3A_354 = tpu.memref_slice %arg14[%dma_wait3A_352, %dma_wait3A_353] : memref<10240x64xf32, #tpu.memory_space<vmem_shared>> -> memref<10240x64xf32, #tpu.memory_space<vmem_shared>>
      tpu.wait_indirect_dma semaphore(%arg24 : memref<!tpu.dma_semaphore, #tpu.memory_space<semaphore_mem>>) src(%arg12 : memref<80x64xf32, #tpu.memory_space<vmem>>) dst(%dma_wait3A_354 : memref<10240x64xf32, #tpu.memory_space<vmem_shared>>)
      %add3A_355 = arith.constant 2 : i32
      %add3A_356 = arith.addi %add3A_334, %add3A_355 : i32
      %dma_start3A_357 = arith.constant 0 : i32
      %dma_start3A_358 = tpu.memref_slice %arg6[%add3A_356, %dma_start3A_357] : memref<125x80xi32, #tpu.memory_space<vmem>> -> memref<1x80xi32, #tpu.memory_space<vmem>>
      %dma_start3A_359 = tpu.memref_squeeze %dma_start3A_358 : memref<1x80xi32, #tpu.memory_space<vmem>> -> memref<80xi32, #tpu.memory_space<vmem>>
      %dma_start3A_360 = arith.constant 0 : i32
      %dma_start3A_361 = arith.constant 0 : i32
      %dma_start3A_362 = tpu.memref_slice %arg2[%dma_start3A_360, %dma_start3A_361] : memref<10000x64xf32, #tpu.memory_space<hbm>> -> memref<10000x64xf32, #tpu.memory_space<hbm>>
      tpu.enqueue_indirect_dma source(%dma_start3A_362 : memref<10000x64xf32, #tpu.memory_space<hbm>>) target(%arg12 : memref<80x64xf32, #tpu.memory_space<vmem>>) offsets(%dma_start3A_359 : memref<80xi32, #tpu.memory_space<vmem>>) semaphore(%arg19 : memref<!tpu.dma_semaphore, #tpu.memory_space<semaphore_mem>>)
      %scan3A_363 = arith.constant 0 : i32
      scf.yield %scan3A_363 : i32
    }
    %scan3A_122 = arith.constant 24 : i32
    %dma_wait3A_123 = arith.constant 0 : i32
    %dma_wait3A_124 = arith.constant 0 : i32
    %dma_wait3A_125 = tpu.memref_slice %arg6[%dma_wait3A_123, %dma_wait3A_124] : memref<125x80xi32, #tpu.memory_space<vmem>> -> memref<1x80xi32, #tpu.memory_space<vmem>>
    %dma_wait3A_126 = tpu.memref_squeeze %dma_wait3A_125 : memref<1x80xi32, #tpu.memory_space<vmem>> -> memref<80xi32, #tpu.memory_space<vmem>>
    %dma_wait3A_127 = arith.constant 0 : i32
    %dma_wait3A_128 = arith.constant 0 : i32
    %dma_wait3A_129 = tpu.memref_slice %arg2[%dma_wait3A_127, %dma_wait3A_128] : memref<10000x64xf32, #tpu.memory_space<hbm>> -> memref<10000x64xf32, #tpu.memory_space<hbm>>
    tpu.wait_indirect_dma semaphore(%arg18 : memref<!tpu.dma_semaphore, #tpu.memory_space<semaphore_mem>>) src(%dma_wait3A_129 : memref<10000x64xf32, #tpu.memory_space<hbm>>) dst(%arg11 : memref<80x64xf32, #tpu.memory_space<vmem>>)
    %dma_start3A_130 = arith.constant 123 : i32
    %dma_start3A_131 = arith.constant 0 : i32
    %dma_start3A_132 = tpu.memref_slice %arg7[%dma_start3A_130, %dma_start3A_131] : memref<125x80xi32, #tpu.memory_space<vmem>> -> memref<1x80xi32, #tpu.memory_space<vmem>>
    %dma_start3A_133 = tpu.memref_squeeze %dma_start3A_132 : memref<1x80xi32, #tpu.memory_space<vmem>> -> memref<80xi32, #tpu.memory_space<vmem>>
    %dma_start3A_134 = arith.constant 0 : i32
    %dma_start3A_135 = arith.constant 0 : i32
    %dma_start3A_136 = tpu.memref_slice %arg14[%dma_start3A_134, %dma_start3A_135] : memref<10240x64xf32, #tpu.memory_space<vmem_shared>> -> memref<10240x64xf32, #tpu.memory_space<vmem_shared>>
    tpu.enqueue_indirect_dma source(%arg11 : memref<80x64xf32, #tpu.memory_space<vmem>>) target(%dma_start3A_136 : memref<10240x64xf32, #tpu.memory_space<vmem_shared>>) offsets(%dma_start3A_133 : memref<80xi32, #tpu.memory_space<vmem>>) semaphore(%arg23 : memref<!tpu.dma_semaphore, #tpu.memory_space<semaphore_mem>>) {add = true}
    %dma_wait3A_137 = arith.constant 0 : i32
    %dma_wait3A_138 = arith.constant 0 : i32
    %dma_wait3A_139 = tpu.memref_slice %arg7[%dma_wait3A_137, %dma_wait3A_138] : memref<125x80xi32, #tpu.memory_space<vmem>> -> memref<1x80xi32, #tpu.memory_space<vmem>>
    %dma_wait3A_140 = tpu.memref_squeeze %dma_wait3A_139 : memref<1x80xi32, #tpu.memory_space<vmem>> -> memref<80xi32, #tpu.memory_space<vmem>>
    %dma_wait3A_141 = arith.constant 0 : i32
    %dma_wait3A_142 = arith.constant 0 : i32
    %dma_wait3A_143 = tpu.memref_slice %arg14[%dma_wait3A_141, %dma_wait3A_142] : memref<10240x64xf32, #tpu.memory_space<vmem_shared>> -> memref<10240x64xf32, #tpu.memory_space<vmem_shared>>
    tpu.wait_indirect_dma semaphore(%arg20 : memref<!tpu.dma_semaphore, #tpu.memory_space<semaphore_mem>>) src(%arg8 : memref<80x64xf32, #tpu.memory_space<vmem>>) dst(%dma_wait3A_143 : memref<10240x64xf32, #tpu.memory_space<vmem_shared>>)
    %dma_wait3A_144 = arith.constant 0 : i32
    %dma_wait3A_145 = arith.constant 0 : i32
    %dma_wait3A_146 = tpu.memref_slice %arg6[%dma_wait3A_144, %dma_wait3A_145] : memref<125x80xi32, #tpu.memory_space<vmem>> -> memref<1x80xi32, #tpu.memory_space<vmem>>
    %dma_wait3A_147 = tpu.memref_squeeze %dma_wait3A_146 : memref<1x80xi32, #tpu.memory_space<vmem>> -> memref<80xi32, #tpu.memory_space<vmem>>
    %dma_wait3A_148 = arith.constant 0 : i32
    %dma_wait3A_149 = arith.constant 0 : i32
    %dma_wait3A_150 = tpu.memref_slice %arg2[%dma_wait3A_148, %dma_wait3A_149] : memref<10000x64xf32, #tpu.memory_space<hbm>> -> memref<10000x64xf32, #tpu.memory_space<hbm>>
    tpu.wait_indirect_dma semaphore(%arg19 : memref<!tpu.dma_semaphore, #tpu.memory_space<semaphore_mem>>) src(%dma_wait3A_150 : memref<10000x64xf32, #tpu.memory_space<hbm>>) dst(%arg12 : memref<80x64xf32, #tpu.memory_space<vmem>>)
    %dma_start3A_151 = arith.constant 124 : i32
    %dma_start3A_152 = arith.constant 0 : i32
    %dma_start3A_153 = tpu.memref_slice %arg7[%dma_start3A_151, %dma_start3A_152] : memref<125x80xi32, #tpu.memory_space<vmem>> -> memref<1x80xi32, #tpu.memory_space<vmem>>
    %dma_start3A_154 = tpu.memref_squeeze %dma_start3A_153 : memref<1x80xi32, #tpu.memory_space<vmem>> -> memref<80xi32, #tpu.memory_space<vmem>>
    %dma_start3A_155 = arith.constant 0 : i32
    %dma_start3A_156 = arith.constant 0 : i32
    %dma_start3A_157 = tpu.memref_slice %arg14[%dma_start3A_155, %dma_start3A_156] : memref<10240x64xf32, #tpu.memory_space<vmem_shared>> -> memref<10240x64xf32, #tpu.memory_space<vmem_shared>>
    tpu.enqueue_indirect_dma source(%arg12 : memref<80x64xf32, #tpu.memory_space<vmem>>) target(%dma_start3A_157 : memref<10240x64xf32, #tpu.memory_space<vmem_shared>>) offsets(%dma_start3A_154 : memref<80xi32, #tpu.memory_space<vmem>>) semaphore(%arg24 : memref<!tpu.dma_semaphore, #tpu.memory_space<semaphore_mem>>) {add = true}
    %dma_wait3A_158 = arith.constant 0 : i32
    %dma_wait3A_159 = arith.constant 0 : i32
    %dma_wait3A_160 = tpu.memref_slice %arg7[%dma_wait3A_158, %dma_wait3A_159] : memref<125x80xi32, #tpu.memory_space<vmem>> -> memref<1x80xi32, #tpu.memory_space<vmem>>
    %dma_wait3A_161 = tpu.memref_squeeze %dma_wait3A_160 : memref<1x80xi32, #tpu.memory_space<vmem>> -> memref<80xi32, #tpu.memory_space<vmem>>
    %dma_wait3A_162 = arith.constant 0 : i32
    %dma_wait3A_163 = arith.constant 0 : i32
    %dma_wait3A_164 = tpu.memref_slice %arg14[%dma_wait3A_162, %dma_wait3A_163] : memref<10240x64xf32, #tpu.memory_space<vmem_shared>> -> memref<10240x64xf32, #tpu.memory_space<vmem_shared>>
    tpu.wait_indirect_dma semaphore(%arg21 : memref<!tpu.dma_semaphore, #tpu.memory_space<semaphore_mem>>) src(%arg9 : memref<80x64xf32, #tpu.memory_space<vmem>>) dst(%dma_wait3A_164 : memref<10240x64xf32, #tpu.memory_space<vmem_shared>>)
    %dma_wait3A_165 = arith.constant 0 : i32
    %dma_wait3A_166 = arith.constant 0 : i32
    %dma_wait3A_167 = tpu.memref_slice %arg7[%dma_wait3A_165, %dma_wait3A_166] : memref<125x80xi32, #tpu.memory_space<vmem>> -> memref<1x80xi32, #tpu.memory_space<vmem>>
    %dma_wait3A_168 = tpu.memref_squeeze %dma_wait3A_167 : memref<1x80xi32, #tpu.memory_space<vmem>> -> memref<80xi32, #tpu.memory_space<vmem>>
    %dma_wait3A_169 = arith.constant 0 : i32
    %dma_wait3A_170 = arith.constant 0 : i32
    %dma_wait3A_171 = tpu.memref_slice %arg14[%dma_wait3A_169, %dma_wait3A_170] : memref<10240x64xf32, #tpu.memory_space<vmem_shared>> -> memref<10240x64xf32, #tpu.memory_space<vmem_shared>>
    tpu.wait_indirect_dma semaphore(%arg22 : memref<!tpu.dma_semaphore, #tpu.memory_space<semaphore_mem>>) src(%arg10 : memref<80x64xf32, #tpu.memory_space<vmem>>) dst(%dma_wait3A_171 : memref<10240x64xf32, #tpu.memory_space<vmem_shared>>)
    %dma_wait3A_172 = arith.constant 0 : i32
    %dma_wait3A_173 = arith.constant 0 : i32
    %dma_wait3A_174 = tpu.memref_slice %arg7[%dma_wait3A_172, %dma_wait3A_173] : memref<125x80xi32, #tpu.memory_space<vmem>> -> memref<1x80xi32, #tpu.memory_space<vmem>>
    %dma_wait3A_175 = tpu.memref_squeeze %dma_wait3A_174 : memref<1x80xi32, #tpu.memory_space<vmem>> -> memref<80xi32, #tpu.memory_space<vmem>>
    %dma_wait3A_176 = arith.constant 0 : i32
    %dma_wait3A_177 = arith.constant 0 : i32
    %dma_wait3A_178 = tpu.memref_slice %arg14[%dma_wait3A_176, %dma_wait3A_177] : memref<10240x64xf32, #tpu.memory_space<vmem_shared>> -> memref<10240x64xf32, #tpu.memory_space<vmem_shared>>
    tpu.wait_indirect_dma semaphore(%arg23 : memref<!tpu.dma_semaphore, #tpu.memory_space<semaphore_mem>>) src(%arg11 : memref<80x64xf32, #tpu.memory_space<vmem>>) dst(%dma_wait3A_178 : memref<10240x64xf32, #tpu.memory_space<vmem_shared>>)
    %dma_wait3A_179 = arith.constant 0 : i32
    %dma_wait3A_180 = arith.constant 0 : i32
    %dma_wait3A_181 = tpu.memref_slice %arg7[%dma_wait3A_179, %dma_wait3A_180] : memref<125x80xi32, #tpu.memory_space<vmem>> -> memref<1x80xi32, #tpu.memory_space<vmem>>
    %dma_wait3A_182 = tpu.memref_squeeze %dma_wait3A_181 : memref<1x80xi32, #tpu.memory_space<vmem>> -> memref<80xi32, #tpu.memory_space<vmem>>
    %dma_wait3A_183 = arith.constant 0 : i32
    %dma_wait3A_184 = arith.constant 0 : i32
    %dma_wait3A_185 = tpu.memref_slice %arg14[%dma_wait3A_183, %dma_wait3A_184] : memref<10240x64xf32, #tpu.memory_space<vmem_shared>> -> memref<10240x64xf32, #tpu.memory_space<vmem_shared>>
    tpu.wait_indirect_dma semaphore(%arg24 : memref<!tpu.dma_semaphore, #tpu.memory_space<semaphore_mem>>) src(%arg12 : memref<80x64xf32, #tpu.memory_space<vmem>>) dst(%dma_wait3A_185 : memref<10240x64xf32, #tpu.memory_space<vmem_shared>>)
    %barrier3A_186 = arith.constant 0 : index
    tpu.barrier barrier_id(%barrier3A_186)
    %mul3A_187 = arith.constant 640 : i32
    %mul3A_188 = arith.muli %arg1, %mul3A_187 : i32
    %mul3A_189 = arith.constant 640 : i32
    %mul3A_190 = arith.muli %arg1, %mul3A_189 : i32
    "tpu.region"() ({
      %run_scoped3A = tpu.sem_alloc : memref<!tpu.dma_semaphore, #tpu.memory_space<semaphore_mem>>
      %dma_start3A_191 = arith.constant 0 : i32
      %dma_start3A_192 = tpu.memref_slice %arg5[%arg0, %mul3A_190, %dma_start3A_191] : memref<2x10240x64xf32, #tpu.memory_space<hbm>> -> memref<1x640x64xf32, #tpu.memory_space<hbm>>
      %dma_start3A_193 = tpu.memref_squeeze %dma_start3A_192 : memref<1x640x64xf32, #tpu.memory_space<hbm>> -> memref<640x64xf32, #tpu.memory_space<hbm>>
      %dma_start3A_194 = arith.constant 0 : i32
      %dma_start3A_195 = tpu.memref_slice %arg14[%mul3A_188, %dma_start3A_194] : memref<10240x64xf32, #tpu.memory_space<vmem_shared>> -> memref<640x64xf32, #tpu.memory_space<vmem_shared>>
      tpu.enqueue_dma source(%dma_start3A_195 : memref<640x64xf32, #tpu.memory_space<vmem_shared>>) target(%dma_start3A_193 : memref<640x64xf32, #tpu.memory_space<hbm>>) target_semaphore(%run_scoped3A : memref<!tpu.dma_semaphore, #tpu.memory_space<semaphore_mem>>)
      %dma_wait3A_196 = arith.constant 0 : i32
      %dma_wait3A_197 = tpu.memref_slice %arg5[%arg0, %mul3A_190, %dma_wait3A_196] : memref<2x10240x64xf32, #tpu.memory_space<hbm>> -> memref<1x640x64xf32, #tpu.memory_space<hbm>>
      %dma_wait3A_198 = tpu.memref_squeeze %dma_wait3A_197 : memref<1x640x64xf32, #tpu.memory_space<hbm>> -> memref<640x64xf32, #tpu.memory_space<hbm>>
      %dma_wait3A_199 = arith.constant 0 : i32
      %dma_wait3A_200 = tpu.memref_slice %arg14[%mul3A_188, %dma_wait3A_199] : memref<10240x64xf32, #tpu.memory_space<vmem_shared>> -> memref<640x64xf32, #tpu.memory_space<vmem_shared>>
      tpu.wait_dma2 semaphore(%run_scoped3A : memref<!tpu.dma_semaphore, #tpu.memory_space<semaphore_mem>>) src(%dma_wait3A_200 : memref<640x64xf32, #tpu.memory_space<vmem_shared>>) dst(%dma_wait3A_198 : memref<640x64xf32, #tpu.memory_space<hbm>>)
      tpu.yield
    }) : () -> ()
    return
  }
}

module attributes {stable_mosaic.version = 14 : i64} {
  func.func @_tc1_body(%arg0: i32, %arg1: memref<1000x128xf32, #tpu.memory_space<vmem>>, %arg2: memref<128x64xf32, #tpu.memory_space<vmem>>, %arg3: memref<1x1000x1xf32, #tpu.memory_space<vmem>>, %arg4: memref<1x1000x1xf32, #tpu.memory_space<vmem>>, %arg5: memref<1000x64xf32, #tpu.memory_space<vmem>>, %arg6: memref<1000x1xf32, #tpu.memory_space<vmem>>) attributes {dimension_semantics = [#tpu.dimension_semantics<arbitrary>], iteration_bounds = array<i64: 10>, scalar_prefetch = 0 : i64, scratch_operands = 0 : i64, tpu.core_type = #tpu.core_type<tc>, window_params = [{transform_indices = @transform_0, window_bounds = array<i64: 1000, 128>}, {pipeline_mode = #tpu.pipeline_mode<synchronous>, transform_indices = @transform_1, window_bounds = array<i64: 128, 64>}, {transform_indices = @transform_2, window_bounds = array<i64: 1, 1000, 1>}, {transform_indices = @transform_3, window_bounds = array<i64: 1, 1000, 1>}, {transform_indices = @transform_4, window_bounds = array<i64: 1000, 64>}, {transform_indices = @transform_5, window_bounds = array<i64: 1000, 1>}]} {
    %get3A = arith.constant 0 : index
    %get3A_0 = arith.constant 0 : index
    %get3A_1 = arith.constant 0 : index
    %get3A_2 = vector.load %arg3[%get3A, %get3A_0, %get3A_1] : memref<1x1000x1xf32, #tpu.memory_space<vmem>>, vector<1x1000x1xf32>
    %get3A_3 = vector.shape_cast %get3A_2 : vector<1x1000x1xf32> to vector<1000x1xf32>
    %get3A_4 = arith.constant 0 : index
    %get3A_5 = arith.constant 0 : index
    %get3A_6 = arith.constant 0 : index
    %get3A_7 = vector.load %arg4[%get3A_4, %get3A_5, %get3A_6] : memref<1x1000x1xf32, #tpu.memory_space<vmem>>, vector<1x1000x1xf32>
    %get3A_8 = vector.shape_cast %get3A_7 : vector<1x1000x1xf32> to vector<1000x1xf32>
    %add3A = arith.addf %get3A_3, %get3A_8 : vector<1000x1xf32>
    %add3A_9 = arith.constant 1.000000e+00 : f32
    %add3A_10 = vector.broadcast %add3A_9 : f32 to vector<1000x1xf32>
    %add3A_11 = arith.addf %add3A, %add3A_10 : vector<1000x1xf32>
    %rsqrt3A = math.rsqrt %add3A_11 : vector<1000x1xf32>
    %get3A_12 = arith.constant 0 : index
    %get3A_13 = arith.constant 0 : index
    %get3A_14 = vector.load %arg1[%get3A_12, %get3A_13] : memref<1000x128xf32, #tpu.memory_space<vmem>>, vector<1000x128xf32>
    %get3A_15 = arith.constant 0 : index
    %get3A_16 = arith.constant 0 : index
    %get3A_17 = vector.load %arg2[%get3A_15, %get3A_16] : memref<128x64xf32, #tpu.memory_space<vmem>>, vector<128x64xf32>
    %dot_general3A = arith.constant dense<0.000000e+00> : vector<1000x64xf32>
    %dot_general3A_18 = tpu.matmul %get3A_14, %get3A_17, %dot_general3A {dimension_numbers = #tpu.dot_dimension_numbers<[1], [0], [0], [1], [0, 0, 1, 1], [], []>, transpose_lhs_hint = false} : vector<1000x128xf32>, vector<128x64xf32>, vector<1000x64xf32> -> vector<1000x64xf32>
    %mul3A = vector.broadcast %rsqrt3A : vector<1000x1xf32> to vector<1000x64xf32>
    %mul3A_19 = arith.mulf %mul3A, %dot_general3A_18 : vector<1000x64xf32>
    %swap3A = arith.constant 0 : index
    %swap3A_20 = arith.constant 0 : index
    %swap3A_21 = vector.load %arg5[%swap3A, %swap3A_20] : memref<1000x64xf32, #tpu.memory_space<vmem>>, vector<1000x64xf32>
    tpu.vector_store %arg5[%swap3A, %swap3A_20], %mul3A_19 {strides = array<i32>} : memref<1000x64xf32, #tpu.memory_space<vmem>>, vector<1000x64xf32>,
    %swap3A_22 = arith.constant 0 : index
    %swap3A_23 = arith.constant 0 : index
    %swap3A_24 = vector.load %arg6[%swap3A_22, %swap3A_23] : memref<1000x1xf32, #tpu.memory_space<vmem>>, vector<1000x1xf32>
    tpu.vector_store %arg6[%swap3A_22, %swap3A_23], %rsqrt3A {strides = array<i32>} : memref<1000x1xf32, #tpu.memory_space<vmem>>, vector<1000x1xf32>,
    return
  }
  func.func @transform_0(%arg0: i32) -> (i32, i32) {
    %c0_i32 = arith.constant 0 : i32
    %c0_i32_0 = arith.constant 0 : i32
    return %arg0, %c0_i32 : i32, i32
  }
  func.func @transform_1(%arg0: i32) -> (i32, i32) {
    %c0_i32 = arith.constant 0 : i32
    %c0_i32_0 = arith.constant 0 : i32
    %c0_i32_1 = arith.constant 0 : i32
    return %c0_i32, %c0_i32_0 : i32, i32
  }
  func.func @transform_2(%arg0: i32) -> (i32, i32, i32) {
    %c0_i32 = arith.constant 0 : i32
    %c0_i32_0 = arith.constant 0 : i32
    %c0_i32_1 = arith.constant 0 : i32
    return %c0_i32, %arg0, %c0_i32_0 : i32, i32, i32
  }
  func.func @transform_3(%arg0: i32) -> (i32, i32, i32) {
    %c1_i32 = arith.constant 1 : i32
    %c0_i32 = arith.constant 0 : i32
    %c0_i32_0 = arith.constant 0 : i32
    return %c1_i32, %arg0, %c0_i32 : i32, i32, i32
  }
  func.func @transform_4(%arg0: i32) -> (i32, i32) {
    %c0_i32 = arith.constant 0 : i32
    %c0_i32_0 = arith.constant 0 : i32
    return %arg0, %c0_i32 : i32, i32
  }
  func.func @transform_5(%arg0: i32) -> (i32, i32) {
    %c0_i32 = arith.constant 0 : i32
    %c0_i32_0 = arith.constant 0 : i32
    return %arg0, %c0_i32 : i32, i32
  }
}

module attributes {stable_mosaic.version = 14 : i64} {
  func.func @_tc2_body(%arg0: i32, %arg1: memref<1x1000x64xf32, #tpu.memory_space<vmem>>, %arg2: memref<1x1000x64xf32, #tpu.memory_space<vmem>>, %arg3: memref<1000x64xf32, #tpu.memory_space<vmem>>, %arg4: memref<1000x1xf32, #tpu.memory_space<vmem>>, %arg5: memref<1x64xf32, #tpu.memory_space<vmem>>, %arg6: memref<64x64xf32, #tpu.memory_space<vmem>>, %arg7: memref<1000x64xf32, #tpu.memory_space<vmem>>) attributes {dimension_semantics = [#tpu.dimension_semantics<arbitrary>], iteration_bounds = array<i64: 10>, scalar_prefetch = 0 : i64, scratch_operands = 0 : i64, tpu.core_type = #tpu.core_type<tc>, window_params = [{transform_indices = @transform_0, window_bounds = array<i64: 1, 1000, 64>}, {transform_indices = @transform_1, window_bounds = array<i64: 1, 1000, 64>}, {transform_indices = @transform_2, window_bounds = array<i64: 1000, 64>}, {transform_indices = @transform_3, window_bounds = array<i64: 1000, 1>}, {pipeline_mode = #tpu.pipeline_mode<synchronous>, transform_indices = @transform_4, window_bounds = array<i64: 1, 64>}, {pipeline_mode = #tpu.pipeline_mode<synchronous>, transform_indices = @transform_5, window_bounds = array<i64: 64, 64>}, {transform_indices = @transform_6, window_bounds = array<i64: 1000, 64>}]} {
    %get3A = arith.constant 0 : index
    %get3A_0 = arith.constant 0 : index
    %get3A_1 = vector.load %arg4[%get3A, %get3A_0] : memref<1000x1xf32, #tpu.memory_space<vmem>>, vector<1000x1xf32>
    %get3A_2 = arith.constant 0 : index
    %get3A_3 = arith.constant 0 : index
    %get3A_4 = arith.constant 0 : index
    %get3A_5 = vector.load %arg1[%get3A_2, %get3A_3, %get3A_4] : memref<1x1000x64xf32, #tpu.memory_space<vmem>>, vector<1x1000x64xf32>
    %get3A_6 = vector.shape_cast %get3A_5 : vector<1x1000x64xf32> to vector<1000x64xf32>
    %get3A_7 = arith.constant 0 : index
    %get3A_8 = arith.constant 0 : index
    %get3A_9 = arith.constant 0 : index
    %get3A_10 = vector.load %arg2[%get3A_7, %get3A_8, %get3A_9] : memref<1x1000x64xf32, #tpu.memory_space<vmem>>, vector<1x1000x64xf32>
    %get3A_11 = vector.shape_cast %get3A_10 : vector<1x1000x64xf32> to vector<1000x64xf32>
    %add3A = arith.addf %get3A_6, %get3A_11 : vector<1000x64xf32>
    %get3A_12 = arith.constant 0 : index
    %get3A_13 = arith.constant 0 : index
    %get3A_14 = vector.load %arg3[%get3A_12, %get3A_13] : memref<1000x64xf32, #tpu.memory_space<vmem>>, vector<1000x64xf32>
    %add3A_15 = arith.addf %add3A, %get3A_14 : vector<1000x64xf32>
    %mul3A = vector.broadcast %get3A_1 : vector<1000x1xf32> to vector<1000x64xf32>
    %mul3A_16 = arith.mulf %mul3A, %add3A_15 : vector<1000x64xf32>
    %get3A_17 = arith.constant 0 : index
    %get3A_18 = arith.constant 0 : index
    %get3A_19 = vector.load %arg5[%get3A_17, %get3A_18] : memref<1x64xf32, #tpu.memory_space<vmem>>, vector<1x64xf32>
    %add3A_20 = vector.broadcast %get3A_19 : vector<1x64xf32> to vector<1000x64xf32>
    %add3A_21 = arith.addf %mul3A_16, %add3A_20 : vector<1000x64xf32>
    %max3A = arith.constant 0.000000e+00 : f32
    %max3A_22 = vector.broadcast %max3A : f32 to vector<1000x64xf32>
    %max3A_23 = arith.maximumf %add3A_21, %max3A_22 : vector<1000x64xf32>
    %get3A_24 = arith.constant 0 : index
    %get3A_25 = arith.constant 0 : index
    %get3A_26 = vector.load %arg6[%get3A_24, %get3A_25] : memref<64x64xf32, #tpu.memory_space<vmem>>, vector<64x64xf32>
    %dot_general3A = arith.constant dense<0.000000e+00> : vector<1000x64xf32>
    %dot_general3A_27 = tpu.matmul %max3A_23, %get3A_26, %dot_general3A {dimension_numbers = #tpu.dot_dimension_numbers<[1], [0], [0], [1], [0, 0, 1, 1], [], []>, transpose_lhs_hint = false} : vector<1000x64xf32>, vector<64x64xf32>, vector<1000x64xf32> -> vector<1000x64xf32>
    %mul3A_28 = vector.broadcast %get3A_1 : vector<1000x1xf32> to vector<1000x64xf32>
    %mul3A_29 = arith.mulf %mul3A_28, %dot_general3A_27 : vector<1000x64xf32>
    %swap3A = arith.constant 0 : index
    %swap3A_30 = arith.constant 0 : index
    %swap3A_31 = vector.load %arg7[%swap3A, %swap3A_30] : memref<1000x64xf32, #tpu.memory_space<vmem>>, vector<1000x64xf32>
    tpu.vector_store %arg7[%swap3A, %swap3A_30], %mul3A_29 {strides = array<i32>} : memref<1000x64xf32, #tpu.memory_space<vmem>>, vector<1000x64xf32>,
    return
  }
  func.func @transform_0(%arg0: i32) -> (i32, i32, i32) {
    %c0_i32 = arith.constant 0 : i32
    %c0_i32_0 = arith.constant 0 : i32
    %c0_i32_1 = arith.constant 0 : i32
    return %c0_i32, %arg0, %c0_i32_0 : i32, i32, i32
  }
  func.func @transform_1(%arg0: i32) -> (i32, i32, i32) {
    %c1_i32 = arith.constant 1 : i32
    %c0_i32 = arith.constant 0 : i32
    %c0_i32_0 = arith.constant 0 : i32
    return %c1_i32, %arg0, %c0_i32 : i32, i32, i32
  }
  func.func @transform_2(%arg0: i32) -> (i32, i32) {
    %c0_i32 = arith.constant 0 : i32
    %c0_i32_0 = arith.constant 0 : i32
    return %arg0, %c0_i32 : i32, i32
  }
  func.func @transform_3(%arg0: i32) -> (i32, i32) {
    %c0_i32 = arith.constant 0 : i32
    %c0_i32_0 = arith.constant 0 : i32
    return %arg0, %c0_i32 : i32, i32
  }
  func.func @transform_4(%arg0: i32) -> (i32, i32) {
    %c0_i32 = arith.constant 0 : i32
    %c0_i32_0 = arith.constant 0 : i32
    %c0_i32_1 = arith.constant 0 : i32
    return %c0_i32, %c0_i32_0 : i32, i32
  }
  func.func @transform_5(%arg0: i32) -> (i32, i32) {
    %c0_i32 = arith.constant 0 : i32
    %c0_i32_0 = arith.constant 0 : i32
    %c0_i32_1 = arith.constant 0 : i32
    return %c0_i32, %c0_i32_0 : i32, i32
  }
  func.func @transform_6(%arg0: i32) -> (i32, i32) {
    %c0_i32 = arith.constant 0 : i32
    %c0_i32_0 = arith.constant 0 : i32
    return %arg0, %c0_i32 : i32, i32
  }
}

module attributes {stable_mosaic.version = 14 : i64} {
  func.func @_tc3_body(%arg0: i32, %arg1: memref<1x1000x64xf32, #tpu.memory_space<vmem>>, %arg2: memref<1x1000x64xf32, #tpu.memory_space<vmem>>, %arg3: memref<1000x64xf32, #tpu.memory_space<vmem>>, %arg4: memref<1000x1xf32, #tpu.memory_space<vmem>>, %arg5: memref<1x32xf32, #tpu.memory_space<vmem>>, %arg6: memref<1x32xf32, #tpu.memory_space<vmem>>, %arg7: memref<1000x32xf32, #tpu.memory_space<vmem>>, %arg8: memref<1000x32xf32, #tpu.memory_space<vmem>>) attributes {dimension_semantics = [#tpu.dimension_semantics<arbitrary>], iteration_bounds = array<i64: 10>, scalar_prefetch = 0 : i64, scratch_operands = 0 : i64, tpu.core_type = #tpu.core_type<tc>, window_params = [{transform_indices = @transform_0, window_bounds = array<i64: 1, 1000, 64>}, {transform_indices = @transform_1, window_bounds = array<i64: 1, 1000, 64>}, {transform_indices = @transform_2, window_bounds = array<i64: 1000, 64>}, {transform_indices = @transform_3, window_bounds = array<i64: 1000, 1>}, {pipeline_mode = #tpu.pipeline_mode<synchronous>, transform_indices = @transform_4, window_bounds = array<i64: 1, 32>}, {pipeline_mode = #tpu.pipeline_mode<synchronous>, transform_indices = @transform_5, window_bounds = array<i64: 1, 32>}, {transform_indices = @transform_6, window_bounds = array<i64: 1000, 32>}, {transform_indices = @transform_7, window_bounds = array<i64: 1000, 32>}]} {
    %get3A = arith.constant 0 : index
    %get3A_0 = arith.constant 0 : index
    %get3A_1 = vector.load %arg4[%get3A, %get3A_0] : memref<1000x1xf32, #tpu.memory_space<vmem>>, vector<1000x1xf32>
    %get3A_2 = arith.constant 0 : index
    %get3A_3 = arith.constant 0 : index
    %get3A_4 = arith.constant 0 : index
    %get3A_5 = vector.load %arg1[%get3A_2, %get3A_3, %get3A_4] : memref<1x1000x64xf32, #tpu.memory_space<vmem>>, vector<1x1000x64xf32>
    %get3A_6 = vector.shape_cast %get3A_5 : vector<1x1000x64xf32> to vector<1000x64xf32>
    %get3A_7 = arith.constant 0 : index
    %get3A_8 = arith.constant 0 : index
    %get3A_9 = arith.constant 0 : index
    %get3A_10 = vector.load %arg2[%get3A_7, %get3A_8, %get3A_9] : memref<1x1000x64xf32, #tpu.memory_space<vmem>>, vector<1x1000x64xf32>
    %get3A_11 = vector.shape_cast %get3A_10 : vector<1x1000x64xf32> to vector<1000x64xf32>
    %add3A = arith.addf %get3A_6, %get3A_11 : vector<1000x64xf32>
    %get3A_12 = arith.constant 0 : index
    %get3A_13 = arith.constant 0 : index
    %get3A_14 = vector.load %arg3[%get3A_12, %get3A_13] : memref<1000x64xf32, #tpu.memory_space<vmem>>, vector<1000x64xf32>
    %add3A_15 = arith.addf %add3A, %get3A_14 : vector<1000x64xf32>
    %mul3A = vector.broadcast %get3A_1 : vector<1000x1xf32> to vector<1000x64xf32>
    %mul3A_16 = arith.mulf %mul3A, %add3A_15 : vector<1000x64xf32>
    %slice3A = vector.extract_strided_slice %mul3A_16 {offsets = [0, 0], sizes = [1000, 32], strides = [1, 1]} : vector<1000x64xf32> to vector<1000x32xf32>
    %get3A_17 = arith.constant 0 : index
    %get3A_18 = arith.constant 0 : index
    %get3A_19 = vector.load %arg5[%get3A_17, %get3A_18] : memref<1x32xf32, #tpu.memory_space<vmem>>, vector<1x32xf32>
    %add3A_20 = vector.broadcast %get3A_19 : vector<1x32xf32> to vector<1000x32xf32>
    %add3A_21 = arith.addf %slice3A, %add3A_20 : vector<1000x32xf32>
    %swap3A = arith.constant 0 : index
    %swap3A_22 = arith.constant 0 : index
    %swap3A_23 = vector.load %arg7[%swap3A, %swap3A_22] : memref<1000x32xf32, #tpu.memory_space<vmem>>, vector<1000x32xf32>
    tpu.vector_store %arg7[%swap3A, %swap3A_22], %add3A_21 {strides = array<i32>} : memref<1000x32xf32, #tpu.memory_space<vmem>>, vector<1000x32xf32>,
    %slice3A_24 = vector.extract_strided_slice %mul3A_16 {offsets = [0, 32], sizes = [1000, 32], strides = [1, 1]} : vector<1000x64xf32> to vector<1000x32xf32>
    %get3A_25 = arith.constant 0 : index
    %get3A_26 = arith.constant 0 : index
    %get3A_27 = vector.load %arg6[%get3A_25, %get3A_26] : memref<1x32xf32, #tpu.memory_space<vmem>>, vector<1x32xf32>
    %add3A_28 = vector.broadcast %get3A_27 : vector<1x32xf32> to vector<1000x32xf32>
    %add3A_29 = arith.addf %slice3A_24, %add3A_28 : vector<1000x32xf32>
    %swap3A_30 = arith.constant 0 : index
    %swap3A_31 = arith.constant 0 : index
    %swap3A_32 = vector.load %arg8[%swap3A_30, %swap3A_31] : memref<1000x32xf32, #tpu.memory_space<vmem>>, vector<1000x32xf32>
    tpu.vector_store %arg8[%swap3A_30, %swap3A_31], %add3A_29 {strides = array<i32>} : memref<1000x32xf32, #tpu.memory_space<vmem>>, vector<1000x32xf32>,
    return
  }
  func.func @transform_0(%arg0: i32) -> (i32, i32, i32) {
    %c0_i32 = arith.constant 0 : i32
    %c0_i32_0 = arith.constant 0 : i32
    %c0_i32_1 = arith.constant 0 : i32
    return %c0_i32, %arg0, %c0_i32_0 : i32, i32, i32
  }
  func.func @transform_1(%arg0: i32) -> (i32, i32, i32) {
    %c1_i32 = arith.constant 1 : i32
    %c0_i32 = arith.constant 0 : i32
    %c0_i32_0 = arith.constant 0 : i32
    return %c1_i32, %arg0, %c0_i32 : i32, i32, i32
  }
  func.func @transform_2(%arg0: i32) -> (i32, i32) {
    %c0_i32 = arith.constant 0 : i32
    %c0_i32_0 = arith.constant 0 : i32
    return %arg0, %c0_i32 : i32, i32
  }
  func.func @transform_3(%arg0: i32) -> (i32, i32) {
    %c0_i32 = arith.constant 0 : i32
    %c0_i32_0 = arith.constant 0 : i32
    return %arg0, %c0_i32 : i32, i32
  }
  func.func @transform_4(%arg0: i32) -> (i32, i32) {
    %c0_i32 = arith.constant 0 : i32
    %c0_i32_0 = arith.constant 0 : i32
    %c0_i32_1 = arith.constant 0 : i32
    return %c0_i32, %c0_i32_0 : i32, i32
  }
  func.func @transform_5(%arg0: i32) -> (i32, i32) {
    %c0_i32 = arith.constant 0 : i32
    %c0_i32_0 = arith.constant 0 : i32
    %c0_i32_1 = arith.constant 0 : i32
    return %c0_i32, %c0_i32_0 : i32, i32
  }
  func.func @transform_6(%arg0: i32) -> (i32, i32) {
    %c0_i32 = arith.constant 0 : i32
    %c0_i32_0 = arith.constant 0 : i32
    return %arg0, %c0_i32 : i32, i32
  }
  func.func @transform_7(%arg0: i32) -> (i32, i32) {
    %c0_i32 = arith.constant 0 : i32
    %c0_i32_0 = arith.constant 0 : i32
    return %arg0, %c0_i32 : i32, i32
  }
}

</mosaic_0001>

<sc_bundles>
// kernel: kernel.11.cloned.1.call-start
scs
__scs_entry_jumppad:
0x0: {  	(pc) =	sbr.rel $0x88, $3  }
0x1: {  	(tag) =	ssettag $0x0;
	lr =	simm.s32 $0x1  }
0x2: {  	[smem:$0x3F99] =	sst lr;
	_ =	strace $0xD0000000  }
0x3: {  	_ = 	snop  }
0x4: {  	_ = 	snop  }
0x5: {  	_ = 	snop  }
0x6: {  	_ = 	snop  }
0x7: {  	_ = 	snop  }
__scs_overlays_trampoline_lowered:
0x8: {  	[smem:$0x3FA8] =	sst s0  }
0x9: {  	[smem:$0x3FA9] =	sst s1  }
0xa: {  	[smem:$0x3FAA] =	sst s2  }
0xb: {  	[smem:$0x3FAB] =	sst s3  }
0xc: {  	[smem:$0x3FAC] =	sst s4  }
0xd: {  	[smem:$0x3FAD] =	sst s5  }
0xe: {  	[smem:$0x3FAE] =	sst s6  }
0xf: {  	[smem:$0x3FAF] =	sst s7  }
0x10: {  	[smem:$0x3FB0] =	sst s8  }
0x11: {  	[smem:$0x3FB1] =	sst s9;
	s0 =	simm.s32 @!p0 $0x0  }
0x12: {  	s1 =	sld [smem:$0x3F97];
	s0 =	simm.s32 @p0 $0x1  }
0x13: {  	[smem:$0x3FB2] =	sst s0;
	s0 =	simm.s32 @!p1 $0x0  }
0x14: {  	s2 =	sld [smem:$0x3F96];
	s0 =	simm.s32 @p1 $0x1  }
0x15: {  	[smem:$0x3FB3] =	sst s0;
	s0 =	simm.s32 @!p2 $0x0  }
0x16: {  	s3 =	sld [smem:$0x3FDB];
	s0 =	simm.s32 @p2 $0x1  }
0x17: {  	s4 =	simm.s32 $0x1BF5;
	[smem:$0x3FB5] =	sst s0  }
0x18: {  	s0 =	sld [smem:$0x3F98];
	_ =	swait.ge [sflag:s4], $0x0  }
0x19: {  	s7 =	sld [smem:$0x3F99]  }
0x1a: {  	s8 =	sadd.s32 $0xFFFFE003, lr  }
0x1b: {  	s9 =	sadd.s32 $0xFFFFFEF7, lr;
	s5 =	simm.s32 $0xFFFFFFFF;
	p2 =	slt.u32 s8, $0xFFFFF086  }
0x1c: {  	p1 =	slt.u32 s9, $0xF7A;
	s5 =	simm.s32 @!p2 $0x0  }
0x1d: {  	s5 =	simm.s32 @p1 $0x1;
	p0 =	seq.s32 s7, s2  }
0x1e: {  	s7 =	smul.u32 @!p0 $0xF7A, s2;
	p2 =	seq.s32 @!p0 s5, $0x0  }
0x1f: {  	s9 =	smul.u32 $0xF7A, s1;
	s8 =	simm.s32 @!p0 $0x1BF5;
	p2 =	por !p2, p0  }
0x20: {  	[sflag:s8] =	ssyncset.s32 @!p0 $0xFFFFF086;
	s6 =	sadd.s32 @!p0 s3, s7;
	s7 =	simm.s32 @!p0 $0x108  }
0x21: {  	s3 =	sadd.s32 s3, s9;
	s6 =	sadd.s32 @!p0 $0x88, s6;
	s7 =	simm.s32 @p2 $0x1082  }
0x22: {  	[simem:s7], [sflag:s8] =	dma.local @!p0 [hbm:s6], $0xF7A  }
0x23: {  	s9 =	sor.u32 $0xD0000000, s2;
	s6 =	simm.s32 $0x108;
	_ =	swait.ge @!p0 [sflag:s8], $0x0  }
0x24: {  	s3 =	sadd.s32 $0x88, s3;
	s6 =	simm.s32 @!p1 $0x1082;
	[sflag:s4] =	ssyncset.s32 $0xFFFFF086  }
0x25: {  	[simem:s6], [sflag:s4] =	dma.local [hbm:s3], $0xF7A  }
0x26: {  	[smem:$0x3F99] =	sst s1;
	(tag) =	ssettag s2;
	_ =	strace s9  }
0x27: {  	s1 =	sld [smem:$0x3FA9]  }
0x28: {  	s2 =	sld [smem:$0x3FAA]  }
0x29: {  	s4 =	sld [smem:$0x3FAC]  }
0x2a: {  	p0 =	seq.s32 s5, $0x0;
	s5 =	sld [smem:$0x3FAD]  }
0x2b: {  	s6 =	sld [smem:$0x3FAE]  }
0x2c: {  	s7 =	sld [smem:$0x3FAF]  }
0x2d: {  	s3 =	simm.s32 $0x108;
	s8 =	sld [smem:$0x3FB0]  }
0x2e: {  	s3 =	simm.s32 @!p0 $0x1082;
	s9 =	sld [smem:$0x3FB1]  }
0x2f: {  	lr =	sadd.s32 s0, s3;
	s0 =	sld [smem:$0x3FA8]  }
0x30: {  	s3 =	sld [smem:$0x3FAB]  }
0x31: {  	[smem:$0x3FB4] =	sst s10  }
0x32: {  	s10 =	sld [smem:$0x3FB2];
	_ =	sdelay $0x3  }
0x33: {  	p0 =	seq.s32 s10, $0x1;
	s10 =	sld [smem:$0x3FB4];
	_ =	sdelay $0x3  }
0x34: {  	[smem:$0x3FB4] =	sst s10  }
0x35: {  	s10 =	sld [smem:$0x3FB3];
	_ =	sdelay $0x3  }
0x36: {  	p1 =	seq.s32 s10, $0x1;
	s10 =	sld [smem:$0x3FB4];
	_ =	sdelay $0x3  }
0x37: {  	[smem:$0x3FB4] =	sst s10  }
0x38: {  	s10 =	sld [smem:$0x3FB5]  }
0x39: {  	_ = 	snop;
	(pc) =	sbr.ind lr, $3  }
0x3a: {  	_ = 	snop  }
0x3b: {  	_ = 	snop  }
0x3c: {  	p2 =	seq.s32 s10, $0x1;
	s10 =	sld [smem:$0x3FB4]  }
0x3d: {  	_ =	shalt  }
0x3e: {  	_ =	shalt  }
0x3f: {  	_ =	shalt  }
0x40: {  	_ =	shalt  }
0x41: {  	_ =	shalt  }
0x42: {  	_ =	shalt  }
0x43: {  	_ =	shalt  }
0x44: {  	_ =	shalt  }
0x45: {  	_ =	shalt  }
0x46: {  	_ =	shalt  }
0x47: {  	_ =	shalt  }
0x48: {  	_ =	shalt  }
0x49: {  	_ =	shalt  }
0x4a: {  	_ =	shalt  }
0x4b: {  	_ =	shalt  }
0x4c: {  	_ =	shalt  }
0x4d: {  	_ =	shalt  }
0x4e: {  	_ =	shalt  }
0x4f: {  	_ =	shalt  }
0x50: {  	_ =	shalt  }
0x51: {  	_ =	shalt  }
0x52: {  	_ =	shalt  }
0x53: {  	_ =	shalt  }
0x54: {  	_ =	shalt  }
0x55: {  	_ =	shalt  }
0x56: {  	_ =	shalt  }
0x57: {  	_ =	shalt  }
0x58: {  	_ =	shalt  }
0x59: {  	_ =	shalt  }
0x5a: {  	_ =	shalt  }
0x5b: {  	_ =	shalt  }
0x5c: {  	_ =	shalt  }
0x5d: {  	_ =	shalt  }
0x5e: {  	_ =	shalt  }
0x5f: {  	_ =	shalt  }
0x60: {  	_ =	shalt  }
0x61: {  	_ =	shalt  }
0x62: {  	_ =	shalt  }
0x63: {  	_ =	shalt  }
0x64: {  	_ =	shalt  }
0x65: {  	_ =	shalt  }
0x66: {  	_ =	shalt  }
0x67: {  	_ =	shalt  }
0x68: {  	_ =	shalt  }
0x69: {  	_ =	shalt  }
0x6a: {  	_ =	shalt  }
0x6b: {  	_ =	shalt  }
0x6c: {  	_ =	shalt  }
0x6d: {  	_ =	shalt  }
0x6e: {  	_ =	shalt  }
0x6f: {  	_ =	shalt  }
0x70: {  	_ =	shalt  }
0x71: {  	_ =	shalt  }
0x72: {  	_ =	shalt  }
0x73: {  	_ =	shalt  }
0x74: {  	_ =	shalt  }
0x75: {  	_ =	shalt  }
0x76: {  	_ =	shalt  }
0x77: {  	_ =	shalt  }
0x78: {  	_ =	shalt  }
0x79: {  	_ =	shalt  }
0x7a: {  	_ =	shalt  }
0x7b: {  	_ =	shalt  }
0x7c: {  	_ =	shalt  }
0x7d: {  	_ =	shalt  }
0x7e: {  	_ =	shalt  }
0x7f: {  	_ =	shalt  }
0x80: {  	_ =	shalt  }
0x81: {  	_ =	shalt  }
0x82: {  	_ =	shalt  }
0x83: {  	_ =	shalt  }
0x84: {  	_ =	shalt  }
0x85: {  	_ =	shalt  }
0x86: {  	_ =	shalt  }
0x87: {  	_ =	shalt  }
.Lfunc_end0:
.L_simem_size_0:
called_computation.1_lowered:
.L_overlay_start_0:
0x88: {  	s2 =	sld [smem:$0x3FD9]  }
0x89: {  	s3 =	sld [smem:$0x3FFE];
	_ =	sdelay $0x1  }
0x8a: {  	s1 =	srdreg.scid  }
0x8b: {  	s0 =	sand.u32 $0x1, s1  }
0x8c: {  	s14 =	sshll.u32 s0, $0xA;
	s2 =	sadd.s32 s3, s2  }
0x8d: {  	s2 =	sadd.s32 s2, s14  }
0x8e: {  	[smem:$0x3FC0] =	sst s2  }
0x8f: {  	_ = 	snop  }
0x90: {  	s2 =	sld [smem:$0x3FD0];
	_ =	sdelay $0x2  }
0x91: {  	s15 =	simm.s32 $0xA;
	s4 =	simm.s32 $0x10  }
0x92: {  	[smem:s4], [sflag:s15] =	dma.local [hbm:s2], $0x1  }
0x93: {  	_ =	swait.eq [sflag:s15], $0x1  }
0x94: {  	[sflag:s15] =	ssyncset.done $0x0  }
0x95: {  	s16 =	sld [smem:$0x10];
	[sflag:s15] =	ssyncadd.s32 $0xFFFFFFFF  }
0x96: {  	s17 =	sld [smem:$0x11];
	(tm) =	ssettm $0x1  }
0x97: {  	s18 =	sld [smem:$0x3FFB];
	_ =	sdelay $0x3  }
0x98: {  	_ =	strace s18  }
0x99: {  	s4 =	sld [smem:$0x3FFC];
	_ =	sdelay $0x3  }
0x9a: {  	_ =	strace s4  }
0x9b: {  	s4 =	sld [smem:$0x3FFD];
	_ =	sdelay $0x3  }
0x9c: {  	_ =	strace s4  }
0x9d: {  	_ =	strace $0x8FFFFFFF  }
0x9e: {  	s19 =	sld [smem:$0x3FDB];
	_ =	sdelay $0x1  }
0x9f: {  	s5 =	simm.s32 $_scs_section_size  }
0xa0: {  	s6 =	simm.s32 $_size__tile_overlayer_lowered;
	s7 =	simm.s32 $_tile_overlayer_lowered  }
0xa1: {  	s22 =	simm.s32 $0x1BFF;
	s21 =	sshll.u32 s7, $0x1;
	s4 =	sadd.s32 s5, s19  }
0xa2: {  	s8 =	simm.s32 $0x0;
	s20 =	sshll.u32 s6, $0x1;
	s6 =	sadd.s32 s21, s4  }
0xa3: {  	[timem:s8], [sflag:s22] =	dma.local [hbm:s6], s20  }
0xa4: {  	_ =	swait.ge [sflag:s22], s20  }
0xa5: {  	s5 =	ssub.s32 $0x0, s20;
	[sflag:s22] =	ssyncset.done $0x0  }
0xa6: {  	[sflag:s22] =	ssyncadd.s32 s5;
	_ =	sdelay $0x1  }
0xa7: {  	s23 =	simm.s32 $0x1B8B  }
0xa8: {  	_ =	swait.ge [sflag:s23], $0x1  }
0xa9: {  	[sflag:s23] =	ssyncset.done $0x0  }
0xaa: {  	s25 =	simm.s32 $0x1B8E;
	s24 =	sld [smem:$0x3FFE];
	[sflag:s23] =	ssyncadd.s32 $0xFFFFFFFF  }
0xab: {  	s26 =	simm.s32 $execute0_lowered;
	[smem:$0x3FD2] =	sst s25  }
0xac: {  	s6 =	sshll.u32 s26, $0x1;
	_ =	strace $0x80000049;
	[dreg:$0x1] =	wrdreg $0xFFFFFFFF  }
0xad: {  	s28 =	simm.s32 $_size_execute0_lowered;
	s4 =	sadd.s32 s4, s6;
	[dreg:$0x0] =	wrdreg $0x0  }
0xae: {  	s6 =	sshll.u32 s28, $0x1;
	[dreg:$0x2] =	wrdreg s4  }
0xaf: {  	[dreg:$0x3] =	wrdreg s6  }
0xb0: {  	[dreg:$0x4] =	wrdreg $0xC0  }
0xb1: {  	_ =	task [dreg:s8], $0x5FFFF  }
0xb2: {  	[dreg:$0x1] =	wrdreg $0xFFFFFFFF  }
0xb3: {  	[dreg:$0x0] =	wrdreg $0x60  }
0xb4: {  	[dreg:$0x2] =	wrdreg s24  }
0xb5: {  	[dreg:$0x3] =	wrdreg s17  }
0xb6: {  	[dreg:$0x4] =	wrdreg s16  }
0xb7: {  	[dreg:$0x5] =	wrdreg $0x152200  }
0xb8: {  	[dreg:$0x6] =	wrdreg $0x9  }
0xb9: {  	_ =	task.clear_ibuf [dreg:s8], $0x7FFFF;
	_ =	strace $0x90000049  }
0xba: {  	s29 =	simm.s32 $0x9;
	_ =	strace $0x8000004B  }
0xbb: {  	_ =	swait.ge [sflag:s29], $0x1  }
0xbc: {  	[sflag:s29] =	ssyncadd.s32 $0xFFFFFFFF  }
0xbd: {  	_ =	strace $0x9000004B  }
0xbe: {  	_ =	sfence  }
0xbf: {  	s30 =	sld [smem:$0x0];
	_ =	sdelay $0x2  }
0xc0: {  	s31 =	sshll.u32 s1, $0xD;
	s1 =	sshrl.u32 s1, $0x2  }
0xc1: {  	s3 =	sand.u32 $0x4000, s31;
	s1 =	sadd.s32 s1, s30  }
0xc2: {  	s0 =	sor.u32 s3, s0;
	s1 =	sshll.u32 s1, $0x11  }
0xc3: {  	s0 =	sor.u32 s1, s0  }
0xc4: {  	s0 =	sadd.s32 $0x8F2B, s0  }
0xc5: {  	[sflag:s0] =	ssyncadd.remote.s32 $0x1  }
0xc6: {  	_ =	sfence.sel $0xFFFF  }
0xc7: {  	[dreg:$0x0] =	wrdreg $0xFFFFFFFF;
	(pc) =	sbr.abs _section_cstart, $3  }
0xc8: {  	[dreg:$0x1] =	wrdreg $0xFFFFFFFF  }
0xc9: {  	_ =	task.clear_ibuf [dreg:s8], $0x2FFFF;
	_ =	strace $0x9FFFFFFF  }
0xca: {  	(tm) =	ssettm $0x7FFFFFFF  }
0xcb: {  	_ =	shalt  }
tec
execute0_lowered:
.L_overlay_start_1:
0x0: {  	(tag) =	ssettag $0x1  }
0x1: {  	s0 =	rddreg [dreg:$0x0]  }
0x2: {  	s1 =	rddreg [dreg:$0x1]  }
0x3: {  	s7 =	rddreg [dreg:$0x2]  }
0x4: {  	s2 =	rddreg [dreg:$0x3];
	s4 =	srdreg.scid  }
0x5: {  	s3 =	stileid.u32;
	s6 =	simm.s32 $0x0;
	s11 =	simm.s32 $0xC  }
0x6: {  	s12 =	simm.s32 $0xB;
	s13 =	simm.s32 $0x2710;
	s14 =	simm.s32 $0x50  }
0x7: {  	s15 =	simm.s32 $0x4E20;
	s16 =	simm.s32 $0x6220;
	s17 =	simm.s32 $0x1  }
0x8: {  	s19 =	simm.s32 $0x7620;
	s20 =	simm.s32 $0x2;
	s23 =	simm.s32 $0x8A20  }
0x9: {  	s28 =	simm.s32 $0x9E20;
	s29 =	simm.s32 $0x4;
	s30 =	simm.s32 $0x6  }
0xa: {  	s31 =	simm.s32 $0x5;
	s4 =	sand.u32 $0x1, s4;
	s5 =	smul.u32 $0xA000, s3  }
0xb: {  	s18 =	simm.s32 $0xA;
	[smem:$0x7FF] =	sst s6;
	s24 =	smul.u32 $0xA0000, s4  }
0xc: {  	_ =	strace $0x8000004A;
	s8 =	sshll.u32 s4, $0x4;
	s9 =	ssub.s32 $0x2, s4  }
0xd: {  	s4 =	sadd.s32 $0x29800, s0;
	s25 =	sor.u32 s3, s8;
	s26 =	sshrl.u32 s9, $0x1  }
0xe: {  	s6 =	sadd.s32 s5, s24;
	s10 =	smul.u32 $0x4E2, s25;
	s9 =	ssub.s32 s9, s26  }
0xf: {  	s5 =	sadd.s32 s5, s2;
	s24 =	simm.s32 $0x3;
	s6 =	sshrl.u32 s6, $0x3  }
0x10: {  	s25 =	simm.s32 $0x0;
	s9 =	smax.u32 s9, $0x1;
	s0 =	sadd.s32 s6, s0  }
0x11: {  	s6 =	sadd.s32 s1, s10;
	s7 =	sadd.s32 s7, s10;
	s10 =	simm.s32 $0x8  }
0x12: {  	v0 =	vimm.f32 $0.0e+00;
	s1 =	simm.s32 $0x9;
	s8 =	sadd.s32 $0x3D200, s0;
	s0 =	simm.s32 $0x7  }
.LBB2_1:
0x13: {  	s3 =	simm.s32 $0x0  }
0x14: {  	s21 =	sand.u32 $0x3FF00, s3  }
0x15: {  	s22 =	sand.u32 $0x30, s3;
	s26 =	sshrl.u32 s21, $0x2  }
0x16: {  	s21 =	simm.s32 $0x40;
	s22 =	sor.u32 s22, s26;
	s26 =	simm.s32 $0x0  }
.LBB2_2:
0x17: {  	p0 =	sne.s32 s21, $0x27FC0  }
0x18: {  	[tilespmem:s22+$0xB220] =	vst v0;
	s26 =	sadd.s32 $0x10, s26;
	s22 =	smov.u32 s21;
	s21 =	sadd.s32 $0x40, s21  }
.Ltmp0:
0x19: {  	(pc) =	sbr.rel @p0 .LBB2_2-.Ltmp0, $4  }
0x1a: {  	_ = 	snop  }
0x1b: {  	s22 =	sand.u32 $0x3FF00, s22  }
0x1c: {  	s3 =	sand.u32 $0x30, s26;
	s22 =	sshrl.u32 s22, $0x2  }
0x1d: {  	s22 =	sor.u32 s3, s22  }
0x1e: {  	[tilespmem:s22+$0xB220] =	vst v0;
	s3 =	simm.s32 $0xB220  }
0x1f: {  	[spmem:s5] =	stream.linear.scatter [tilespmem:s3], [sflag:$0xC], $0xA000, $0x38;
	[tilespmem:$0x1F220] =	vst v63  }
0x20: {  	_ =	swait.ge [sflag:s11], $0xA000  }
0x21: {  	[sflag:s11] =	ssyncset.done $0x0  }
0x22: {  	s21 =	simm.s32 $0x0;
	[sflag:s11] =	ssyncadd.s32 $0xFFFF6000  }
0x23: {  	[tilespmem:s21], [sflag:$0xB] =	stream.linear.gather [hbm4b:s6+s21], $0x2710, $0x38;
	[tilespmem:$0x1F220] =	vst v63  }
0x24: {  	_ =	swait.ge [sflag:s12], $0x2710  }
0x25: {  	[sflag:s12] =	ssyncset.done $0x0  }
0x26: {  	[sflag:s12] =	ssyncadd.s32 $0xFFFFD8F0  }
0x27: {  	[tilespmem:s13], [sflag:$0xB] =	stream.linear.gather [hbm4b:s7+s21], $0x2710, $0x38;
	[tilespmem:$0x1F220] =	vst v63  }
0x28: {  	_ =	swait.ge [sflag:s12], $0x2710  }
0x29: {  	[sflag:s12] =	ssyncset.done $0x0  }
0x2a: {  	[sflag:s12] =	ssyncadd.s32 $0xFFFFD8F0  }
0x2b: {  	[bflag:$0x0] =	sbarrier.arrive $0xFFFF  }
0x2c: {  	[tilespmem:s15], [sflag:$0x1] =	stream.indirect.gather [hbm4b:s4+s14], $0x40, s21, s14, $0xb8;
	[tilespmem:$0x1F220] =	vst v63  }
0x2d: {  	_ = 	snop  }
0x2e: {  	[tilespmem:s16], [sflag:$0x2] =	stream.indirect.gather [hbm4b:s4+s14], $0x40, s14, s14, $0xb8;
	[tilespmem:$0x1F220] =	vst v63  }
0x2f: {  	_ =	swait.ge [sflag:s17], $0x1400  }
0x30: {  	[sflag:s17] =	ssyncset.done $0x0  }
0x31: {  	[sflag:s17] =	ssyncadd.s32 $0xFFFFEC00  }
0x32: {  	[spmem:s2] =	stream.indirect.scatter.add.f32 [tilespmem:s15], [sflag:$0x6], $0x40, s13, s14, $0xb8;
	[tilespmem:$0x1F220] =	vst v63  }
0x33: {  	s22 =	simm.s32 $0xA0  }
0x34: {  	[tilespmem:s19], [sflag:$0x3] =	stream.indirect.gather [hbm4b:s4+s14], $0x40, s22, s14, $0xb8;
	[tilespmem:$0x1F220] =	vst v63  }
0x35: {  	_ =	swait.ge [sflag:s20], $0x1400  }
0x36: {  	[sflag:s20] =	ssyncset.done $0x0  }
0x37: {  	s26 =	simm.s32 $0x2760;
	[sflag:s20] =	ssyncadd.s32 $0xFFFFEC00  }
0x38: {  	[spmem:s2] =	stream.indirect.scatter.add.f32 [tilespmem:s16], [sflag:$0x7], $0x40, s26, s14, $0xb8;
	[tilespmem:$0x1F220] =	vst v63  }
0x39: {  	s21 =	simm.s32 $0xF0  }
0x3a: {  	[tilespmem:s23], [sflag:$0x4] =	stream.indirect.gather [hbm4b:s4+s14], $0x40, s21, s14, $0xb8;
	[tilespmem:$0x1F220] =	vst v63  }
0x3b: {  	_ =	swait.ge [sflag:s24], $0x1400  }
0x3c: {  	[sflag:s24] =	ssyncset.done $0x0  }
0x3d: {  	s22 =	simm.s32 $0x27B0;
	[sflag:s24] =	ssyncadd.s32 $0xFFFFEC00  }
0x3e: {  	[spmem:s2] =	stream.indirect.scatter.add.f32 [tilespmem:s19], [sflag:$0x8], $0x40, s22, s14, $0xb8;
	[tilespmem:$0x1F220] =	vst v63  }
0x3f: {  	s26 =	simm.s32 $0x140  }
0x40: {  	[tilespmem:s28], [sflag:$0x5] =	stream.indirect.gather [hbm4b:s4+s14], $0x40, s26, s14, $0xb8;
	[tilespmem:$0x1F220] =	vst v63  }
0x41: {  	_ =	swait.ge [sflag:s29], $0x1400  }
0x42: {  	[sflag:s29] =	ssyncset.done $0x0  }
0x43: {  	s21 =	simm.s32 $0x2800;
	[sflag:s29] =	ssyncadd.s32 $0xFFFFEC00  }
0x44: {  	[spmem:s2] =	stream.indirect.scatter.add.f32 [tilespmem:s23], [sflag:$0x9], $0x40, s21, s14, $0xb8;
	[tilespmem:$0x1F220] =	vst v63  }
0x45: {  	_ =	swait.ge [sflag:s30], $0x1400  }
0x46: {  	[sflag:s30] =	ssyncset.done $0x0  }
0x47: {  	s22 =	simm.s32 $0x190;
	[sflag:s30] =	ssyncadd.s32 $0xFFFFEC00  }
0x48: {  	[tilespmem:s15], [sflag:$0x1] =	stream.indirect.gather [hbm4b:s4+s14], $0x40, s22, s14, $0xb8;
	[tilespmem:$0x1F220] =	vst v63  }
0x49: {  	_ =	swait.ge [sflag:s31], $0x1400  }
0x4a: {  	[sflag:s31] =	ssyncset.done $0x0  }
0x4b: {  	s26 =	simm.s32 $0x2850;
	[sflag:s31] =	ssyncadd.s32 $0xFFFFEC00  }
0x4c: {  	[spmem:s2] =	stream.indirect.scatter.add.f32 [tilespmem:s28], [sflag:$0xA], $0x40, s26, s14, $0xb8;
	[tilespmem:$0x1F220] =	vst v63  }
0x4d: {  	_ =	swait.ge [sflag:s0], $0x1400  }
0x4e: {  	[sflag:s0] =	ssyncset.done $0x0  }
0x4f: {  	s21 =	simm.s32 $0x1E0;
	[sflag:s0] =	ssyncadd.s32 $0xFFFFEC00  }
0x50: {  	[tilespmem:s16], [sflag:$0x2] =	stream.indirect.gather [hbm4b:s4+s14], $0x40, s21, s14, $0xb8;
	[tilespmem:$0x1F220] =	vst v63  }
0x51: {  	_ =	swait.ge [sflag:s17], $0x1400  }
0x52: {  	[sflag:s17] =	ssyncset.done $0x0  }
0x53: {  	s22 =	simm.s32 $0x28A0;
	[sflag:s17] =	ssyncadd.s32 $0xFFFFEC00  }
0x54: {  	[spmem:s2] =	stream.indirect.scatter.add.f32 [tilespmem:s15], [sflag:$0x6], $0x40, s22, s14, $0xb8;
	[tilespmem:$0x1F220] =	vst v63  }
0x55: {  	_ =	swait.ge [sflag:s10], $0x1400  }
0x56: {  	[sflag:s10] =	ssyncset.done $0x0  }
0x57: {  	s26 =	simm.s32 $0x230;
	[sflag:s10] =	ssyncadd.s32 $0xFFFFEC00  }
0x58: {  	[tilespmem:s19], [sflag:$0x3] =	stream.indirect.gather [hbm4b:s4+s14], $0x40, s26, s14, $0xb8;
	[tilespmem:$0x1F220] =	vst v63  }
0x59: {  	_ =	swait.ge [sflag:s20], $0x1400  }
0x5a: {  	[sflag:s20] =	ssyncset.done $0x0  }
0x5b: {  	s21 =	simm.s32 $0x28F0;
	[sflag:s20] =	ssyncadd.s32 $0xFFFFEC00  }
0x5c: {  	[spmem:s2] =	stream.indirect.scatter.add.f32 [tilespmem:s16], [sflag:$0x7], $0x40, s21, s14, $0xb8;
	[tilespmem:$0x1F220] =	vst v63  }
0x5d: {  	_ =	swait.ge [sflag:s1], $0x1400  }
0x5e: {  	[sflag:s1] =	ssyncset.done $0x0  }
0x5f: {  	s22 =	simm.s32 $0x280;
	[sflag:s1] =	ssyncadd.s32 $0xFFFFEC00  }
0x60: {  	[tilespmem:s23], [sflag:$0x4] =	stream.indirect.gather [hbm4b:s4+s14], $0x40, s22, s14, $0xb8;
	[tilespmem:$0x1F220] =	vst v63  }
0x61: {  	_ =	swait.ge [sflag:s24], $0x1400  }
0x62: {  	[sflag:s24] =	ssyncset.done $0x0  }
0x63: {  	s26 =	simm.s32 $0x2940;
	[sflag:s24] =	ssyncadd.s32 $0xFFFFEC00  }
0x64: {  	[spmem:s2] =	stream.indirect.scatter.add.f32 [tilespmem:s19], [sflag:$0x8], $0x40, s26, s14, $0xb8;
	[tilespmem:$0x1F220] =	vst v63  }
0x65: {  	_ =	swait.ge [sflag:s18], $0x1400  }
0x66: {  	[sflag:s18] =	ssyncset.done $0x0  }
0x67: {  	s21 =	simm.s32 $0x2D0;
	s26 =	simm.s32 $0x640;
	[sflag:s18] =	ssyncadd.s32 $0xFFFFEC00  }
.LBB2_4:
0x68: {  	[tilespmem:s28], [sflag:$0x5] =	stream.indirect.gather [hbm4b:s4+s14], $0x40, s21, s14, $0xb8;
	[tilespmem:$0x1F220] =	vst v63  }
0x69: {  	s3 =	smov.u32 s26  }
0x6a: {  	p0 =	sne.s32 s26, $0x8FC0;
	s26 =	sadd.s32 $0x640, s26;
	_ =	swait.ge [sflag:s29], $0x1400  }
0x6b: {  	s21 =	sshra.s32 s3, $0x2;
	[sflag:s29] =	ssyncset.done $0x0  }
0x6c: {  	s3 =	sadd.s32 $0x2800, s21;
	[sflag:s29] =	ssyncadd.s32 $0xFFFFEC00  }
0x6d: {  	[spmem:s2] =	stream.indirect.scatter.add.f32 [tilespmem:s23], [sflag:$0x9], $0x40, s3, s14, $0xb8;
	[tilespmem:$0x1F220] =	vst v63  }
0x6e: {  	_ =	swait.ge [sflag:s30], $0x1400  }
0x6f: {  	[sflag:s30] =	ssyncset.done $0x0  }
0x70: {  	s3 =	sadd.s32 $0x190, s21;
	[sflag:s30] =	ssyncadd.s32 $0xFFFFEC00  }
0x71: {  	[tilespmem:s15], [sflag:$0x1] =	stream.indirect.gather [hbm4b:s4+s14], $0x40, s3, s14, $0xb8;
	[tilespmem:$0x1F220] =	vst v63  }
0x72: {  	_ =	swait.ge [sflag:s31], $0x1400  }
0x73: {  	[sflag:s31] =	ssyncset.done $0x0  }
0x74: {  	s3 =	sadd.s32 $0x2850, s21;
	[sflag:s31] =	ssyncadd.s32 $0xFFFFEC00  }
0x75: {  	[spmem:s2] =	stream.indirect.scatter.add.f32 [tilespmem:s28], [sflag:$0xA], $0x40, s3, s14, $0xb8;
	[tilespmem:$0x1F220] =	vst v63  }
0x76: {  	_ =	swait.ge [sflag:s0], $0x1400  }
0x77: {  	[sflag:s0] =	ssyncset.done $0x0  }
0x78: {  	s3 =	sadd.s32 $0x1E0, s21;
	[sflag:s0] =	ssyncadd.s32 $0xFFFFEC00  }
0x79: {  	[tilespmem:s16], [sflag:$0x2] =	stream.indirect.gather [hbm4b:s4+s14], $0x40, s3, s14, $0xb8;
	[tilespmem:$0x1F220] =	vst v63  }
0x7a: {  	_ =	swait.ge [sflag:s17], $0x1400  }
0x7b: {  	[sflag:s17] =	ssyncset.done $0x0  }
0x7c: {  	s3 =	sadd.s32 $0x28A0, s21;
	[sflag:s17] =	ssyncadd.s32 $0xFFFFEC00  }
0x7d: {  	[spmem:s2] =	stream.indirect.scatter.add.f32 [tilespmem:s15], [sflag:$0x6], $0x40, s3, s14, $0xb8;
	[tilespmem:$0x1F220] =	vst v63  }
0x7e: {  	_ =	swait.ge [sflag:s10], $0x1400  }
0x7f: {  	[sflag:s10] =	ssyncset.done $0x0  }
0x80: {  	s3 =	sadd.s32 $0x230, s21;
	[sflag:s10] =	ssyncadd.s32 $0xFFFFEC00  }
0x81: {  	[tilespmem:s19], [sflag:$0x3] =	stream.indirect.gather [hbm4b:s4+s14], $0x40, s3, s14, $0xb8;
	[tilespmem:$0x1F220] =	vst v63  }
0x82: {  	_ =	swait.ge [sflag:s20], $0x1400  }
0x83: {  	[sflag:s20] =	ssyncset.done $0x0  }
0x84: {  	s3 =	sadd.s32 $0x28F0, s21;
	[sflag:s20] =	ssyncadd.s32 $0xFFFFEC00  }
0x85: {  	[spmem:s2] =	stream.indirect.scatter.add.f32 [tilespmem:s16], [sflag:$0x7], $0x40, s3, s14, $0xb8;
	[tilespmem:$0x1F220] =	vst v63  }
0x86: {  	_ =	swait.ge [sflag:s1], $0x1400  }
0x87: {  	[sflag:s1] =	ssyncset.done $0x0  }
0x88: {  	s3 =	sadd.s32 $0x280, s21;
	[sflag:s1] =	ssyncadd.s32 $0xFFFFEC00  }
0x89: {  	[tilespmem:s23], [sflag:$0x4] =	stream.indirect.gather [hbm4b:s4+s14], $0x40, s3, s14, $0xb8;
	[tilespmem:$0x1F220] =	vst v63  }
0x8a: {  	_ =	swait.ge [sflag:s24], $0x1400  }
0x8b: {  	[sflag:s24] =	ssyncset.done $0x0  }
.Ltmp1:
0x8c: {  	s3 =	sadd.s32 $0x2940, s21;
	[sflag:s24] =	ssyncadd.s32 $0xFFFFEC00;
	(pc) =	sbr.rel @p0 .LBB2_4-.Ltmp1, $4  }
0x8d: {  	[spmem:s2] =	stream.indirect.scatter.add.f32 [tilespmem:s19], [sflag:$0x8], $0x40, s3, s14, $0xb8;
	[tilespmem:$0x1F220] =	vst v63  }
0x8e: {  	_ =	swait.ge [sflag:s18], $0x1400  }
0x8f: {  	[sflag:s18] =	ssyncset.done $0x0  }
0x90: {  	s21 =	sadd.s32 $0x2D0, s21;
	[sflag:s18] =	ssyncadd.s32 $0xFFFFEC00  }
0x91: {  	[tilespmem:s28], [sflag:$0x5] =	stream.indirect.gather [hbm4b:s4+s14], $0x40, s21, s14, $0xb8;
	[tilespmem:$0x1F220] =	vst v63  }
0x92: {  	_ =	swait.ge [sflag:s29], $0x1400  }
0x93: {  	[sflag:s29] =	ssyncset.done $0x0  }
0x94: {  	s3 =	simm.s32 $0x4D80;
	[sflag:s29] =	ssyncadd.s32 $0xFFFFEC00  }
0x95: {  	[spmem:s2] =	stream.indirect.scatter.add.f32 [tilespmem:s23], [sflag:$0x9], $0x40, s3, s14, $0xb8;
	[tilespmem:$0x1F220] =	vst v63  }
0x96: {  	_ =	swait.ge [sflag:s30], $0x1400  }
0x97: {  	[sflag:s30] =	ssyncset.done $0x0  }
0x98: {  	[sflag:s30] =	ssyncadd.s32 $0xFFFFEC00  }
0x99: {  	_ =	swait.ge [sflag:s31], $0x1400  }
0x9a: {  	[sflag:s31] =	ssyncset.done $0x0  }
0x9b: {  	s21 =	simm.s32 $0x4DD0;
	[sflag:s31] =	ssyncadd.s32 $0xFFFFEC00  }
0x9c: {  	[spmem:s2] =	stream.indirect.scatter.add.f32 [tilespmem:s28], [sflag:$0xA], $0x40, s21, s14, $0xb8;
	[tilespmem:$0x1F220] =	vst v63  }
0x9d: {  	_ =	swait.ge [sflag:s0], $0x1400  }
0x9e: {  	[sflag:s0] =	ssyncset.done $0x0  }
0x9f: {  	[sflag:s0] =	ssyncadd.s32 $0xFFFFEC00  }
0xa0: {  	_ =	swait.ge [sflag:s10], $0x1400  }
0xa1: {  	[sflag:s10] =	ssyncset.done $0x0  }
0xa2: {  	[sflag:s10] =	ssyncadd.s32 $0xFFFFEC00  }
0xa3: {  	_ =	swait.ge [sflag:s1], $0x1400  }
0xa4: {  	[sflag:s1] =	ssyncset.done $0x0  }
0xa5: {  	[sflag:s1] =	ssyncadd.s32 $0xFFFFEC00  }
0xa6: {  	s22 =	stileid.u32;
	_ =	swait.ge [sflag:s18], $0x1400  }
0xa7: {  	s26 =	sshrl.u32 s5, $0x3;
	s25 =	sadd.s32 $0x1, s25;
	[sflag:s18] =	ssyncset.done $0x0  }
0xa8: {  	p0 =	sne.s32 s25, s9;
	s3 =	sshll.u32 s22, $0x6;
	[sflag:s18] =	ssyncadd.s32 $0xFFFFEC00  }
.Ltmp2:
0xa9: {  	s3 =	sor.u32 $0x1C0C, s3;
	[bflag:$0x0] =	sbarrier.arrive $0xFFFF;
	(pc) =	sbr.rel @p0 .LBB2_1-.Ltmp2, $4  }
0xaa: {  	[hbm:s8], [sflag:s3] =	dma.local [spmem:s26], $0x1400  }
0xab: {  	_ =	swait.ge [sflag:s11], $0x1400  }
0xac: {  	[sflag:s11] =	ssyncset.done $0x0  }
0xad: {  	[sflag:s11] =	ssyncadd.s32 $0xFFFFEC00  }
0xae: {  	_ =	sfence.sel $0x180000  }
0xaf: {  	[bflag:$0x0] =	sbarrier.arrive $0xFFFF  }
0xb0: {  	_ =	strace $0x9000004A  }
0xb1: {  	s0 =	stileid.u32;
	[bflag:$0x2] =	sbarrier.arrive $0xFFFF  }
0xb2: {  	p0 =	sne.s32 s0, $0x0;
	s0 =	rddreg [dreg:$0x4]  }
0xb3: {  	s0 =	sadd.s32 @!p0 $0x100000, s0  }
0xb4: {  	[sflag:s0] =	ssyncadd.tile.s32 @!p0 $0x1;
	_ =	shalt  }
.Lfunc_end2:
_tile_overlayer_lowered:
.L_overlay_start_2:
0xb5: {  	(tag) =	ssettag $0x2  }
0xb6: {  	s0 =	rddreg [dreg:$0x0];
	s2 =	stileid.u32  }
0xb7: {  	s1 =	rddreg [dreg:$0x1];
	p0 =	sne.s32 s2, $0x0  }
0xb8: {  	s3 =	rddreg [dreg:$0x2];
	[bflag:$0x3] =	sbarrier.arrive $0xFFFF;
	s2 =	simm.s32 @!p0 $0x1C0C  }
0xb9: {  	[timem:s3], [sflag:s2] =	dma.local @!p0 [hbm:s0], s1  }
0xba: {  	s0 =	simm.s32 @!p0 $0xC  }
0xbb: {  	_ =	swait.ge @!p0 [sflag:s0], s1  }
0xbc: {  	s1 =	ssub.s32 @!p0 $0x0, s1;
	[sflag:s0] =	ssyncset.done @!p0 $0x0  }
0xbd: {  	[sflag:s0] =	ssyncadd.s32 @!p0 s1  }
0xbe: {  	[bflag:$0x3] =	sbarrier.arrive $0xFFFF  }
0xbf: {  	_ =	shalt  }

// kernel: kernel.14.cloned.1.call-start
scs
__scs_entry_jumppad:
0x0: {  	(pc) =	sbr.rel $0x88, $3  }
0x1: {  	(tag) =	ssettag $0x0;
	lr =	simm.s32 $0x1  }
0x2: {  	[smem:$0x3F99] =	sst lr;
	_ =	strace $0xD0000000  }
0x3: {  	_ = 	snop  }
0x4: {  	_ = 	snop  }
0x5: {  	_ = 	snop  }
0x6: {  	_ = 	snop  }
0x7: {  	_ = 	snop  }
__scs_overlays_trampoline_lowered:
0x8: {  	[smem:$0x3FA8] =	sst s0  }
0x9: {  	[smem:$0x3FA9] =	sst s1  }
0xa: {  	[smem:$0x3FAA] =	sst s2  }
0xb: {  	[smem:$0x3FAB] =	sst s3  }
0xc: {  	[smem:$0x3FAC] =	sst s4  }
0xd: {  	[smem:$0x3FAD] =	sst s5  }
0xe: {  	[smem:$0x3FAE] =	sst s6  }
0xf: {  	[smem:$0x3FAF] =	sst s7  }
0x10: {  	[smem:$0x3FB0] =	sst s8  }
0x11: {  	[smem:$0x3FB1] =	sst s9;
	s0 =	simm.s32 @!p0 $0x0  }
0x12: {  	s1 =	sld [smem:$0x3F97];
	s0 =	simm.s32 @p0 $0x1  }
0x13: {  	[smem:$0x3FB2] =	sst s0;
	s0 =	simm.s32 @!p1 $0x0  }
0x14: {  	s2 =	sld [smem:$0x3F96];
	s0 =	simm.s32 @p1 $0x1  }
0x15: {  	[smem:$0x3FB3] =	sst s0;
	s0 =	simm.s32 @!p2 $0x0  }
0x16: {  	s3 =	sld [smem:$0x3FDB];
	s0 =	simm.s32 @p2 $0x1  }
0x17: {  	s4 =	simm.s32 $0x1BF5;
	[smem:$0x3FB5] =	sst s0  }
0x18: {  	s0 =	sld [smem:$0x3F98];
	_ =	swait.ge [sflag:s4], $0x0  }
0x19: {  	s7 =	sld [smem:$0x3F99]  }
0x1a: {  	s8 =	sadd.s32 $0xFFFFE003, lr  }
0x1b: {  	s9 =	sadd.s32 $0xFFFFFEF7, lr;
	s5 =	simm.s32 $0xFFFFFFFF;
	p2 =	slt.u32 s8, $0xFFFFF086  }
0x1c: {  	p1 =	slt.u32 s9, $0xF7A;
	s5 =	simm.s32 @!p2 $0x0  }
0x1d: {  	s5 =	simm.s32 @p1 $0x1;
	p0 =	seq.s32 s7, s2  }
0x1e: {  	s7 =	smul.u32 @!p0 $0xF7A, s2;
	p2 =	seq.s32 @!p0 s5, $0x0  }
0x1f: {  	s9 =	smul.u32 $0xF7A, s1;
	s8 =	simm.s32 @!p0 $0x1BF5;
	p2 =	por !p2, p0  }
0x20: {  	[sflag:s8] =	ssyncset.s32 @!p0 $0xFFFFF086;
	s6 =	sadd.s32 @!p0 s3, s7;
	s7 =	simm.s32 @!p0 $0x108  }
0x21: {  	s3 =	sadd.s32 s3, s9;
	s6 =	sadd.s32 @!p0 $0x88, s6;
	s7 =	simm.s32 @p2 $0x1082  }
0x22: {  	[simem:s7], [sflag:s8] =	dma.local @!p0 [hbm:s6], $0xF7A  }
0x23: {  	s9 =	sor.u32 $0xD0000000, s2;
	s6 =	simm.s32 $0x108;
	_ =	swait.ge @!p0 [sflag:s8], $0x0  }
0x24: {  	s3 =	sadd.s32 $0x88, s3;
	s6 =	simm.s32 @!p1 $0x1082;
	[sflag:s4] =	ssyncset.s32 $0xFFFFF086  }
0x25: {  	[simem:s6], [sflag:s4] =	dma.local [hbm:s3], $0xF7A  }
0x26: {  	[smem:$0x3F99] =	sst s1;
	(tag) =	ssettag s2;
	_ =	strace s9  }
0x27: {  	s1 =	sld [smem:$0x3FA9]  }
0x28: {  	s2 =	sld [smem:$0x3FAA]  }
0x29: {  	s4 =	sld [smem:$0x3FAC]  }
0x2a: {  	p0 =	seq.s32 s5, $0x0;
	s5 =	sld [smem:$0x3FAD]  }
0x2b: {  	s6 =	sld [smem:$0x3FAE]  }
0x2c: {  	s7 =	sld [smem:$0x3FAF]  }
0x2d: {  	s3 =	simm.s32 $0x108;
	s8 =	sld [smem:$0x3FB0]  }
0x2e: {  	s3 =	simm.s32 @!p0 $0x1082;
	s9 =	sld [smem:$0x3FB1]  }
0x2f: {  	lr =	sadd.s32 s0, s3;
	s0 =	sld [smem:$0x3FA8]  }
0x30: {  	s3 =	sld [smem:$0x3FAB]  }
0x31: {  	[smem:$0x3FB4] =	sst s10  }
0x32: {  	s10 =	sld [smem:$0x3FB2];
	_ =	sdelay $0x3  }
0x33: {  	p0 =	seq.s32 s10, $0x1;
	s10 =	sld [smem:$0x3FB4];
	_ =	sdelay $0x3  }
0x34: {  	[smem:$0x3FB4] =	sst s10  }
0x35: {  	s10 =	sld [smem:$0x3FB3];
	_ =	sdelay $0x3  }
0x36: {  	p1 =	seq.s32 s10, $0x1;
	s10 =	sld [smem:$0x3FB4];
	_ =	sdelay $0x3  }
0x37: {  	[smem:$0x3FB4] =	sst s10  }
0x38: {  	s10 =	sld [smem:$0x3FB5]  }
0x39: {  	_ = 	snop;
	(pc) =	sbr.ind lr, $3  }
0x3a: {  	_ = 	snop  }
0x3b: {  	_ = 	snop  }
0x3c: {  	p2 =	seq.s32 s10, $0x1;
	s10 =	sld [smem:$0x3FB4]  }
0x3d: {  	_ =	shalt  }
0x3e: {  	_ =	shalt  }
0x3f: {  	_ =	shalt  }
0x40: {  	_ =	shalt  }
0x41: {  	_ =	shalt  }
0x42: {  	_ =	shalt  }
0x43: {  	_ =	shalt  }
0x44: {  	_ =	shalt  }
0x45: {  	_ =	shalt  }
0x46: {  	_ =	shalt  }
0x47: {  	_ =	shalt  }
0x48: {  	_ =	shalt  }
0x49: {  	_ =	shalt  }
0x4a: {  	_ =	shalt  }
0x4b: {  	_ =	shalt  }
0x4c: {  	_ =	shalt  }
0x4d: {  	_ =	shalt  }
0x4e: {  	_ =	shalt  }
0x4f: {  	_ =	shalt  }
0x50: {  	_ =	shalt  }
0x51: {  	_ =	shalt  }
0x52: {  	_ =	shalt  }
0x53: {  	_ =	shalt  }
0x54: {  	_ =	shalt  }
0x55: {  	_ =	shalt  }
0x56: {  	_ =	shalt  }
0x57: {  	_ =	shalt  }
0x58: {  	_ =	shalt  }
0x59: {  	_ =	shalt  }
0x5a: {  	_ =	shalt  }
0x5b: {  	_ =	shalt  }
0x5c: {  	_ =	shalt  }
0x5d: {  	_ =	shalt  }
0x5e: {  	_ =	shalt  }
0x5f: {  	_ =	shalt  }
0x60: {  	_ =	shalt  }
0x61: {  	_ =	shalt  }
0x62: {  	_ =	shalt  }
0x63: {  	_ =	shalt  }
0x64: {  	_ =	shalt  }
0x65: {  	_ =	shalt  }
0x66: {  	_ =	shalt  }
0x67: {  	_ =	shalt  }
0x68: {  	_ =	shalt  }
0x69: {  	_ =	shalt  }
0x6a: {  	_ =	shalt  }
0x6b: {  	_ =	shalt  }
0x6c: {  	_ =	shalt  }
0x6d: {  	_ =	shalt  }
0x6e: {  	_ =	shalt  }
0x6f: {  	_ =	shalt  }
0x70: {  	_ =	shalt  }
0x71: {  	_ =	shalt  }
0x72: {  	_ =	shalt  }
0x73: {  	_ =	shalt  }
0x74: {  	_ =	shalt  }
0x75: {  	_ =	shalt  }
0x76: {  	_ =	shalt  }
0x77: {  	_ =	shalt  }
0x78: {  	_ =	shalt  }
0x79: {  	_ =	shalt  }
0x7a: {  	_ =	shalt  }
0x7b: {  	_ =	shalt  }
0x7c: {  	_ =	shalt  }
0x7d: {  	_ =	shalt  }
0x7e: {  	_ =	shalt  }
0x7f: {  	_ =	shalt  }
0x80: {  	_ =	shalt  }
0x81: {  	_ =	shalt  }
0x82: {  	_ =	shalt  }
0x83: {  	_ =	shalt  }
0x84: {  	_ =	shalt  }
0x85: {  	_ =	shalt  }
0x86: {  	_ =	shalt  }
0x87: {  	_ =	shalt  }
.Lfunc_end0:
.L_simem_size_0:
called_computation.2_lowered:
.L_overlay_start_0:
0x88: {  	s2 =	sld [smem:$0x3FD9]  }
0x89: {  	s3 =	sld [smem:$0x3FFE];
	_ =	sdelay $0x1  }
0x8a: {  	s1 =	srdreg.scid  }
0x8b: {  	s0 =	sand.u32 $0x1, s1  }
0x8c: {  	s14 =	sshll.u32 s0, $0xA;
	s2 =	sadd.s32 s3, s2  }
0x8d: {  	s2 =	sadd.s32 s2, s14  }
0x8e: {  	[smem:$0x3FC0] =	sst s2  }
0x8f: {  	_ = 	snop  }
0x90: {  	s2 =	sld [smem:$0x3FD0];
	_ =	sdelay $0x2  }
0x91: {  	s15 =	simm.s32 $0xA;
	s4 =	simm.s32 $0x10  }
0x92: {  	[smem:s4], [sflag:s15] =	dma.local [hbm:s2], $0x1  }
0x93: {  	_ =	swait.eq [sflag:s15], $0x1  }
0x94: {  	[sflag:s15] =	ssyncset.done $0x0  }
0x95: {  	s16 =	sld [smem:$0x10];
	[sflag:s15] =	ssyncadd.s32 $0xFFFFFFFF  }
0x96: {  	s17 =	sld [smem:$0x11];
	(tm) =	ssettm $0x1  }
0x97: {  	s18 =	sld [smem:$0x3FFB];
	_ =	sdelay $0x3  }
0x98: {  	_ =	strace s18  }
0x99: {  	s4 =	sld [smem:$0x3FFC];
	_ =	sdelay $0x3  }
0x9a: {  	_ =	strace s4  }
0x9b: {  	s4 =	sld [smem:$0x3FFD];
	_ =	sdelay $0x3  }
0x9c: {  	_ =	strace s4  }
0x9d: {  	_ =	strace $0x8FFFFFFF  }
0x9e: {  	s19 =	sld [smem:$0x3FDB];
	_ =	sdelay $0x1  }
0x9f: {  	s5 =	simm.s32 $_scs_section_size  }
0xa0: {  	s6 =	simm.s32 $_size__tile_overlayer_lowered;
	s7 =	simm.s32 $_tile_overlayer_lowered  }
0xa1: {  	s22 =	simm.s32 $0x1BFF;
	s21 =	sshll.u32 s7, $0x1;
	s4 =	sadd.s32 s5, s19  }
0xa2: {  	s8 =	simm.s32 $0x0;
	s20 =	sshll.u32 s6, $0x1;
	s6 =	sadd.s32 s21, s4  }
0xa3: {  	[timem:s8], [sflag:s22] =	dma.local [hbm:s6], s20  }
0xa4: {  	_ =	swait.ge [sflag:s22], s20  }
0xa5: {  	s5 =	ssub.s32 $0x0, s20;
	[sflag:s22] =	ssyncset.done $0x0  }
0xa6: {  	[sflag:s22] =	ssyncadd.s32 s5;
	_ =	sdelay $0x1  }
0xa7: {  	s23 =	simm.s32 $0x1B8B  }
0xa8: {  	_ =	swait.ge [sflag:s23], $0x1  }
0xa9: {  	[sflag:s23] =	ssyncset.done $0x0  }
0xaa: {  	s25 =	simm.s32 $0x1B8E;
	s24 =	sld [smem:$0x3FFE];
	[sflag:s23] =	ssyncadd.s32 $0xFFFFFFFF  }
0xab: {  	s26 =	simm.s32 $execute0_lowered;
	[smem:$0x3FD2] =	sst s25  }
0xac: {  	s6 =	sshll.u32 s26, $0x1;
	_ =	strace $0x8000004C;
	[dreg:$0x1] =	wrdreg $0xFFFFFFFF  }
0xad: {  	s28 =	simm.s32 $_size_execute0_lowered;
	s4 =	sadd.s32 s4, s6;
	[dreg:$0x0] =	wrdreg $0x0  }
0xae: {  	s6 =	sshll.u32 s28, $0x1;
	[dreg:$0x2] =	wrdreg s4  }
0xaf: {  	[dreg:$0x3] =	wrdreg s6  }
0xb0: {  	[dreg:$0x4] =	wrdreg $0xC0  }
0xb1: {  	_ =	task [dreg:s8], $0x5FFFF  }
0xb2: {  	[dreg:$0x1] =	wrdreg $0xFFFFFFFF  }
0xb3: {  	[dreg:$0x0] =	wrdreg $0x60  }
0xb4: {  	[dreg:$0x2] =	wrdreg s24  }
0xb5: {  	[dreg:$0x3] =	wrdreg s17  }
0xb6: {  	[dreg:$0x4] =	wrdreg s16  }
0xb7: {  	[dreg:$0x5] =	wrdreg $0x152200  }
0xb8: {  	[dreg:$0x6] =	wrdreg $0x9  }
0xb9: {  	_ =	task.clear_ibuf [dreg:s8], $0x7FFFF;
	_ =	strace $0x9000004C  }
0xba: {  	s29 =	simm.s32 $0x9;
	_ =	strace $0x8000004E  }
0xbb: {  	_ =	swait.ge [sflag:s29], $0x1  }
0xbc: {  	[sflag:s29] =	ssyncadd.s32 $0xFFFFFFFF  }
0xbd: {  	_ =	strace $0x9000004E  }
0xbe: {  	_ =	sfence  }
0xbf: {  	s30 =	sld [smem:$0x0];
	_ =	sdelay $0x2  }
0xc0: {  	s31 =	sshll.u32 s1, $0xD;
	s1 =	sshrl.u32 s1, $0x2  }
0xc1: {  	s3 =	sand.u32 $0x4000, s31;
	s1 =	sadd.s32 s1, s30  }
0xc2: {  	s0 =	sor.u32 s3, s0;
	s1 =	sshll.u32 s1, $0x11  }
0xc3: {  	s0 =	sor.u32 s1, s0  }
0xc4: {  	s0 =	sadd.s32 $0x8F2B, s0  }
0xc5: {  	[sflag:s0] =	ssyncadd.remote.s32 $0x1  }
0xc6: {  	_ =	sfence.sel $0xFFFF  }
0xc7: {  	[dreg:$0x0] =	wrdreg $0xFFFFFFFF;
	(pc) =	sbr.abs _section_cstart, $3  }
0xc8: {  	[dreg:$0x1] =	wrdreg $0xFFFFFFFF  }
0xc9: {  	_ =	task.clear_ibuf [dreg:s8], $0x2FFFF;
	_ =	strace $0x9FFFFFFF  }
0xca: {  	(tm) =	ssettm $0x7FFFFFFF  }
0xcb: {  	_ =	shalt  }
tec
execute0_lowered:
.L_overlay_start_1:
0x0: {  	(tag) =	ssettag $0x1  }
0x1: {  	s0 =	rddreg [dreg:$0x0]  }
0x2: {  	s1 =	rddreg [dreg:$0x1]  }
0x3: {  	s7 =	rddreg [dreg:$0x2]  }
0x4: {  	s2 =	rddreg [dreg:$0x3];
	s4 =	srdreg.scid  }
0x5: {  	s3 =	stileid.u32;
	s6 =	simm.s32 $0x0;
	s11 =	simm.s32 $0xC  }
0x6: {  	s12 =	simm.s32 $0xB;
	s13 =	simm.s32 $0x2710;
	s14 =	simm.s32 $0x50  }
0x7: {  	s15 =	simm.s32 $0x4E20;
	s16 =	simm.s32 $0x6220;
	s17 =	simm.s32 $0x1  }
0x8: {  	s19 =	simm.s32 $0x7620;
	s20 =	simm.s32 $0x2;
	s23 =	simm.s32 $0x8A20  }
0x9: {  	s28 =	simm.s32 $0x9E20;
	s29 =	simm.s32 $0x4;
	s30 =	simm.s32 $0x6  }
0xa: {  	s31 =	simm.s32 $0x5;
	s4 =	sand.u32 $0x1, s4;
	s5 =	smul.u32 $0xA000, s3  }
0xb: {  	s18 =	simm.s32 $0xA;
	[smem:$0x7FF] =	sst s6;
	s24 =	smul.u32 $0xA0000, s4  }
0xc: {  	_ =	strace $0x8000004D;
	s8 =	sshll.u32 s4, $0x4;
	s9 =	ssub.s32 $0x2, s4  }
0xd: {  	s4 =	sadd.s32 $0x29800, s0;
	s25 =	sor.u32 s3, s8;
	s26 =	sshrl.u32 s9, $0x1  }
0xe: {  	s6 =	sadd.s32 s5, s24;
	s10 =	smul.u32 $0x4E2, s25;
	s9 =	ssub.s32 s9, s26  }
0xf: {  	s5 =	sadd.s32 s5, s2;
	s24 =	simm.s32 $0x3;
	s6 =	sshrl.u32 s6, $0x3  }
0x10: {  	s25 =	simm.s32 $0x0;
	s9 =	smax.u32 s9, $0x1;
	s0 =	sadd.s32 s6, s0  }
0x11: {  	s6 =	sadd.s32 s1, s10;
	s7 =	sadd.s32 s7, s10;
	s10 =	simm.s32 $0x8  }
0x12: {  	v0 =	vimm.f32 $0.0e+00;
	s1 =	simm.s32 $0x9;
	s8 =	sadd.s32 $0x3D200, s0;
	s0 =	simm.s32 $0x7  }
.LBB2_1:
0x13: {  	s3 =	simm.s32 $0x0  }
0x14: {  	s21 =	sand.u32 $0x3FF00, s3  }
0x15: {  	s22 =	sand.u32 $0x30, s3;
	s26 =	sshrl.u32 s21, $0x2  }
0x16: {  	s21 =	simm.s32 $0x40;
	s22 =	sor.u32 s22, s26;
	s26 =	simm.s32 $0x0  }
.LBB2_2:
0x17: {  	p0 =	sne.s32 s21, $0x27FC0  }
0x18: {  	[tilespmem:s22+$0xB220] =	vst v0;
	s26 =	sadd.s32 $0x10, s26;
	s22 =	smov.u32 s21;
	s21 =	sadd.s32 $0x40, s21  }
.Ltmp0:
0x19: {  	(pc) =	sbr.rel @p0 .LBB2_2-.Ltmp0, $4  }
0x1a: {  	_ = 	snop  }
0x1b: {  	s22 =	sand.u32 $0x3FF00, s22  }
0x1c: {  	s3 =	sand.u32 $0x30, s26;
	s22 =	sshrl.u32 s22, $0x2  }
0x1d: {  	s22 =	sor.u32 s3, s22  }
0x1e: {  	[tilespmem:s22+$0xB220] =	vst v0;
	s3 =	simm.s32 $0xB220  }
0x1f: {  	[spmem:s5] =	stream.linear.scatter [tilespmem:s3], [sflag:$0xC], $0xA000, $0x38;
	[tilespmem:$0x1F220] =	vst v63  }
0x20: {  	_ =	swait.ge [sflag:s11], $0xA000  }
0x21: {  	[sflag:s11] =	ssyncset.done $0x0  }
0x22: {  	s21 =	simm.s32 $0x0;
	[sflag:s11] =	ssyncadd.s32 $0xFFFF6000  }
0x23: {  	[tilespmem:s21], [sflag:$0xB] =	stream.linear.gather [hbm4b:s6+s21], $0x2710, $0x38;
	[tilespmem:$0x1F220] =	vst v63  }
0x24: {  	_ =	swait.ge [sflag:s12], $0x2710  }
0x25: {  	[sflag:s12] =	ssyncset.done $0x0  }
0x26: {  	[sflag:s12] =	ssyncadd.s32 $0xFFFFD8F0  }
0x27: {  	[tilespmem:s13], [sflag:$0xB] =	stream.linear.gather [hbm4b:s7+s21], $0x2710, $0x38;
	[tilespmem:$0x1F220] =	vst v63  }
0x28: {  	_ =	swait.ge [sflag:s12], $0x2710  }
0x29: {  	[sflag:s12] =	ssyncset.done $0x0  }
0x2a: {  	[sflag:s12] =	ssyncadd.s32 $0xFFFFD8F0  }
0x2b: {  	[bflag:$0x0] =	sbarrier.arrive $0xFFFF  }
0x2c: {  	[tilespmem:s15], [sflag:$0x1] =	stream.indirect.gather [hbm4b:s4+s14], $0x40, s21, s14, $0xb8;
	[tilespmem:$0x1F220] =	vst v63  }
0x2d: {  	_ = 	snop  }
0x2e: {  	[tilespmem:s16], [sflag:$0x2] =	stream.indirect.gather [hbm4b:s4+s14], $0x40, s14, s14, $0xb8;
	[tilespmem:$0x1F220] =	vst v63  }
0x2f: {  	_ =	swait.ge [sflag:s17], $0x1400  }
0x30: {  	[sflag:s17] =	ssyncset.done $0x0  }
0x31: {  	[sflag:s17] =	ssyncadd.s32 $0xFFFFEC00  }
0x32: {  	[spmem:s2] =	stream.indirect.scatter.add.f32 [tilespmem:s15], [sflag:$0x6], $0x40, s13, s14, $0xb8;
	[tilespmem:$0x1F220] =	vst v63  }
0x33: {  	s22 =	simm.s32 $0xA0  }
0x34: {  	[tilespmem:s19], [sflag:$0x3] =	stream.indirect.gather [hbm4b:s4+s14], $0x40, s22, s14, $0xb8;
	[tilespmem:$0x1F220] =	vst v63  }
0x35: {  	_ =	swait.ge [sflag:s20], $0x1400  }
0x36: {  	[sflag:s20] =	ssyncset.done $0x0  }
0x37: {  	s26 =	simm.s32 $0x2760;
	[sflag:s20] =	ssyncadd.s32 $0xFFFFEC00  }
0x38: {  	[spmem:s2] =	stream.indirect.scatter.add.f32 [tilespmem:s16], [sflag:$0x7], $0x40, s26, s14, $0xb8;
	[tilespmem:$0x1F220] =	vst v63  }
0x39: {  	s21 =	simm.s32 $0xF0  }
0x3a: {  	[tilespmem:s23], [sflag:$0x4] =	stream.indirect.gather [hbm4b:s4+s14], $0x40, s21, s14, $0xb8;
	[tilespmem:$0x1F220] =	vst v63  }
0x3b: {  	_ =	swait.ge [sflag:s24], $0x1400  }
0x3c: {  	[sflag:s24] =	ssyncset.done $0x0  }
0x3d: {  	s22 =	simm.s32 $0x27B0;
	[sflag:s24] =	ssyncadd.s32 $0xFFFFEC00  }
0x3e: {  	[spmem:s2] =	stream.indirect.scatter.add.f32 [tilespmem:s19], [sflag:$0x8], $0x40, s22, s14, $0xb8;
	[tilespmem:$0x1F220] =	vst v63  }
0x3f: {  	s26 =	simm.s32 $0x140  }
0x40: {  	[tilespmem:s28], [sflag:$0x5] =	stream.indirect.gather [hbm4b:s4+s14], $0x40, s26, s14, $0xb8;
	[tilespmem:$0x1F220] =	vst v63  }
0x41: {  	_ =	swait.ge [sflag:s29], $0x1400  }
0x42: {  	[sflag:s29] =	ssyncset.done $0x0  }
0x43: {  	s21 =	simm.s32 $0x2800;
	[sflag:s29] =	ssyncadd.s32 $0xFFFFEC00  }
0x44: {  	[spmem:s2] =	stream.indirect.scatter.add.f32 [tilespmem:s23], [sflag:$0x9], $0x40, s21, s14, $0xb8;
	[tilespmem:$0x1F220] =	vst v63  }
0x45: {  	_ =	swait.ge [sflag:s30], $0x1400  }
0x46: {  	[sflag:s30] =	ssyncset.done $0x0  }
0x47: {  	s22 =	simm.s32 $0x190;
	[sflag:s30] =	ssyncadd.s32 $0xFFFFEC00  }
0x48: {  	[tilespmem:s15], [sflag:$0x1] =	stream.indirect.gather [hbm4b:s4+s14], $0x40, s22, s14, $0xb8;
	[tilespmem:$0x1F220] =	vst v63  }
0x49: {  	_ =	swait.ge [sflag:s31], $0x1400  }
0x4a: {  	[sflag:s31] =	ssyncset.done $0x0  }
0x4b: {  	s26 =	simm.s32 $0x2850;
	[sflag:s31] =	ssyncadd.s32 $0xFFFFEC00  }
0x4c: {  	[spmem:s2] =	stream.indirect.scatter.add.f32 [tilespmem:s28], [sflag:$0xA], $0x40, s26, s14, $0xb8;
	[tilespmem:$0x1F220] =	vst v63  }
0x4d: {  	_ =	swait.ge [sflag:s0], $0x1400  }
0x4e: {  	[sflag:s0] =	ssyncset.done $0x0  }
0x4f: {  	s21 =	simm.s32 $0x1E0;
	[sflag:s0] =	ssyncadd.s32 $0xFFFFEC00  }
0x50: {  	[tilespmem:s16], [sflag:$0x2] =	stream.indirect.gather [hbm4b:s4+s14], $0x40, s21, s14, $0xb8;
	[tilespmem:$0x1F220] =	vst v63  }
0x51: {  	_ =	swait.ge [sflag:s17], $0x1400  }
0x52: {  	[sflag:s17] =	ssyncset.done $0x0  }
0x53: {  	s22 =	simm.s32 $0x28A0;
	[sflag:s17] =	ssyncadd.s32 $0xFFFFEC00  }
0x54: {  	[spmem:s2] =	stream.indirect.scatter.add.f32 [tilespmem:s15], [sflag:$0x6], $0x40, s22, s14, $0xb8;
	[tilespmem:$0x1F220] =	vst v63  }
0x55: {  	_ =	swait.ge [sflag:s10], $0x1400  }
0x56: {  	[sflag:s10] =	ssyncset.done $0x0  }
0x57: {  	s26 =	simm.s32 $0x230;
	[sflag:s10] =	ssyncadd.s32 $0xFFFFEC00  }
0x58: {  	[tilespmem:s19], [sflag:$0x3] =	stream.indirect.gather [hbm4b:s4+s14], $0x40, s26, s14, $0xb8;
	[tilespmem:$0x1F220] =	vst v63  }
0x59: {  	_ =	swait.ge [sflag:s20], $0x1400  }
0x5a: {  	[sflag:s20] =	ssyncset.done $0x0  }
0x5b: {  	s21 =	simm.s32 $0x28F0;
	[sflag:s20] =	ssyncadd.s32 $0xFFFFEC00  }
0x5c: {  	[spmem:s2] =	stream.indirect.scatter.add.f32 [tilespmem:s16], [sflag:$0x7], $0x40, s21, s14, $0xb8;
	[tilespmem:$0x1F220] =	vst v63  }
0x5d: {  	_ =	swait.ge [sflag:s1], $0x1400  }
0x5e: {  	[sflag:s1] =	ssyncset.done $0x0  }
0x5f: {  	s22 =	simm.s32 $0x280;
	[sflag:s1] =	ssyncadd.s32 $0xFFFFEC00  }
0x60: {  	[tilespmem:s23], [sflag:$0x4] =	stream.indirect.gather [hbm4b:s4+s14], $0x40, s22, s14, $0xb8;
	[tilespmem:$0x1F220] =	vst v63  }
0x61: {  	_ =	swait.ge [sflag:s24], $0x1400  }
0x62: {  	[sflag:s24] =	ssyncset.done $0x0  }
0x63: {  	s26 =	simm.s32 $0x2940;
	[sflag:s24] =	ssyncadd.s32 $0xFFFFEC00  }
0x64: {  	[spmem:s2] =	stream.indirect.scatter.add.f32 [tilespmem:s19], [sflag:$0x8], $0x40, s26, s14, $0xb8;
	[tilespmem:$0x1F220] =	vst v63  }
0x65: {  	_ =	swait.ge [sflag:s18], $0x1400  }
0x66: {  	[sflag:s18] =	ssyncset.done $0x0  }
0x67: {  	s21 =	simm.s32 $0x2D0;
	s26 =	simm.s32 $0x640;
	[sflag:s18] =	ssyncadd.s32 $0xFFFFEC00  }
.LBB2_4:
0x68: {  	[tilespmem:s28], [sflag:$0x5] =	stream.indirect.gather [hbm4b:s4+s14], $0x40, s21, s14, $0xb8;
	[tilespmem:$0x1F220] =	vst v63  }
0x69: {  	s3 =	smov.u32 s26  }
0x6a: {  	p0 =	sne.s32 s26, $0x8FC0;
	s26 =	sadd.s32 $0x640, s26;
	_ =	swait.ge [sflag:s29], $0x1400  }
0x6b: {  	s21 =	sshra.s32 s3, $0x2;
	[sflag:s29] =	ssyncset.done $0x0  }
0x6c: {  	s3 =	sadd.s32 $0x2800, s21;
	[sflag:s29] =	ssyncadd.s32 $0xFFFFEC00  }
0x6d: {  	[spmem:s2] =	stream.indirect.scatter.add.f32 [tilespmem:s23], [sflag:$0x9], $0x40, s3, s14, $0xb8;
	[tilespmem:$0x1F220] =	vst v63  }
0x6e: {  	_ =	swait.ge [sflag:s30], $0x1400  }
0x6f: {  	[sflag:s30] =	ssyncset.done $0x0  }
0x70: {  	s3 =	sadd.s32 $0x190, s21;
	[sflag:s30] =	ssyncadd.s32 $0xFFFFEC00  }
0x71: {  	[tilespmem:s15], [sflag:$0x1] =	stream.indirect.gather [hbm4b:s4+s14], $0x40, s3, s14, $0xb8;
	[tilespmem:$0x1F220] =	vst v63  }
0x72: {  	_ =	swait.ge [sflag:s31], $0x1400  }
0x73: {  	[sflag:s31] =	ssyncset.done $0x0  }
0x74: {  	s3 =	sadd.s32 $0x2850, s21;
	[sflag:s31] =	ssyncadd.s32 $0xFFFFEC00  }
0x75: {  	[spmem:s2] =	stream.indirect.scatter.add.f32 [tilespmem:s28], [sflag:$0xA], $0x40, s3, s14, $0xb8;
	[tilespmem:$0x1F220] =	vst v63  }
0x76: {  	_ =	swait.ge [sflag:s0], $0x1400  }
0x77: {  	[sflag:s0] =	ssyncset.done $0x0  }
0x78: {  	s3 =	sadd.s32 $0x1E0, s21;
	[sflag:s0] =	ssyncadd.s32 $0xFFFFEC00  }
0x79: {  	[tilespmem:s16], [sflag:$0x2] =	stream.indirect.gather [hbm4b:s4+s14], $0x40, s3, s14, $0xb8;
	[tilespmem:$0x1F220] =	vst v63  }
0x7a: {  	_ =	swait.ge [sflag:s17], $0x1400  }
0x7b: {  	[sflag:s17] =	ssyncset.done $0x0  }
0x7c: {  	s3 =	sadd.s32 $0x28A0, s21;
	[sflag:s17] =	ssyncadd.s32 $0xFFFFEC00  }
0x7d: {  	[spmem:s2] =	stream.indirect.scatter.add.f32 [tilespmem:s15], [sflag:$0x6], $0x40, s3, s14, $0xb8;
	[tilespmem:$0x1F220] =	vst v63  }
0x7e: {  	_ =	swait.ge [sflag:s10], $0x1400  }
0x7f: {  	[sflag:s10] =	ssyncset.done $0x0  }
0x80: {  	s3 =	sadd.s32 $0x230, s21;
	[sflag:s10] =	ssyncadd.s32 $0xFFFFEC00  }
0x81: {  	[tilespmem:s19], [sflag:$0x3] =	stream.indirect.gather [hbm4b:s4+s14], $0x40, s3, s14, $0xb8;
	[tilespmem:$0x1F220] =	vst v63  }
0x82: {  	_ =	swait.ge [sflag:s20], $0x1400  }
0x83: {  	[sflag:s20] =	ssyncset.done $0x0  }
0x84: {  	s3 =	sadd.s32 $0x28F0, s21;
	[sflag:s20] =	ssyncadd.s32 $0xFFFFEC00  }
0x85: {  	[spmem:s2] =	stream.indirect.scatter.add.f32 [tilespmem:s16], [sflag:$0x7], $0x40, s3, s14, $0xb8;
	[tilespmem:$0x1F220] =	vst v63  }
0x86: {  	_ =	swait.ge [sflag:s1], $0x1400  }
0x87: {  	[sflag:s1] =	ssyncset.done $0x0  }
0x88: {  	s3 =	sadd.s32 $0x280, s21;
	[sflag:s1] =	ssyncadd.s32 $0xFFFFEC00  }
0x89: {  	[tilespmem:s23], [sflag:$0x4] =	stream.indirect.gather [hbm4b:s4+s14], $0x40, s3, s14, $0xb8;
	[tilespmem:$0x1F220] =	vst v63  }
0x8a: {  	_ =	swait.ge [sflag:s24], $0x1400  }
0x8b: {  	[sflag:s24] =	ssyncset.done $0x0  }
.Ltmp1:
0x8c: {  	s3 =	sadd.s32 $0x2940, s21;
	[sflag:s24] =	ssyncadd.s32 $0xFFFFEC00;
	(pc) =	sbr.rel @p0 .LBB2_4-.Ltmp1, $4  }
0x8d: {  	[spmem:s2] =	stream.indirect.scatter.add.f32 [tilespmem:s19], [sflag:$0x8], $0x40, s3, s14, $0xb8;
	[tilespmem:$0x1F220] =	vst v63  }
0x8e: {  	_ =	swait.ge [sflag:s18], $0x1400  }
0x8f: {  	[sflag:s18] =	ssyncset.done $0x0  }
0x90: {  	s21 =	sadd.s32 $0x2D0, s21;
	[sflag:s18] =	ssyncadd.s32 $0xFFFFEC00  }
0x91: {  	[tilespmem:s28], [sflag:$0x5] =	stream.indirect.gather [hbm4b:s4+s14], $0x40, s21, s14, $0xb8;
	[tilespmem:$0x1F220] =	vst v63  }
0x92: {  	_ =	swait.ge [sflag:s29], $0x1400  }
0x93: {  	[sflag:s29] =	ssyncset.done $0x0  }
0x94: {  	s3 =	simm.s32 $0x4D80;
	[sflag:s29] =	ssyncadd.s32 $0xFFFFEC00  }
0x95: {  	[spmem:s2] =	stream.indirect.scatter.add.f32 [tilespmem:s23], [sflag:$0x9], $0x40, s3, s14, $0xb8;
	[tilespmem:$0x1F220] =	vst v63  }
0x96: {  	_ =	swait.ge [sflag:s30], $0x1400  }
0x97: {  	[sflag:s30] =	ssyncset.done $0x0  }
0x98: {  	[sflag:s30] =	ssyncadd.s32 $0xFFFFEC00  }
0x99: {  	_ =	swait.ge [sflag:s31], $0x1400  }
0x9a: {  	[sflag:s31] =	ssyncset.done $0x0  }
0x9b: {  	s21 =	simm.s32 $0x4DD0;
	[sflag:s31] =	ssyncadd.s32 $0xFFFFEC00  }
0x9c: {  	[spmem:s2] =	stream.indirect.scatter.add.f32 [tilespmem:s28], [sflag:$0xA], $0x40, s21, s14, $0xb8;
	[tilespmem:$0x1F220] =	vst v63  }
0x9d: {  	_ =	swait.ge [sflag:s0], $0x1400  }
0x9e: {  	[sflag:s0] =	ssyncset.done $0x0  }
0x9f: {  	[sflag:s0] =	ssyncadd.s32 $0xFFFFEC00  }
0xa0: {  	_ =	swait.ge [sflag:s10], $0x1400  }
0xa1: {  	[sflag:s10] =	ssyncset.done $0x0  }
0xa2: {  	[sflag:s10] =	ssyncadd.s32 $0xFFFFEC00  }
0xa3: {  	_ =	swait.ge [sflag:s1], $0x1400  }
0xa4: {  	[sflag:s1] =	ssyncset.done $0x0  }
0xa5: {  	[sflag:s1] =	ssyncadd.s32 $0xFFFFEC00  }
0xa6: {  	s22 =	stileid.u32;
	_ =	swait.ge [sflag:s18], $0x1400  }
0xa7: {  	s26 =	sshrl.u32 s5, $0x3;
	s25 =	sadd.s32 $0x1, s25;
	[sflag:s18] =	ssyncset.done $0x0  }
0xa8: {  	p0 =	sne.s32 s25, s9;
	s3 =	sshll.u32 s22, $0x6;
	[sflag:s18] =	ssyncadd.s32 $0xFFFFEC00  }
.Ltmp2:
0xa9: {  	s3 =	sor.u32 $0x1C0C, s3;
	[bflag:$0x0] =	sbarrier.arrive $0xFFFF;
	(pc) =	sbr.rel @p0 .LBB2_1-.Ltmp2, $4  }
0xaa: {  	[hbm:s8], [sflag:s3] =	dma.local [spmem:s26], $0x1400  }
0xab: {  	_ =	swait.ge [sflag:s11], $0x1400  }
0xac: {  	[sflag:s11] =	ssyncset.done $0x0  }
0xad: {  	[sflag:s11] =	ssyncadd.s32 $0xFFFFEC00  }
0xae: {  	_ =	sfence.sel $0x180000  }
0xaf: {  	[bflag:$0x0] =	sbarrier.arrive $0xFFFF  }
0xb0: {  	_ =	strace $0x9000004D  }
0xb1: {  	s0 =	stileid.u32;
	[bflag:$0x2] =	sbarrier.arrive $0xFFFF  }
0xb2: {  	p0 =	sne.s32 s0, $0x0;
	s0 =	rddreg [dreg:$0x4]  }
0xb3: {  	s0 =	sadd.s32 @!p0 $0x100000, s0  }
0xb4: {  	[sflag:s0] =	ssyncadd.tile.s32 @!p0 $0x1;
	_ =	shalt  }
.Lfunc_end2:
_tile_overlayer_lowered:
.L_overlay_start_2:
0xb5: {  	(tag) =	ssettag $0x2  }
0xb6: {  	s0 =	rddreg [dreg:$0x0];
	s2 =	stileid.u32  }
0xb7: {  	s1 =	rddreg [dreg:$0x1];
	p0 =	sne.s32 s2, $0x0  }
0xb8: {  	s3 =	rddreg [dreg:$0x2];
	[bflag:$0x3] =	sbarrier.arrive $0xFFFF;
	s2 =	simm.s32 @!p0 $0x1C0C  }
0xb9: {  	[timem:s3], [sflag:s2] =	dma.local @!p0 [hbm:s0], s1  }
0xba: {  	s0 =	simm.s32 @!p0 $0xC  }
0xbb: {  	_ =	swait.ge @!p0 [sflag:s0], s1  }
0xbc: {  	s1 =	ssub.s32 @!p0 $0x0, s1;
	[sflag:s0] =	ssyncset.done @!p0 $0x0  }
0xbd: {  	[sflag:s0] =	ssyncadd.s32 @!p0 s1  }
0xbe: {  	[bflag:$0x3] =	sbarrier.arrive $0xFFFF  }
0xbf: {  	_ =	shalt  }

// kernel: kernel.8.cloned.1.call-start
scs
__scs_entry_jumppad:
0x0: {  	(pc) =	sbr.rel $0x88, $3  }
0x1: {  	(tag) =	ssettag $0x0;
	lr =	simm.s32 $0x1  }
0x2: {  	[smem:$0x3F99] =	sst lr;
	_ =	strace $0xD0000000  }
0x3: {  	_ = 	snop  }
0x4: {  	_ = 	snop  }
0x5: {  	_ = 	snop  }
0x6: {  	_ = 	snop  }
0x7: {  	_ = 	snop  }
__scs_overlays_trampoline_lowered:
0x8: {  	[smem:$0x3FA8] =	sst s0  }
0x9: {  	[smem:$0x3FA9] =	sst s1  }
0xa: {  	[smem:$0x3FAA] =	sst s2  }
0xb: {  	[smem:$0x3FAB] =	sst s3  }
0xc: {  	[smem:$0x3FAC] =	sst s4  }
0xd: {  	[smem:$0x3FAD] =	sst s5  }
0xe: {  	[smem:$0x3FAE] =	sst s6  }
0xf: {  	[smem:$0x3FAF] =	sst s7  }
0x10: {  	[smem:$0x3FB0] =	sst s8  }
0x11: {  	[smem:$0x3FB1] =	sst s9;
	s0 =	simm.s32 @!p0 $0x0  }
0x12: {  	s1 =	sld [smem:$0x3F97];
	s0 =	simm.s32 @p0 $0x1  }
0x13: {  	[smem:$0x3FB2] =	sst s0;
	s0 =	simm.s32 @!p1 $0x0  }
0x14: {  	s2 =	sld [smem:$0x3F96];
	s0 =	simm.s32 @p1 $0x1  }
0x15: {  	[smem:$0x3FB3] =	sst s0;
	s0 =	simm.s32 @!p2 $0x0  }
0x16: {  	s3 =	sld [smem:$0x3FDB];
	s0 =	simm.s32 @p2 $0x1  }
0x17: {  	s4 =	simm.s32 $0x1BF5;
	[smem:$0x3FB5] =	sst s0  }
0x18: {  	s0 =	sld [smem:$0x3F98];
	_ =	swait.ge [sflag:s4], $0x0  }
0x19: {  	s7 =	sld [smem:$0x3F99]  }
0x1a: {  	s8 =	sadd.s32 $0xFFFFE003, lr  }
0x1b: {  	s9 =	sadd.s32 $0xFFFFFEF7, lr;
	s5 =	simm.s32 $0xFFFFFFFF;
	p2 =	slt.u32 s8, $0xFFFFF086  }
0x1c: {  	p1 =	slt.u32 s9, $0xF7A;
	s5 =	simm.s32 @!p2 $0x0  }
0x1d: {  	s5 =	simm.s32 @p1 $0x1;
	p0 =	seq.s32 s7, s2  }
0x1e: {  	s7 =	smul.u32 @!p0 $0xF7A, s2;
	p2 =	seq.s32 @!p0 s5, $0x0  }
0x1f: {  	s9 =	smul.u32 $0xF7A, s1;
	s8 =	simm.s32 @!p0 $0x1BF5;
	p2 =	por !p2, p0  }
0x20: {  	[sflag:s8] =	ssyncset.s32 @!p0 $0xFFFFF086;
	s6 =	sadd.s32 @!p0 s3, s7;
	s7 =	simm.s32 @!p0 $0x108  }
0x21: {  	s3 =	sadd.s32 s3, s9;
	s6 =	sadd.s32 @!p0 $0x88, s6;
	s7 =	simm.s32 @p2 $0x1082  }
0x22: {  	[simem:s7], [sflag:s8] =	dma.local @!p0 [hbm:s6], $0xF7A  }
0x23: {  	s9 =	sor.u32 $0xD0000000, s2;
	s6 =	simm.s32 $0x108;
	_ =	swait.ge @!p0 [sflag:s8], $0x0  }
0x24: {  	s3 =	sadd.s32 $0x88, s3;
	s6 =	simm.s32 @!p1 $0x1082;
	[sflag:s4] =	ssyncset.s32 $0xFFFFF086  }
0x25: {  	[simem:s6], [sflag:s4] =	dma.local [hbm:s3], $0xF7A  }
0x26: {  	[smem:$0x3F99] =	sst s1;
	(tag) =	ssettag s2;
	_ =	strace s9  }
0x27: {  	s1 =	sld [smem:$0x3FA9]  }
0x28: {  	s2 =	sld [smem:$0x3FAA]  }
0x29: {  	s4 =	sld [smem:$0x3FAC]  }
0x2a: {  	p0 =	seq.s32 s5, $0x0;
	s5 =	sld [smem:$0x3FAD]  }
0x2b: {  	s6 =	sld [smem:$0x3FAE]  }
0x2c: {  	s7 =	sld [smem:$0x3FAF]  }
0x2d: {  	s3 =	simm.s32 $0x108;
	s8 =	sld [smem:$0x3FB0]  }
0x2e: {  	s3 =	simm.s32 @!p0 $0x1082;
	s9 =	sld [smem:$0x3FB1]  }
0x2f: {  	lr =	sadd.s32 s0, s3;
	s0 =	sld [smem:$0x3FA8]  }
0x30: {  	s3 =	sld [smem:$0x3FAB]  }
0x31: {  	[smem:$0x3FB4] =	sst s10  }
0x32: {  	s10 =	sld [smem:$0x3FB2];
	_ =	sdelay $0x3  }
0x33: {  	p0 =	seq.s32 s10, $0x1;
	s10 =	sld [smem:$0x3FB4];
	_ =	sdelay $0x3  }
0x34: {  	[smem:$0x3FB4] =	sst s10  }
0x35: {  	s10 =	sld [smem:$0x3FB3];
	_ =	sdelay $0x3  }
0x36: {  	p1 =	seq.s32 s10, $0x1;
	s10 =	sld [smem:$0x3FB4];
	_ =	sdelay $0x3  }
0x37: {  	[smem:$0x3FB4] =	sst s10  }
0x38: {  	s10 =	sld [smem:$0x3FB5]  }
0x39: {  	_ = 	snop;
	(pc) =	sbr.ind lr, $3  }
0x3a: {  	_ = 	snop  }
0x3b: {  	_ = 	snop  }
0x3c: {  	p2 =	seq.s32 s10, $0x1;
	s10 =	sld [smem:$0x3FB4]  }
0x3d: {  	_ =	shalt  }
0x3e: {  	_ =	shalt  }
0x3f: {  	_ =	shalt  }
0x40: {  	_ =	shalt  }
0x41: {  	_ =	shalt  }
0x42: {  	_ =	shalt  }
0x43: {  	_ =	shalt  }
0x44: {  	_ =	shalt  }
0x45: {  	_ =	shalt  }
0x46: {  	_ =	shalt  }
0x47: {  	_ =	shalt  }
0x48: {  	_ =	shalt  }
0x49: {  	_ =	shalt  }
0x4a: {  	_ =	shalt  }
0x4b: {  	_ =	shalt  }
0x4c: {  	_ =	shalt  }
0x4d: {  	_ =	shalt  }
0x4e: {  	_ =	shalt  }
0x4f: {  	_ =	shalt  }
0x50: {  	_ =	shalt  }
0x51: {  	_ =	shalt  }
0x52: {  	_ =	shalt  }
0x53: {  	_ =	shalt  }
0x54: {  	_ =	shalt  }
0x55: {  	_ =	shalt  }
0x56: {  	_ =	shalt  }
0x57: {  	_ =	shalt  }
0x58: {  	_ =	shalt  }
0x59: {  	_ =	shalt  }
0x5a: {  	_ =	shalt  }
0x5b: {  	_ =	shalt  }
0x5c: {  	_ =	shalt  }
0x5d: {  	_ =	shalt  }
0x5e: {  	_ =	shalt  }
0x5f: {  	_ =	shalt  }
0x60: {  	_ =	shalt  }
0x61: {  	_ =	shalt  }
0x62: {  	_ =	shalt  }
0x63: {  	_ =	shalt  }
0x64: {  	_ =	shalt  }
0x65: {  	_ =	shalt  }
0x66: {  	_ =	shalt  }
0x67: {  	_ =	shalt  }
0x68: {  	_ =	shalt  }
0x69: {  	_ =	shalt  }
0x6a: {  	_ =	shalt  }
0x6b: {  	_ =	shalt  }
0x6c: {  	_ =	shalt  }
0x6d: {  	_ =	shalt  }
0x6e: {  	_ =	shalt  }
0x6f: {  	_ =	shalt  }
0x70: {  	_ =	shalt  }
0x71: {  	_ =	shalt  }
0x72: {  	_ =	shalt  }
0x73: {  	_ =	shalt  }
0x74: {  	_ =	shalt  }
0x75: {  	_ =	shalt  }
0x76: {  	_ =	shalt  }
0x77: {  	_ =	shalt  }
0x78: {  	_ =	shalt  }
0x79: {  	_ =	shalt  }
0x7a: {  	_ =	shalt  }
0x7b: {  	_ =	shalt  }
0x7c: {  	_ =	shalt  }
0x7d: {  	_ =	shalt  }
0x7e: {  	_ =	shalt  }
0x7f: {  	_ =	shalt  }
0x80: {  	_ =	shalt  }
0x81: {  	_ =	shalt  }
0x82: {  	_ =	shalt  }
0x83: {  	_ =	shalt  }
0x84: {  	_ =	shalt  }
0x85: {  	_ =	shalt  }
0x86: {  	_ =	shalt  }
0x87: {  	_ =	shalt  }
.Lfunc_end0:
.L_simem_size_0:
called_computation_lowered:
.L_overlay_start_0:
0x88: {  	s2 =	sld [smem:$0x3FD9]  }
0x89: {  	s3 =	sld [smem:$0x3FFE];
	_ =	sdelay $0x1  }
0x8a: {  	s1 =	srdreg.scid  }
0x8b: {  	s0 =	sand.u32 $0x1, s1  }
0x8c: {  	s14 =	sshll.u32 s0, $0xA;
	s2 =	sadd.s32 s3, s2  }
0x8d: {  	s2 =	sadd.s32 s2, s14  }
0x8e: {  	[smem:$0x3FC0] =	sst s2  }
0x8f: {  	_ = 	snop  }
0x90: {  	s2 =	sld [smem:$0x3FD0];
	_ =	sdelay $0x2  }
0x91: {  	s15 =	simm.s32 $0xA;
	s4 =	simm.s32 $0x10  }
0x92: {  	[smem:s4], [sflag:s15] =	dma.local [hbm:s2], $0x1  }
0x93: {  	_ =	swait.eq [sflag:s15], $0x1  }
0x94: {  	[sflag:s15] =	ssyncset.done $0x0  }
0x95: {  	[sflag:s15] =	ssyncadd.s32 $0xFFFFFFFF  }
0x96: {  	s16 =	sld [smem:$0x10];
	(tm) =	ssettm $0x1  }
0x97: {  	s17 =	sld [smem:$0x3FFB];
	_ =	sdelay $0x3  }
0x98: {  	_ =	strace s17  }
0x99: {  	s3 =	sld [smem:$0x3FFC];
	_ =	sdelay $0x3  }
0x9a: {  	_ =	strace s3  }
0x9b: {  	s3 =	sld [smem:$0x3FFD];
	_ =	sdelay $0x3  }
0x9c: {  	_ =	strace s3  }
0x9d: {  	_ =	strace $0x8FFFFFFF  }
0x9e: {  	s18 =	sld [smem:$0x3FDB];
	_ =	sdelay $0x1  }
0x9f: {  	s19 =	simm.s32 $_scs_section_size  }
0xa0: {  	s5 =	simm.s32 $_size__tile_overlayer_lowered;
	s6 =	simm.s32 $_tile_overlayer_lowered  }
0xa1: {  	s22 =	simm.s32 $0x1BFF;
	s21 =	sshll.u32 s6, $0x1;
	s3 =	sadd.s32 s19, s18  }
0xa2: {  	s7 =	simm.s32 $0x0;
	s20 =	sshll.u32 s5, $0x1;
	s5 =	sadd.s32 s21, s3  }
0xa3: {  	[timem:s7], [sflag:s22] =	dma.local [hbm:s5], s20  }
0xa4: {  	_ =	swait.ge [sflag:s22], s20  }
0xa5: {  	s4 =	ssub.s32 $0x0, s20;
	[sflag:s22] =	ssyncset.done $0x0  }
0xa6: {  	[sflag:s22] =	ssyncadd.s32 s4;
	_ =	sdelay $0x1  }
0xa7: {  	s23 =	simm.s32 $0x1B8B  }
0xa8: {  	_ =	swait.ge [sflag:s23], $0x1  }
0xa9: {  	[sflag:s23] =	ssyncset.done $0x0  }
0xaa: {  	s25 =	simm.s32 $0x1B8E;
	s24 =	sld [smem:$0x3FFE];
	[sflag:s23] =	ssyncadd.s32 $0xFFFFFFFF  }
0xab: {  	s26 =	simm.s32 $execute0_lowered;
	[smem:$0x3FD2] =	sst s25  }
0xac: {  	s5 =	sshll.u32 s26, $0x1;
	_ =	strace $0x80000046;
	[dreg:$0x1] =	wrdreg $0xFFFFFFFF  }
0xad: {  	s28 =	simm.s32 $_size_execute0_lowered;
	s3 =	sadd.s32 s3, s5;
	[dreg:$0x0] =	wrdreg $0x0  }
0xae: {  	s5 =	sshll.u32 s28, $0x1;
	[dreg:$0x2] =	wrdreg s3  }
0xaf: {  	[dreg:$0x3] =	wrdreg s5  }
0xb0: {  	[dreg:$0x4] =	wrdreg $0xC0  }
0xb1: {  	_ =	task [dreg:s7], $0x5FFFF  }
0xb2: {  	[dreg:$0x1] =	wrdreg $0xFFFFFFFF  }
0xb3: {  	[dreg:$0x0] =	wrdreg $0x60  }
0xb4: {  	[dreg:$0x2] =	wrdreg s16  }
0xb5: {  	[dreg:$0x3] =	wrdreg s24  }
0xb6: {  	[dreg:$0x4] =	wrdreg $0x29E00  }
0xb7: {  	[dreg:$0x5] =	wrdreg $0x9  }
0xb8: {  	_ =	task.clear_ibuf [dreg:s7], $0x6FFFF;
	_ =	strace $0x90000046  }
0xb9: {  	s29 =	simm.s32 $0x9;
	_ =	strace $0x80000048  }
0xba: {  	_ =	swait.ge [sflag:s29], $0x1  }
0xbb: {  	[sflag:s29] =	ssyncadd.s32 $0xFFFFFFFF  }
0xbc: {  	_ =	strace $0x90000048  }
0xbd: {  	_ =	sfence  }
0xbe: {  	s30 =	sld [smem:$0x0];
	_ =	sdelay $0x2  }
0xbf: {  	s31 =	sshll.u32 s1, $0xD;
	s1 =	sshrl.u32 s1, $0x2  }
0xc0: {  	s3 =	sand.u32 $0x4000, s31;
	s1 =	sadd.s32 s1, s30  }
0xc1: {  	s0 =	sor.u32 s3, s0;
	s1 =	sshll.u32 s1, $0x11  }
0xc2: {  	s0 =	sor.u32 s1, s0  }
0xc3: {  	s0 =	sadd.s32 $0x8F2B, s0  }
0xc4: {  	[sflag:s0] =	ssyncadd.remote.s32 $0x1  }
0xc5: {  	_ =	sfence.sel $0xFFFF  }
0xc6: {  	[dreg:$0x0] =	wrdreg $0xFFFFFFFF;
	(pc) =	sbr.abs _section_cstart, $3  }
0xc7: {  	[dreg:$0x1] =	wrdreg $0xFFFFFFFF  }
0xc8: {  	_ =	task.clear_ibuf [dreg:s7], $0x2FFFF;
	_ =	strace $0x9FFFFFFF  }
0xc9: {  	(tm) =	ssettm $0x7FFFFFFF  }
tec
execute0_lowered:
.L_overlay_start_1:
0x0: {  	(tag) =	ssettag $0x1  }
0x1: {  	s5 =	rddreg [dreg:$0x0]  }
0x2: {  	s4 =	rddreg [dreg:$0x1]  }
0x3: {  	s2 =	rddreg [dreg:$0x2]  }
0x4: {  	s0 =	rddreg [dreg:$0x3]  }
0x5: {  	s6 =	srdreg.scid;
	s1 =	stileid.u32;
	s3 =	simm.s32 $0x0  }
0x6: {  	s11 =	simm.s32 $0x50;
	s12 =	simm.s32 $0x2710;
	s15 =	simm.s32 $0x0  }
0x7: {  	s6 =	sand.u32 $0x1, s6;
	s7 =	smul.u32 $0x280, s1;
	[smem:$0x7FF] =	sst s3  }
0x8: {  	s13 =	sshll.u32 s1, $0x6;
	s8 =	smul.u32 $0x2800, s6;
	s9 =	sshll.u32 s6, $0x4  }
0x9: {  	_ =	strace $0x80000047;
	s6 =	ssub.s32 $0x2, s6;
	s9 =	sor.u32 s1, s9  }
0xa: {  	s10 =	sshrl.u32 s6, $0x1;
	s8 =	sadd.s32 s7, s8;
	s9 =	smul.u32 $0x4E2, s9  }
0xb: {  	s13 =	sor.u32 $0x1C02, s13;
	s10 =	ssub.s32 s6, s10;
	s8 =	sshrl.u32 s8, $0x3  }
0xc: {  	s8 =	sadd.s32 s8, s4;
	s4 =	sadd.s32 s7, s2;
	s5 =	sadd.s32 s5, s9  }
0xd: {  	s7 =	smax.u32 s10, $0x1;
	s9 =	simm.s32 $0x2;
	s10 =	simm.s32 $0x1  }
0xe: {  	v0 =	vimm.f32 $0.0e+00;
	v1 =	vimm.f32 $1.000000000e+00;
	s6 =	sadd.s32 $0x2600, s8;
	s8 =	simm.s32 $0x2760;
	s14 =	sshrl.u32 s4, $0x3  }
.LBB2_1:
0xf: {  	[tilespmem:$0x2760] =	vst v0  }
0x10: {  	[tilespmem:$0x2770] =	vst v0  }
0x11: {  	[tilespmem:$0x2780] =	vst v0  }
0x12: {  	[tilespmem:$0x2790] =	vst v0  }
0x13: {  	[tilespmem:$0x27A0] =	vst v0  }
0x14: {  	[tilespmem:$0x27B0] =	vst v0  }
0x15: {  	[tilespmem:$0x27C0] =	vst v0  }
0x16: {  	[tilespmem:$0x27D0] =	vst v0  }
0x17: {  	[tilespmem:$0x27E0] =	vst v0  }
0x18: {  	[tilespmem:$0x27F0] =	vst v0  }
0x19: {  	[tilespmem:$0x2800] =	vst v0  }
0x1a: {  	[tilespmem:$0x2810] =	vst v0  }
0x1b: {  	[tilespmem:$0x2820] =	vst v0  }
0x1c: {  	[tilespmem:$0x2830] =	vst v0  }
0x1d: {  	[tilespmem:$0x2840] =	vst v0  }
0x1e: {  	[tilespmem:$0x2850] =	vst v0  }
0x1f: {  	[tilespmem:$0x2860] =	vst v0  }
0x20: {  	[tilespmem:$0x2870] =	vst v0  }
0x21: {  	[tilespmem:$0x2880] =	vst v0  }
0x22: {  	[tilespmem:$0x2890] =	vst v0  }
0x23: {  	[tilespmem:$0x28A0] =	vst v0  }
0x24: {  	[tilespmem:$0x28B0] =	vst v0  }
0x25: {  	[tilespmem:$0x28C0] =	vst v0  }
0x26: {  	[tilespmem:$0x28D0] =	vst v0  }
0x27: {  	[tilespmem:$0x28E0] =	vst v0  }
0x28: {  	[tilespmem:$0x28F0] =	vst v0  }
0x29: {  	[tilespmem:$0x2900] =	vst v0  }
0x2a: {  	[tilespmem:$0x2910] =	vst v0  }
0x2b: {  	[tilespmem:$0x2920] =	vst v0  }
0x2c: {  	[tilespmem:$0x2930] =	vst v0  }
0x2d: {  	[tilespmem:$0x2940] =	vst v0  }
0x2e: {  	[tilespmem:$0x2950] =	vst v0  }
0x2f: {  	[tilespmem:$0x2960] =	vst v0  }
0x30: {  	[tilespmem:$0x2970] =	vst v0  }
0x31: {  	[tilespmem:$0x2980] =	vst v0  }
0x32: {  	[tilespmem:$0x2990] =	vst v0  }
0x33: {  	[tilespmem:$0x29A0] =	vst v0  }
0x34: {  	[tilespmem:$0x29B0] =	vst v0  }
0x35: {  	[tilespmem:$0x29C0] =	vst v0  }
0x36: {  	[tilespmem:$0x29D0] =	vst v0  }
0x37: {  	[tilespmem:$0x2710] =	vst v1  }
0x38: {  	[tilespmem:$0x2720] =	vst v1  }
0x39: {  	[tilespmem:$0x2730] =	vst v1  }
0x3a: {  	[tilespmem:$0x2740] =	vst v1  }
0x3b: {  	[tilespmem:$0x2750] =	vst v1  }
0x3c: {  	[spmem:s4] =	stream.linear.scatter [tilespmem:s8], [sflag:$0x2], $0x280, $0x38;
	[tilespmem:$0x2C60] =	vst v63  }
0x3d: {  	_ =	swait.ge [sflag:s9], $0x280  }
0x3e: {  	[sflag:s9] =	ssyncset.done $0x0  }
0x3f: {  	[sflag:s9] =	ssyncadd.s32 $0xFFFFFD80  }
0x40: {  	[tilespmem:s3], [sflag:$0x1] =	stream.linear.gather [hbm4b:s5+s3], $0x2710, $0x38;
	[tilespmem:$0x2C60] =	vst v63  }
0x41: {  	_ =	swait.ge [sflag:s10], $0x2710  }
0x42: {  	[sflag:s10] =	ssyncset.done $0x0  }
0x43: {  	[sflag:s10] =	ssyncadd.s32 $0xFFFFD8F0  }
0x44: {  	s16 =	simm.s32 $0x0;
	[bflag:$0x0] =	sbarrier.arrive $0xFFFF  }
0x45: {  	[spmem:s2] =	stream.indirect.scatter.add.f32 [tilespmem:s12], [sflag:$0x1], $0x1, s16, s11, $0xb8;
	[tilespmem:$0x2C60] =	vst v63  }
0x46: {  	s21 =	simm.s32 $0x50  }
0x47: {  	[spmem:s2] =	stream.indirect.scatter.add.f32 [tilespmem:s12], [sflag:$0x1], $0x1, s21, s11, $0xb8;
	[tilespmem:$0x2C60] =	vst v63  }
0x48: {  	s22 =	simm.s32 $0xA0  }
0x49: {  	[spmem:s2] =	stream.indirect.scatter.add.f32 [tilespmem:s12], [sflag:$0x1], $0x1, s22, s11, $0xb8;
	[tilespmem:$0x2C60] =	vst v63  }
0x4a: {  	s23 =	simm.s32 $0xF0  }
0x4b: {  	[spmem:s2] =	stream.indirect.scatter.add.f32 [tilespmem:s12], [sflag:$0x1], $0x1, s23, s11, $0xb8;
	[tilespmem:$0x2C60] =	vst v63  }
0x4c: {  	s24 =	simm.s32 $0x140  }
0x4d: {  	[spmem:s2] =	stream.indirect.scatter.add.f32 [tilespmem:s12], [sflag:$0x1], $0x1, s24, s11, $0xb8;
	[tilespmem:$0x2C60] =	vst v63  }
0x4e: {  	s25 =	simm.s32 $0x190  }
0x4f: {  	[spmem:s2] =	stream.indirect.scatter.add.f32 [tilespmem:s12], [sflag:$0x1], $0x1, s25, s11, $0xb8;
	[tilespmem:$0x2C60] =	vst v63  }
0x50: {  	s26 =	simm.s32 $0x1E0  }
0x51: {  	[spmem:s2] =	stream.indirect.scatter.add.f32 [tilespmem:s12], [sflag:$0x1], $0x1, s26, s11, $0xb8;
	[tilespmem:$0x2C60] =	vst v63  }
0x52: {  	s28 =	simm.s32 $0x230  }
0x53: {  	[spmem:s2] =	stream.indirect.scatter.add.f32 [tilespmem:s12], [sflag:$0x1], $0x1, s28, s11, $0xb8;
	[tilespmem:$0x2C60] =	vst v63  }
0x54: {  	s29 =	simm.s32 $0x280  }
0x55: {  	[spmem:s2] =	stream.indirect.scatter.add.f32 [tilespmem:s12], [sflag:$0x1], $0x1, s29, s11, $0xb8;
	[tilespmem:$0x2C60] =	vst v63  }
0x56: {  	s30 =	simm.s32 $0x2D0  }
0x57: {  	[spmem:s2] =	stream.indirect.scatter.add.f32 [tilespmem:s12], [sflag:$0x1], $0x1, s30, s11, $0xb8;
	[tilespmem:$0x2C60] =	vst v63  }
0x58: {  	s31 =	simm.s32 $0x320  }
0x59: {  	[spmem:s2] =	stream.indirect.scatter.add.f32 [tilespmem:s12], [sflag:$0x1], $0x1, s31, s11, $0xb8;
	[tilespmem:$0x2C60] =	vst v63  }
0x5a: {  	s17 =	simm.s32 $0x370  }
0x5b: {  	[spmem:s2] =	stream.indirect.scatter.add.f32 [tilespmem:s12], [sflag:$0x1], $0x1, s17, s11, $0xb8;
	[tilespmem:$0x2C60] =	vst v63  }
0x5c: {  	s18 =	simm.s32 $0x3C0  }
0x5d: {  	[spmem:s2] =	stream.indirect.scatter.add.f32 [tilespmem:s12], [sflag:$0x1], $0x1, s18, s11, $0xb8;
	[tilespmem:$0x2C60] =	vst v63  }
0x5e: {  	s19 =	simm.s32 $0x410  }
0x5f: {  	[spmem:s2] =	stream.indirect.scatter.add.f32 [tilespmem:s12], [sflag:$0x1], $0x1, s19, s11, $0xb8;
	[tilespmem:$0x2C60] =	vst v63  }
0x60: {  	s20 =	simm.s32 $0x460  }
0x61: {  	[spmem:s2] =	stream.indirect.scatter.add.f32 [tilespmem:s12], [sflag:$0x1], $0x1, s20, s11, $0xb8;
	[tilespmem:$0x2C60] =	vst v63  }
0x62: {  	s21 =	simm.s32 $0x4B0  }
0x63: {  	[spmem:s2] =	stream.indirect.scatter.add.f32 [tilespmem:s12], [sflag:$0x1], $0x1, s21, s11, $0xb8;
	[tilespmem:$0x2C60] =	vst v63  }
0x64: {  	s22 =	simm.s32 $0x500  }
0x65: {  	[spmem:s2] =	stream.indirect.scatter.add.f32 [tilespmem:s12], [sflag:$0x1], $0x1, s22, s11, $0xb8;
	[tilespmem:$0x2C60] =	vst v63  }
0x66: {  	s23 =	simm.s32 $0x550  }
0x67: {  	[spmem:s2] =	stream.indirect.scatter.add.f32 [tilespmem:s12], [sflag:$0x1], $0x1, s23, s11, $0xb8;
	[tilespmem:$0x2C60] =	vst v63  }
0x68: {  	s24 =	simm.s32 $0x5A0  }
0x69: {  	[spmem:s2] =	stream.indirect.scatter.add.f32 [tilespmem:s12], [sflag:$0x1], $0x1, s24, s11, $0xb8;
	[tilespmem:$0x2C60] =	vst v63  }
0x6a: {  	s25 =	simm.s32 $0x5F0  }
0x6b: {  	[spmem:s2] =	stream.indirect.scatter.add.f32 [tilespmem:s12], [sflag:$0x1], $0x1, s25, s11, $0xb8;
	[tilespmem:$0x2C60] =	vst v63  }
0x6c: {  	s26 =	simm.s32 $0x640  }
0x6d: {  	[spmem:s2] =	stream.indirect.scatter.add.f32 [tilespmem:s12], [sflag:$0x1], $0x1, s26, s11, $0xb8;
	[tilespmem:$0x2C60] =	vst v63  }
0x6e: {  	s28 =	simm.s32 $0x690  }
0x6f: {  	[spmem:s2] =	stream.indirect.scatter.add.f32 [tilespmem:s12], [sflag:$0x1], $0x1, s28, s11, $0xb8;
	[tilespmem:$0x2C60] =	vst v63  }
0x70: {  	s29 =	simm.s32 $0x6E0  }
0x71: {  	[spmem:s2] =	stream.indirect.scatter.add.f32 [tilespmem:s12], [sflag:$0x1], $0x1, s29, s11, $0xb8;
	[tilespmem:$0x2C60] =	vst v63  }
0x72: {  	s30 =	simm.s32 $0x730  }
0x73: {  	[spmem:s2] =	stream.indirect.scatter.add.f32 [tilespmem:s12], [sflag:$0x1], $0x1, s30, s11, $0xb8;
	[tilespmem:$0x2C60] =	vst v63  }
0x74: {  	s31 =	simm.s32 $0x780  }
0x75: {  	[spmem:s2] =	stream.indirect.scatter.add.f32 [tilespmem:s12], [sflag:$0x1], $0x1, s31, s11, $0xb8;
	[tilespmem:$0x2C60] =	vst v63  }
0x76: {  	_ =	swait.ge [sflag:s10], $0x50  }
0x77: {  	[sflag:s10] =	ssyncset.done $0x0  }
0x78: {  	[sflag:s10] =	ssyncadd.s32 $0xFFFFFFB0  }
0x79: {  	_ =	swait.ge [sflag:s10], $0x50  }
0x7a: {  	[sflag:s10] =	ssyncset.done $0x0  }
0x7b: {  	[sflag:s10] =	ssyncadd.s32 $0xFFFFFFB0  }
0x7c: {  	_ =	swait.ge [sflag:s10], $0x50  }
0x7d: {  	[sflag:s10] =	ssyncset.done $0x0  }
0x7e: {  	[sflag:s10] =	ssyncadd.s32 $0xFFFFFFB0  }
0x7f: {  	_ =	swait.ge [sflag:s10], $0x50  }
0x80: {  	[sflag:s10] =	ssyncset.done $0x0  }
0x81: {  	[sflag:s10] =	ssyncadd.s32 $0xFFFFFFB0  }
0x82: {  	_ =	swait.ge [sflag:s10], $0x50  }
0x83: {  	[sflag:s10] =	ssyncset.done $0x0  }
0x84: {  	[sflag:s10] =	ssyncadd.s32 $0xFFFFFFB0  }
0x85: {  	_ =	swait.ge [sflag:s10], $0x50  }
0x86: {  	[sflag:s10] =	ssyncset.done $0x0  }
0x87: {  	[sflag:s10] =	ssyncadd.s32 $0xFFFFFFB0  }
0x88: {  	_ =	swait.ge [sflag:s10], $0x50  }
0x89: {  	[sflag:s10] =	ssyncset.done $0x0  }
0x8a: {  	[sflag:s10] =	ssyncadd.s32 $0xFFFFFFB0  }
0x8b: {  	_ =	swait.ge [sflag:s10], $0x50  }
0x8c: {  	[sflag:s10] =	ssyncset.done $0x0  }
0x8d: {  	[sflag:s10] =	ssyncadd.s32 $0xFFFFFFB0  }
0x8e: {  	_ =	swait.ge [sflag:s10], $0x50  }
0x8f: {  	[sflag:s10] =	ssyncset.done $0x0  }
0x90: {  	[sflag:s10] =	ssyncadd.s32 $0xFFFFFFB0  }
0x91: {  	_ =	swait.ge [sflag:s10], $0x50  }
0x92: {  	[sflag:s10] =	ssyncset.done $0x0  }
0x93: {  	[sflag:s10] =	ssyncadd.s32 $0xFFFFFFB0  }
0x94: {  	_ =	swait.ge [sflag:s10], $0x50  }
0x95: {  	[sflag:s10] =	ssyncset.done $0x0  }
0x96: {  	[sflag:s10] =	ssyncadd.s32 $0xFFFFFFB0  }
0x97: {  	_ =	swait.ge [sflag:s10], $0x50  }
0x98: {  	[sflag:s10] =	ssyncset.done $0x0  }
0x99: {  	[sflag:s10] =	ssyncadd.s32 $0xFFFFFFB0  }
0x9a: {  	_ =	swait.ge [sflag:s10], $0x50  }
0x9b: {  	[sflag:s10] =	ssyncset.done $0x0  }
0x9c: {  	[sflag:s10] =	ssyncadd.s32 $0xFFFFFFB0  }
0x9d: {  	_ =	swait.ge [sflag:s10], $0x50  }
0x9e: {  	[sflag:s10] =	ssyncset.done $0x0  }
0x9f: {  	[sflag:s10] =	ssyncadd.s32 $0xFFFFFFB0  }
0xa0: {  	_ =	swait.ge [sflag:s10], $0x50  }
0xa1: {  	[sflag:s10] =	ssyncset.done $0x0  }
0xa2: {  	[sflag:s10] =	ssyncadd.s32 $0xFFFFFFB0  }
0xa3: {  	_ =	swait.ge [sflag:s10], $0x50  }
0xa4: {  	[sflag:s10] =	ssyncset.done $0x0  }
0xa5: {  	[sflag:s10] =	ssyncadd.s32 $0xFFFFFFB0  }
0xa6: {  	_ =	swait.ge [sflag:s10], $0x50  }
0xa7: {  	[sflag:s10] =	ssyncset.done $0x0  }
0xa8: {  	[sflag:s10] =	ssyncadd.s32 $0xFFFFFFB0  }
0xa9: {  	_ =	swait.ge [sflag:s10], $0x50  }
0xaa: {  	[sflag:s10] =	ssyncset.done $0x0  }
0xab: {  	[sflag:s10] =	ssyncadd.s32 $0xFFFFFFB0  }
0xac: {  	_ =	swait.ge [sflag:s10], $0x50  }
0xad: {  	[sflag:s10] =	ssyncset.done $0x0  }
0xae: {  	[sflag:s10] =	ssyncadd.s32 $0xFFFFFFB0  }
0xaf: {  	_ =	swait.ge [sflag:s10], $0x50  }
0xb0: {  	[sflag:s10] =	ssyncset.done $0x0  }
0xb1: {  	[sflag:s10] =	ssyncadd.s32 $0xFFFFFFB0  }
0xb2: {  	_ =	swait.ge [sflag:s10], $0x50  }
0xb3: {  	[sflag:s10] =	ssyncset.done $0x0  }
0xb4: {  	[sflag:s10] =	ssyncadd.s32 $0xFFFFFFB0  }
0xb5: {  	_ =	swait.ge [sflag:s10], $0x50  }
0xb6: {  	[sflag:s10] =	ssyncset.done $0x0  }
0xb7: {  	[sflag:s10] =	ssyncadd.s32 $0xFFFFFFB0  }
0xb8: {  	_ =	swait.ge [sflag:s10], $0x50  }
0xb9: {  	[sflag:s10] =	ssyncset.done $0x0  }
0xba: {  	[sflag:s10] =	ssyncadd.s32 $0xFFFFFFB0  }
0xbb: {  	_ =	swait.ge [sflag:s10], $0x50  }
0xbc: {  	[sflag:s10] =	ssyncset.done $0x0  }
0xbd: {  	[sflag:s10] =	ssyncadd.s32 $0xFFFFFFB0  }
0xbe: {  	_ =	swait.ge [sflag:s10], $0x50  }
0xbf: {  	s16 =	simm.s32 $0x1F40;
	s19 =	simm.s32 $0x3E80;
	[sflag:s10] =	ssyncset.done $0x0  }
.LBB2_2:
0xc0: {  	s18 =	sshra.s32 s16, $0x2  }
0xc1: {  	[sflag:s10] =	ssyncadd.s32 $0xFFFFFFB0;
	s16 =	smov.u32 s19;
	s17 =	sadd.s32 $0x1F40, s19  }
0xc2: {  	[spmem:s2] =	stream.indirect.scatter.add.f32 [tilespmem:s12], [sflag:$0x1], $0x1, s18, s11, $0xb8;
	[tilespmem:$0x2C60] =	vst v63  }
0xc3: {  	p0 =	sne.s32 s19, $0x7D00;
	s19 =	sadd.s32 $0x50, s18  }
0xc4: {  	[spmem:s2] =	stream.indirect.scatter.add.f32 [tilespmem:s12], [sflag:$0x1], $0x1, s19, s11, $0xb8;
	[tilespmem:$0x2C60] =	vst v63  }
0xc5: {  	s19 =	sadd.s32 $0xA0, s18  }
0xc6: {  	[spmem:s2] =	stream.indirect.scatter.add.f32 [tilespmem:s12], [sflag:$0x1], $0x1, s19, s11, $0xb8;
	[tilespmem:$0x2C60] =	vst v63  }
0xc7: {  	s19 =	sadd.s32 $0xF0, s18  }
0xc8: {  	[spmem:s2] =	stream.indirect.scatter.add.f32 [tilespmem:s12], [sflag:$0x1], $0x1, s19, s11, $0xb8;
	[tilespmem:$0x2C60] =	vst v63  }
0xc9: {  	s19 =	sadd.s32 $0x140, s18  }
0xca: {  	[spmem:s2] =	stream.indirect.scatter.add.f32 [tilespmem:s12], [sflag:$0x1], $0x1, s19, s11, $0xb8;
	[tilespmem:$0x2C60] =	vst v63  }
0xcb: {  	s19 =	sadd.s32 $0x190, s18  }
0xcc: {  	[spmem:s2] =	stream.indirect.scatter.add.f32 [tilespmem:s12], [sflag:$0x1], $0x1, s19, s11, $0xb8;
	[tilespmem:$0x2C60] =	vst v63  }
0xcd: {  	s19 =	sadd.s32 $0x1E0, s18  }
0xce: {  	[spmem:s2] =	stream.indirect.scatter.add.f32 [tilespmem:s12], [sflag:$0x1], $0x1, s19, s11, $0xb8;
	[tilespmem:$0x2C60] =	vst v63  }
0xcf: {  	s19 =	sadd.s32 $0x230, s18  }
0xd0: {  	[spmem:s2] =	stream.indirect.scatter.add.f32 [tilespmem:s12], [sflag:$0x1], $0x1, s19, s11, $0xb8;
	[tilespmem:$0x2C60] =	vst v63  }
0xd1: {  	s19 =	sadd.s32 $0x280, s18  }
0xd2: {  	[spmem:s2] =	stream.indirect.scatter.add.f32 [tilespmem:s12], [sflag:$0x1], $0x1, s19, s11, $0xb8;
	[tilespmem:$0x2C60] =	vst v63  }
0xd3: {  	s19 =	sadd.s32 $0x2D0, s18  }
0xd4: {  	[spmem:s2] =	stream.indirect.scatter.add.f32 [tilespmem:s12], [sflag:$0x1], $0x1, s19, s11, $0xb8;
	[tilespmem:$0x2C60] =	vst v63  }
0xd5: {  	s19 =	sadd.s32 $0x320, s18  }
0xd6: {  	[spmem:s2] =	stream.indirect.scatter.add.f32 [tilespmem:s12], [sflag:$0x1], $0x1, s19, s11, $0xb8;
	[tilespmem:$0x2C60] =	vst v63  }
0xd7: {  	s19 =	sadd.s32 $0x370, s18  }
0xd8: {  	[spmem:s2] =	stream.indirect.scatter.add.f32 [tilespmem:s12], [sflag:$0x1], $0x1, s19, s11, $0xb8;
	[tilespmem:$0x2C60] =	vst v63  }
0xd9: {  	s19 =	sadd.s32 $0x3C0, s18  }
0xda: {  	[spmem:s2] =	stream.indirect.scatter.add.f32 [tilespmem:s12], [sflag:$0x1], $0x1, s19, s11, $0xb8;
	[tilespmem:$0x2C60] =	vst v63  }
0xdb: {  	s19 =	sadd.s32 $0x410, s18  }
0xdc: {  	[spmem:s2] =	stream.indirect.scatter.add.f32 [tilespmem:s12], [sflag:$0x1], $0x1, s19, s11, $0xb8;
	[tilespmem:$0x2C60] =	vst v63  }
0xdd: {  	s19 =	sadd.s32 $0x460, s18  }
0xde: {  	[spmem:s2] =	stream.indirect.scatter.add.f32 [tilespmem:s12], [sflag:$0x1], $0x1, s19, s11, $0xb8;
	[tilespmem:$0x2C60] =	vst v63  }
0xdf: {  	s19 =	sadd.s32 $0x4B0, s18  }
0xe0: {  	[spmem:s2] =	stream.indirect.scatter.add.f32 [tilespmem:s12], [sflag:$0x1], $0x1, s19, s11, $0xb8;
	[tilespmem:$0x2C60] =	vst v63  }
0xe1: {  	s19 =	sadd.s32 $0x500, s18  }
0xe2: {  	[spmem:s2] =	stream.indirect.scatter.add.f32 [tilespmem:s12], [sflag:$0x1], $0x1, s19, s11, $0xb8;
	[tilespmem:$0x2C60] =	vst v63  }
0xe3: {  	s19 =	sadd.s32 $0x550, s18  }
0xe4: {  	[spmem:s2] =	stream.indirect.scatter.add.f32 [tilespmem:s12], [sflag:$0x1], $0x1, s19, s11, $0xb8;
	[tilespmem:$0x2C60] =	vst v63  }
0xe5: {  	s19 =	sadd.s32 $0x5A0, s18  }
0xe6: {  	[spmem:s2] =	stream.indirect.scatter.add.f32 [tilespmem:s12], [sflag:$0x1], $0x1, s19, s11, $0xb8;
	[tilespmem:$0x2C60] =	vst v63  }
0xe7: {  	s19 =	sadd.s32 $0x5F0, s18  }
0xe8: {  	[spmem:s2] =	stream.indirect.scatter.add.f32 [tilespmem:s12], [sflag:$0x1], $0x1, s19, s11, $0xb8;
	[tilespmem:$0x2C60] =	vst v63  }
0xe9: {  	s19 =	sadd.s32 $0x640, s18  }
0xea: {  	[spmem:s2] =	stream.indirect.scatter.add.f32 [tilespmem:s12], [sflag:$0x1], $0x1, s19, s11, $0xb8;
	[tilespmem:$0x2C60] =	vst v63  }
0xeb: {  	s19 =	sadd.s32 $0x690, s18  }
0xec: {  	[spmem:s2] =	stream.indirect.scatter.add.f32 [tilespmem:s12], [sflag:$0x1], $0x1, s19, s11, $0xb8;
	[tilespmem:$0x2C60] =	vst v63  }
0xed: {  	s19 =	sadd.s32 $0x6E0, s18  }
0xee: {  	[spmem:s2] =	stream.indirect.scatter.add.f32 [tilespmem:s12], [sflag:$0x1], $0x1, s19, s11, $0xb8;
	[tilespmem:$0x2C60] =	vst v63  }
0xef: {  	s19 =	sadd.s32 $0x730, s18  }
0xf0: {  	[spmem:s2] =	stream.indirect.scatter.add.f32 [tilespmem:s12], [sflag:$0x1], $0x1, s19, s11, $0xb8;
	[tilespmem:$0x2C60] =	vst v63  }
0xf1: {  	s18 =	sadd.s32 $0x780, s18  }
0xf2: {  	[spmem:s2] =	stream.indirect.scatter.add.f32 [tilespmem:s12], [sflag:$0x1], $0x1, s18, s11, $0xb8;
	[tilespmem:$0x2C60] =	vst v63  }
0xf3: {  	_ =	swait.ge [sflag:s10], $0x50  }
0xf4: {  	[sflag:s10] =	ssyncset.done $0x0  }
0xf5: {  	[sflag:s10] =	ssyncadd.s32 $0xFFFFFFB0  }
0xf6: {  	_ =	swait.ge [sflag:s10], $0x50  }
0xf7: {  	[sflag:s10] =	ssyncset.done $0x0  }
0xf8: {  	[sflag:s10] =	ssyncadd.s32 $0xFFFFFFB0  }
0xf9: {  	_ =	swait.ge [sflag:s10], $0x50  }
0xfa: {  	[sflag:s10] =	ssyncset.done $0x0  }
0xfb: {  	[sflag:s10] =	ssyncadd.s32 $0xFFFFFFB0  }
0xfc: {  	_ =	swait.ge [sflag:s10], $0x50  }
0xfd: {  	[sflag:s10] =	ssyncset.done $0x0  }
0xfe: {  	[sflag:s10] =	ssyncadd.s32 $0xFFFFFFB0  }
0xff: {  	_ =	swait.ge [sflag:s10], $0x50  }
0x100: {  	[sflag:s10] =	ssyncset.done $0x0  }
0x101: {  	[sflag:s10] =	ssyncadd.s32 $0xFFFFFFB0  }
0x102: {  	_ =	swait.ge [sflag:s10], $0x50  }
0x103: {  	[sflag:s10] =	ssyncset.done $0x0  }
0x104: {  	[sflag:s10] =	ssyncadd.s32 $0xFFFFFFB0  }
0x105: {  	_ =	swait.ge [sflag:s10], $0x50  }
0x106: {  	[sflag:s10] =	ssyncset.done $0x0  }
0x107: {  	[sflag:s10] =	ssyncadd.s32 $0xFFFFFFB0  }
0x108: {  	_ =	swait.ge [sflag:s10], $0x50  }
0x109: {  	[sflag:s10] =	ssyncset.done $0x0  }
0x10a: {  	[sflag:s10] =	ssyncadd.s32 $0xFFFFFFB0  }
0x10b: {  	_ =	swait.ge [sflag:s10], $0x50  }
0x10c: {  	[sflag:s10] =	ssyncset.done $0x0  }
0x10d: {  	[sflag:s10] =	ssyncadd.s32 $0xFFFFFFB0  }
0x10e: {  	_ =	swait.ge [sflag:s10], $0x50  }
0x10f: {  	[sflag:s10] =	ssyncset.done $0x0  }
0x110: {  	[sflag:s10] =	ssyncadd.s32 $0xFFFFFFB0  }
0x111: {  	_ =	swait.ge [sflag:s10], $0x50  }
0x112: {  	[sflag:s10] =	ssyncset.done $0x0  }
0x113: {  	[sflag:s10] =	ssyncadd.s32 $0xFFFFFFB0  }
0x114: {  	_ =	swait.ge [sflag:s10], $0x50  }
0x115: {  	[sflag:s10] =	ssyncset.done $0x0  }
0x116: {  	[sflag:s10] =	ssyncadd.s32 $0xFFFFFFB0  }
0x117: {  	_ =	swait.ge [sflag:s10], $0x50  }
0x118: {  	[sflag:s10] =	ssyncset.done $0x0  }
0x119: {  	[sflag:s10] =	ssyncadd.s32 $0xFFFFFFB0  }
0x11a: {  	_ =	swait.ge [sflag:s10], $0x50  }
0x11b: {  	[sflag:s10] =	ssyncset.done $0x0  }
0x11c: {  	[sflag:s10] =	ssyncadd.s32 $0xFFFFFFB0  }
0x11d: {  	_ =	swait.ge [sflag:s10], $0x50  }
0x11e: {  	[sflag:s10] =	ssyncset.done $0x0  }
0x11f: {  	[sflag:s10] =	ssyncadd.s32 $0xFFFFFFB0  }
0x120: {  	_ =	swait.ge [sflag:s10], $0x50  }
0x121: {  	[sflag:s10] =	ssyncset.done $0x0  }
0x122: {  	[sflag:s10] =	ssyncadd.s32 $0xFFFFFFB0  }
0x123: {  	_ =	swait.ge [sflag:s10], $0x50  }
0x124: {  	[sflag:s10] =	ssyncset.done $0x0  }
0x125: {  	[sflag:s10] =	ssyncadd.s32 $0xFFFFFFB0  }
0x126: {  	_ =	swait.ge [sflag:s10], $0x50  }
0x127: {  	[sflag:s10] =	ssyncset.done $0x0  }
0x128: {  	[sflag:s10] =	ssyncadd.s32 $0xFFFFFFB0  }
0x129: {  	_ =	swait.ge [sflag:s10], $0x50  }
0x12a: {  	[sflag:s10] =	ssyncset.done $0x0  }
0x12b: {  	[sflag:s10] =	ssyncadd.s32 $0xFFFFFFB0  }
0x12c: {  	_ =	swait.ge [sflag:s10], $0x50  }
0x12d: {  	[sflag:s10] =	ssyncset.done $0x0  }
0x12e: {  	[sflag:s10] =	ssyncadd.s32 $0xFFFFFFB0  }
0x12f: {  	_ =	swait.ge [sflag:s10], $0x50  }
0x130: {  	[sflag:s10] =	ssyncset.done $0x0  }
0x131: {  	[sflag:s10] =	ssyncadd.s32 $0xFFFFFFB0  }
0x132: {  	_ =	swait.ge [sflag:s10], $0x50  }
0x133: {  	[sflag:s10] =	ssyncset.done $0x0  }
0x134: {  	[sflag:s10] =	ssyncadd.s32 $0xFFFFFFB0  }
0x135: {  	_ =	swait.ge [sflag:s10], $0x50  }
0x136: {  	[sflag:s10] =	ssyncset.done $0x0  }
0x137: {  	[sflag:s10] =	ssyncadd.s32 $0xFFFFFFB0  }
.Ltmp0:
0x138: {  	_ =	swait.ge [sflag:s10], $0x50;
	(pc) =	sbr.rel @p0 .LBB2_2-.Ltmp0, $4  }
0x139: {  	[sflag:s10] =	ssyncset.done $0x0  }
0x13a: {  	[sflag:s10] =	ssyncadd.s32 $0xFFFFFFB0  }
0x13b: {  	_ =	swait.ge [sflag:s10], $0x50  }
0x13c: {  	s19 =	smov.u32 s17;
	[sflag:s10] =	ssyncset.done $0x0  }
0x13d: {  	s16 =	sshra.s32 s16, $0x2;
	[sflag:s10] =	ssyncadd.s32 $0xFFFFFFB0  }
0x13e: {  	[spmem:s2] =	stream.indirect.scatter.add.f32 [tilespmem:s12], [sflag:$0x1], $0x1, s16, s11, $0xb8;
	[tilespmem:$0x2C60] =	vst v63  }
0x13f: {  	s17 =	sadd.s32 $0x50, s16  }
0x140: {  	[spmem:s2] =	stream.indirect.scatter.add.f32 [tilespmem:s12], [sflag:$0x1], $0x1, s17, s11, $0xb8;
	[tilespmem:$0x2C60] =	vst v63  }
0x141: {  	s22 =	sadd.s32 $0xA0, s16  }
0x142: {  	[spmem:s2] =	stream.indirect.scatter.add.f32 [tilespmem:s12], [sflag:$0x1], $0x1, s22, s11, $0xb8;
	[tilespmem:$0x2C60] =	vst v63  }
0x143: {  	s23 =	sadd.s32 $0xF0, s16  }
0x144: {  	[spmem:s2] =	stream.indirect.scatter.add.f32 [tilespmem:s12], [sflag:$0x1], $0x1, s23, s11, $0xb8;
	[tilespmem:$0x2C60] =	vst v63  }
0x145: {  	s24 =	sadd.s32 $0x140, s16  }
0x146: {  	[spmem:s2] =	stream.indirect.scatter.add.f32 [tilespmem:s12], [sflag:$0x1], $0x1, s24, s11, $0xb8;
	[tilespmem:$0x2C60] =	vst v63  }
0x147: {  	s25 =	sadd.s32 $0x190, s16  }
0x148: {  	[spmem:s2] =	stream.indirect.scatter.add.f32 [tilespmem:s12], [sflag:$0x1], $0x1, s25, s11, $0xb8;
	[tilespmem:$0x2C60] =	vst v63  }
0x149: {  	s26 =	sadd.s32 $0x1E0, s16  }
0x14a: {  	[spmem:s2] =	stream.indirect.scatter.add.f32 [tilespmem:s12], [sflag:$0x1], $0x1, s26, s11, $0xb8;
	[tilespmem:$0x2C60] =	vst v63  }
0x14b: {  	s28 =	sadd.s32 $0x230, s16  }
0x14c: {  	[spmem:s2] =	stream.indirect.scatter.add.f32 [tilespmem:s12], [sflag:$0x1], $0x1, s28, s11, $0xb8;
	[tilespmem:$0x2C60] =	vst v63  }
0x14d: {  	s29 =	sadd.s32 $0x280, s16  }
0x14e: {  	[spmem:s2] =	stream.indirect.scatter.add.f32 [tilespmem:s12], [sflag:$0x1], $0x1, s29, s11, $0xb8;
	[tilespmem:$0x2C60] =	vst v63  }
0x14f: {  	s30 =	sadd.s32 $0x2D0, s16  }
0x150: {  	[spmem:s2] =	stream.indirect.scatter.add.f32 [tilespmem:s12], [sflag:$0x1], $0x1, s30, s11, $0xb8;
	[tilespmem:$0x2C60] =	vst v63  }
0x151: {  	s31 =	sadd.s32 $0x320, s16  }
0x152: {  	[spmem:s2] =	stream.indirect.scatter.add.f32 [tilespmem:s12], [sflag:$0x1], $0x1, s31, s11, $0xb8;
	[tilespmem:$0x2C60] =	vst v63  }
0x153: {  	s18 =	sadd.s32 $0x370, s16  }
0x154: {  	[spmem:s2] =	stream.indirect.scatter.add.f32 [tilespmem:s12], [sflag:$0x1], $0x1, s18, s11, $0xb8;
	[tilespmem:$0x2C60] =	vst v63  }
0x155: {  	s19 =	sadd.s32 $0x3C0, s16  }
0x156: {  	[spmem:s2] =	stream.indirect.scatter.add.f32 [tilespmem:s12], [sflag:$0x1], $0x1, s19, s11, $0xb8;
	[tilespmem:$0x2C60] =	vst v63  }
0x157: {  	s20 =	sadd.s32 $0x410, s16  }
0x158: {  	[spmem:s2] =	stream.indirect.scatter.add.f32 [tilespmem:s12], [sflag:$0x1], $0x1, s20, s11, $0xb8;
	[tilespmem:$0x2C60] =	vst v63  }
0x159: {  	s21 =	sadd.s32 $0x460, s16  }
0x15a: {  	[spmem:s2] =	stream.indirect.scatter.add.f32 [tilespmem:s12], [sflag:$0x1], $0x1, s21, s11, $0xb8;
	[tilespmem:$0x2C60] =	vst v63  }
0x15b: {  	s22 =	sadd.s32 $0x4B0, s16  }
0x15c: {  	[spmem:s2] =	stream.indirect.scatter.add.f32 [tilespmem:s12], [sflag:$0x1], $0x1, s22, s11, $0xb8;
	[tilespmem:$0x2C60] =	vst v63  }
0x15d: {  	s23 =	sadd.s32 $0x500, s16  }
0x15e: {  	[spmem:s2] =	stream.indirect.scatter.add.f32 [tilespmem:s12], [sflag:$0x1], $0x1, s23, s11, $0xb8;
	[tilespmem:$0x2C60] =	vst v63  }
0x15f: {  	s24 =	sadd.s32 $0x550, s16  }
0x160: {  	[spmem:s2] =	stream.indirect.scatter.add.f32 [tilespmem:s12], [sflag:$0x1], $0x1, s24, s11, $0xb8;
	[tilespmem:$0x2C60] =	vst v63  }
0x161: {  	s25 =	sadd.s32 $0x5A0, s16  }
0x162: {  	[spmem:s2] =	stream.indirect.scatter.add.f32 [tilespmem:s12], [sflag:$0x1], $0x1, s25, s11, $0xb8;
	[tilespmem:$0x2C60] =	vst v63  }
0x163: {  	s26 =	sadd.s32 $0x5F0, s16  }
0x164: {  	[spmem:s2] =	stream.indirect.scatter.add.f32 [tilespmem:s12], [sflag:$0x1], $0x1, s26, s11, $0xb8;
	[tilespmem:$0x2C60] =	vst v63  }
0x165: {  	s28 =	sadd.s32 $0x640, s16  }
0x166: {  	[spmem:s2] =	stream.indirect.scatter.add.f32 [tilespmem:s12], [sflag:$0x1], $0x1, s28, s11, $0xb8;
	[tilespmem:$0x2C60] =	vst v63  }
0x167: {  	s29 =	sadd.s32 $0x690, s16  }
0x168: {  	[spmem:s2] =	stream.indirect.scatter.add.f32 [tilespmem:s12], [sflag:$0x1], $0x1, s29, s11, $0xb8;
	[tilespmem:$0x2C60] =	vst v63  }
0x169: {  	s30 =	sadd.s32 $0x6E0, s16  }
0x16a: {  	[spmem:s2] =	stream.indirect.scatter.add.f32 [tilespmem:s12], [sflag:$0x1], $0x1, s30, s11, $0xb8;
	[tilespmem:$0x2C60] =	vst v63  }
0x16b: {  	s31 =	sadd.s32 $0x730, s16  }
0x16c: {  	[spmem:s2] =	stream.indirect.scatter.add.f32 [tilespmem:s12], [sflag:$0x1], $0x1, s31, s11, $0xb8;
	[tilespmem:$0x2C60] =	vst v63  }
0x16d: {  	s16 =	sadd.s32 $0x780, s16  }
0x16e: {  	[spmem:s2] =	stream.indirect.scatter.add.f32 [tilespmem:s12], [sflag:$0x1], $0x1, s16, s11, $0xb8;
	[tilespmem:$0x2C60] =	vst v63  }
0x16f: {  	_ =	swait.ge [sflag:s10], $0x50  }
0x170: {  	[sflag:s10] =	ssyncset.done $0x0  }
0x171: {  	[sflag:s10] =	ssyncadd.s32 $0xFFFFFFB0  }
0x172: {  	_ =	swait.ge [sflag:s10], $0x50  }
0x173: {  	[sflag:s10] =	ssyncset.done $0x0  }
0x174: {  	[sflag:s10] =	ssyncadd.s32 $0xFFFFFFB0  }
0x175: {  	_ =	swait.ge [sflag:s10], $0x50  }
0x176: {  	[sflag:s10] =	ssyncset.done $0x0  }
0x177: {  	[sflag:s10] =	ssyncadd.s32 $0xFFFFFFB0  }
0x178: {  	_ =	swait.ge [sflag:s10], $0x50  }
0x179: {  	[sflag:s10] =	ssyncset.done $0x0  }
0x17a: {  	[sflag:s10] =	ssyncadd.s32 $0xFFFFFFB0  }
0x17b: {  	_ =	swait.ge [sflag:s10], $0x50  }
0x17c: {  	[sflag:s10] =	ssyncset.done $0x0  }
0x17d: {  	[sflag:s10] =	ssyncadd.s32 $0xFFFFFFB0  }
0x17e: {  	_ =	swait.ge [sflag:s10], $0x50  }
0x17f: {  	[sflag:s10] =	ssyncset.done $0x0  }
0x180: {  	[sflag:s10] =	ssyncadd.s32 $0xFFFFFFB0  }
0x181: {  	_ =	swait.ge [sflag:s10], $0x50  }
0x182: {  	[sflag:s10] =	ssyncset.done $0x0  }
0x183: {  	[sflag:s10] =	ssyncadd.s32 $0xFFFFFFB0  }
0x184: {  	_ =	swait.ge [sflag:s10], $0x50  }
0x185: {  	[sflag:s10] =	ssyncset.done $0x0  }
0x186: {  	[sflag:s10] =	ssyncadd.s32 $0xFFFFFFB0  }
0x187: {  	_ =	swait.ge [sflag:s10], $0x50  }
0x188: {  	[sflag:s10] =	ssyncset.done $0x0  }
0x189: {  	[sflag:s10] =	ssyncadd.s32 $0xFFFFFFB0  }
0x18a: {  	_ =	swait.ge [sflag:s10], $0x50  }
0x18b: {  	[sflag:s10] =	ssyncset.done $0x0  }
0x18c: {  	[sflag:s10] =	ssyncadd.s32 $0xFFFFFFB0  }
0x18d: {  	_ =	swait.ge [sflag:s10], $0x50  }
0x18e: {  	[sflag:s10] =	ssyncset.done $0x0  }
0x18f: {  	[sflag:s10] =	ssyncadd.s32 $0xFFFFFFB0  }
0x190: {  	_ =	swait.ge [sflag:s10], $0x50  }
0x191: {  	[sflag:s10] =	ssyncset.done $0x0  }
0x192: {  	[sflag:s10] =	ssyncadd.s32 $0xFFFFFFB0  }
0x193: {  	_ =	swait.ge [sflag:s10], $0x50  }
0x194: {  	[sflag:s10] =	ssyncset.done $0x0  }
0x195: {  	[sflag:s10] =	ssyncadd.s32 $0xFFFFFFB0  }
0x196: {  	_ =	swait.ge [sflag:s10], $0x50  }
0x197: {  	[sflag:s10] =	ssyncset.done $0x0  }
0x198: {  	[sflag:s10] =	ssyncadd.s32 $0xFFFFFFB0  }
0x199: {  	_ =	swait.ge [sflag:s10], $0x50  }
0x19a: {  	[sflag:s10] =	ssyncset.done $0x0  }
0x19b: {  	[sflag:s10] =	ssyncadd.s32 $0xFFFFFFB0  }
0x19c: {  	_ =	swait.ge [sflag:s10], $0x50  }
0x19d: {  	[sflag:s10] =	ssyncset.done $0x0  }
0x19e: {  	[sflag:s10] =	ssyncadd.s32 $0xFFFFFFB0  }
0x19f: {  	_ =	swait.ge [sflag:s10], $0x50  }
0x1a0: {  	[sflag:s10] =	ssyncset.done $0x0  }
0x1a1: {  	[sflag:s10] =	ssyncadd.s32 $0xFFFFFFB0  }
0x1a2: {  	_ =	swait.ge [sflag:s10], $0x50  }
0x1a3: {  	[sflag:s10] =	ssyncset.done $0x0  }
0x1a4: {  	[sflag:s10] =	ssyncadd.s32 $0xFFFFFFB0  }
0x1a5: {  	_ =	swait.ge [sflag:s10], $0x50  }
0x1a6: {  	[sflag:s10] =	ssyncset.done $0x0  }
0x1a7: {  	[sflag:s10] =	ssyncadd.s32 $0xFFFFFFB0  }
0x1a8: {  	_ =	swait.ge [sflag:s10], $0x50  }
0x1a9: {  	[sflag:s10] =	ssyncset.done $0x0  }
0x1aa: {  	[sflag:s10] =	ssyncadd.s32 $0xFFFFFFB0  }
0x1ab: {  	_ =	swait.ge [sflag:s10], $0x50  }
0x1ac: {  	[sflag:s10] =	ssyncset.done $0x0  }
0x1ad: {  	[sflag:s10] =	ssyncadd.s32 $0xFFFFFFB0  }
0x1ae: {  	_ =	swait.ge [sflag:s10], $0x50  }
0x1af: {  	[sflag:s10] =	ssyncset.done $0x0  }
0x1b0: {  	[sflag:s10] =	ssyncadd.s32 $0xFFFFFFB0  }
0x1b1: {  	_ =	swait.ge [sflag:s10], $0x50  }
0x1b2: {  	[sflag:s10] =	ssyncset.done $0x0  }
0x1b3: {  	[sflag:s10] =	ssyncadd.s32 $0xFFFFFFB0  }
0x1b4: {  	_ =	swait.ge [sflag:s10], $0x50  }
0x1b5: {  	[sflag:s10] =	ssyncset.done $0x0  }
0x1b6: {  	[sflag:s10] =	ssyncadd.s32 $0xFFFFFFB0  }
0x1b7: {  	_ =	swait.ge [sflag:s10], $0x50  }
0x1b8: {  	s15 =	sadd.s32 $0x1, s15;
	[sflag:s10] =	ssyncset.done $0x0  }
0x1b9: {  	p0 =	sne.s32 s15, s7;
	[sflag:s10] =	ssyncadd.s32 $0xFFFFFFB0  }
.Ltmp1:
0x1ba: {  	[bflag:$0x0] =	sbarrier.arrive $0xFFFF;
	(pc) =	sbr.rel @p0 .LBB2_1-.Ltmp1, $4  }
0x1bb: {  	[hbm:s6], [sflag:s13] =	dma.local [spmem:s14], $0x50  }
0x1bc: {  	_ =	swait.ge [sflag:s9], $0x50  }
0x1bd: {  	[sflag:s9] =	ssyncset.done $0x0  }
0x1be: {  	[sflag:s9] =	ssyncadd.s32 $0xFFFFFFB0  }
0x1bf: {  	_ =	sfence.sel $0x180000  }
0x1c0: {  	[bflag:$0x0] =	sbarrier.arrive $0xFFFF  }
0x1c1: {  	p0 =	sne.s32 s1, $0x0;
	_ =	strace $0x90000047  }
0x1c2: {  	s0 =	sadd.s32 @!p0 $0x100000, s0;
	[bflag:$0x2] =	sbarrier.arrive $0xFFFF  }
0x1c3: {  	[sflag:s0] =	ssyncadd.tile.s32 @!p0 $0x1;
	_ =	shalt  }
.Lfunc_end2:
_tile_overlayer_lowered:
.L_overlay_start_2:
0x1c4: {  	(tag) =	ssettag $0x2  }
0x1c5: {  	s0 =	rddreg [dreg:$0x0];
	s2 =	stileid.u32  }
0x1c6: {  	s1 =	rddreg [dreg:$0x1];
	p0 =	sne.s32 s2, $0x0  }
0x1c7: {  	s3 =	rddreg [dreg:$0x2];
	[bflag:$0x3] =	sbarrier.arrive $0xFFFF;
	s2 =	simm.s32 @!p0 $0x1C02  }
0x1c8: {  	[timem:s3], [sflag:s2] =	dma.local @!p0 [hbm:s0], s1  }
0x1c9: {  	s0 =	simm.s32 @!p0 $0x2  }
0x1ca: {  	_ =	swait.ge @!p0 [sflag:s0], s1  }
0x1cb: {  	s1 =	ssub.s32 @!p0 $0x0, s1;
	[sflag:s0] =	ssyncset.done @!p0 $0x0  }
0x1cc: {  	[sflag:s0] =	ssyncadd.s32 @!p0 s1  }
0x1cd: {  	[bflag:$0x3] =	sbarrier.arrive $0xFFFF  }
0x1ce: {  	_ =	shalt  }

</sc_bundles>
